<compile_context>
chip_gen: v7x
topology: tpu7x:2x2x1
jax: 0.10.2.dev20260603
libtpu: 0.0.44.dev20260713+nightly
codegen_flags: <defaults>
</compile_context>

<pallas_src>
import jax
import jax.numpy as jnp
from jax import lax
from jax.experimental import pallas as pl
from jax.experimental.pallas import tpu as pltpu
from jax.experimental.pallas import tpu_sc as plsc

N_NODES = 10000
N_PAD = 10240
N_EDGES = 320000
D = 128
NHALF = N_PAD // 2
ZROW = N_PAD - 1

NC = 2
NS = 16
CHUNK = 16
NCH = 660
EPT = NCH * CHUNK
E_PAD = EPT * NS
EPW = N_EDGES // (NC * NS)
CHUNKD = 80
NCHD = EPW // CHUNKD
RPT = N_PAD // NS
DEG_W = 16
RPH = NHALF // NS

_mesh = plsc.VectorSubcoreMesh(
    core_axis_name="c", subcore_axis_name="s", num_cores=NC, num_subcores=NS
)


def _init_and_drain(acc_sh, iota_hbm, ridx_v, rows_v, out_slices, sem,
                    base, total, width, phase):
    n_full = total // width
    offs = [k * width for k in range(n_full)]
    if total % width:
        offs.append(total - width)
    for off in offs:
        o = pl.multiple_of(base + off, 8)
        pltpu.sync_copy(iota_hbm.at[pl.ds(o, width)], ridx_v)
        if phase == 0:
            pltpu.async_copy(rows_v, acc_sh.at[ridx_v], sem).wait()
        else:
            pltpu.async_copy(acc_sh.at[ridx_v], rows_v, sem).wait()
            pltpu.sync_copy(rows_v, out_slices(o))


def _sc_scatter_body(hs_hbm, gidx_hbm, sidx_hbm, zeros_hbm, iota_hbm, out_hbm,
                     g0_v, g1_v, g2_v, s0_v, s1_v, s2_v,
                     rows0_v, rows1_v, rows2_v, ridx_v, acc_sh,
                     gsem0, gsem1, gsem2, ssem0, ssem1, ssem2,
                     igsem0, igsem1, igsem2, issem0, issem1, issem2):
    c = lax.axis_index("c")
    s = lax.axis_index("s")
    row0 = pl.multiple_of(s * RPH, 8)
    ebase = s * EPT
    gbase = c * E_PAD + ebase

    G = (g0_v, g1_v, g2_v)
    S = (s0_v, s1_v, s2_v)
    R = (rows0_v, rows1_v, rows2_v)
    GS = (gsem0, gsem1, gsem2)
    SS = (ssem0, ssem1, ssem2)
    IG = (igsem0, igsem1, igsem2)
    IS = (issem0, issem1, issem2)

    def goff(j):
        return pl.multiple_of(gbase + j * CHUNK, 8)

    def soff(j):
        return pl.multiple_of(gbase + j * CHUNK, 8)

    pltpu.sync_copy(zeros_hbm, rows0_v)
    _init_and_drain(acc_sh, iota_hbm, ridx_v, rows0_v, None, ssem0,
                    row0, RPH, CHUNK, 0)
    plsc.subcore_barrier()

    pltpu.async_copy(gidx_hbm.at[pl.ds(goff(0), CHUNK)], g0_v, igsem0)
    pltpu.async_copy(gidx_hbm.at[pl.ds(goff(1), CHUNK)], g1_v, igsem1)
    pltpu.async_copy(gidx_hbm.at[pl.ds(goff(2), CHUNK)], g2_v, igsem2)
    pltpu.async_copy(sidx_hbm.at[pl.ds(soff(0), CHUNK)], s0_v, issem0)
    pltpu.make_async_copy(gidx_hbm.at[pl.ds(goff(0), CHUNK)], g0_v, igsem0).wait()
    pltpu.async_copy(hs_hbm.at[g0_v], rows0_v, gsem0)

    def step(j, k, k2):
        @pl.when(jnp.logical_and(j >= 2, j + 1 < NCH))
        def _():
            pltpu.make_async_copy(
                R[k2], acc_sh.at[S[k2]], SS[k2]).wait()

        @pl.when(j + 1 < NCH)
        def _():
            pltpu.make_async_copy(
                gidx_hbm.at[pl.ds(goff(j + 1), CHUNK)], G[k2], IG[k2]).wait()
            pltpu.async_copy(sidx_hbm.at[pl.ds(soff(j + 1), CHUNK)], S[k2],
                             IS[k2])
            pltpu.async_copy(hs_hbm.at[G[k2]], R[k2], GS[k2])

        pltpu.make_async_copy(hs_hbm.at[G[k]], R[k], GS[k]).wait()
        pltpu.make_async_copy(sidx_hbm.at[pl.ds(soff(j), CHUNK)], S[k],
                              IS[k]).wait()
        pltpu.async_copy(R[k], acc_sh.at[S[k]], SS[k], add=True)

        @pl.when(j + 3 < NCH)
        def _():
            pltpu.async_copy(gidx_hbm.at[pl.ds(goff(j + 3), CHUNK)], G[k],
                             IG[k])

    def body(i, carry):
        j = 3 * i
        step(j, 0, 1)
        step(j + 1, 1, 2)
        step(j + 2, 2, 0)
        return carry

    lax.fori_loop(0, NCH // 3, body, 0)
    for j in (NCH - 3, NCH - 2, NCH - 1):
        k = j % 3
        pltpu.make_async_copy(R[k], acc_sh.at[S[k]], SS[k]).wait()
    plsc.subcore_barrier()

    _init_and_drain(acc_sh, iota_hbm, ridx_v, rows0_v,
                    lambda o: out_hbm.at[c, pl.ds(o, CHUNK)], ssem0,
                    row0, RPH, CHUNK, 1)


_sc_scatter = pl.kernel(
    _sc_scatter_body,
    out_type=jax.ShapeDtypeStruct((NC, NHALF, D), jnp.float32),
    mesh=_mesh,
    scratch_types=[
        pltpu.VMEM((CHUNK,), jnp.int32),
        pltpu.VMEM((CHUNK,), jnp.int32),
        pltpu.VMEM((CHUNK,), jnp.int32),
        pltpu.VMEM((CHUNK,), jnp.int32),
        pltpu.VMEM((CHUNK,), jnp.int32),
        pltpu.VMEM((CHUNK,), jnp.int32),
        pltpu.VMEM((CHUNK, D), jnp.float32),
        pltpu.VMEM((CHUNK, D), jnp.float32),
        pltpu.VMEM((CHUNK, D), jnp.float32),
        pltpu.VMEM((CHUNK,), jnp.int32),
        pltpu.VMEM_SHARED((NHALF, D), jnp.float32),
    ] + [pltpu.SemaphoreType.DMA] * 12,
    compiler_params=pltpu.CompilerParams(use_tc_tiling_on_sc=False),
)


BLK = 1280
GRID = N_PAD // BLK


def _dinv_of(deg_ref):
    return lax.rsqrt(deg_ref[0, :, 0:1] + 1.0)


def _row_mask(block_idx):
    base = block_idx * BLK
    rows = base + lax.broadcasted_iota(jnp.int32, (BLK, 1), 0)
    return rows < N_NODES


def _tc_first_body(x_ref, w_ref, deg_ref, out_ref):
    dinv = _dinv_of(deg_ref)
    h = jnp.dot(x_ref[...], w_ref[...], preferred_element_type=jnp.float32)
    out_ref[...] = h * dinv


def _tc_mid_body(p_ref, hs_ref, deg_ref, b_ref, w_ref, out_ref, plain_ref):
    dinv = _dinv_of(deg_ref)
    agg = p_ref[0] + hs_ref[...]
    plain = agg * dinv + b_ref[...]
    plain_ref[...] = plain
    xl = jnp.where(_row_mask(pl.program_id(0)), jnp.maximum(plain, 0.0), 0.0)
    h = jnp.dot(xl, w_ref[...], preferred_element_type=jnp.float32)
    out_ref[...] = h * dinv


_node_spec = pl.BlockSpec((BLK, D), lambda i: (i, 0))
_p_spec = pl.BlockSpec((1, BLK, D), lambda i: (i // (GRID // 2), i % (GRID // 2), 0))
_deg_spec = _p_spec
_w_spec = pl.BlockSpec((D, D), lambda i: (0, 0))
_b_spec = pl.BlockSpec((1, D), lambda i: (0, 0))
_full_shape = jax.ShapeDtypeStruct((N_PAD, D), jnp.float32)

_tc_first = pl.pallas_call(
    _tc_first_body,
    grid=(GRID,),
    in_specs=[_node_spec, _w_spec, _deg_spec],
    out_specs=_node_spec,
    out_shape=_full_shape,
)

_tc_mid = pl.pallas_call(
    _tc_mid_body,
    grid=(GRID,),
    in_specs=[_p_spec, _node_spec, _deg_spec, _b_spec, _w_spec],
    out_specs=[_node_spec, _node_spec],
    out_shape=[_full_shape, _full_shape],
)


def kernel(x, edge_index, W1, b1, W2, b2, W3, b3, W4, b4):
    src = edge_index[0].astype(jnp.int32)
    dst = edge_index[1].astype(jnp.int32)
    owner = (dst >= NHALF).astype(jnp.int32)
    perm = jnp.argsort(owner, stable=True)
    src0, dst0 = src[perm], dst[perm]
    src1, dst1 = src0[::-1], dst0[::-1]
    count0 = N_EDGES - jnp.sum(owner)
    count1 = N_EDGES - count0
    pos = jnp.arange(E_PAD, dtype=jnp.int32)
    own0 = pos < count0
    own1 = pos < count1
    gidx = jnp.concatenate([
        jnp.where(own0, src0[:E_PAD], ZROW),
        jnp.where(own1, src1[:E_PAD], ZROW),
    ])
    sidx = jnp.concatenate([
        jnp.where(own0, dst0[:E_PAD], 0),
        jnp.where(own1, dst1[:E_PAD] - NHALF, 0),
    ])
    x_pad = jnp.pad(x, ((0, N_PAD - N_NODES), (0, 0)))
    iota_n = jnp.arange(N_PAD, dtype=jnp.int32)
    zerosw = jnp.zeros((CHUNK, D), jnp.float32)
    ones_mat = jnp.pad(jnp.ones((N_NODES, D), jnp.float32),
                       ((0, N_PAD - N_NODES), (0, 0)))
    b_stack = jnp.stack([b1, b2, b3, b4]).reshape(4, 1, D)
    w_stack = jnp.stack([W2, W3, W4, W4])
    zdeg = jnp.zeros((NC, NHALF, D), jnp.float32)
    plain0 = jnp.zeros((N_PAD, D), jnp.float32)

    def layer(l, carry):
        hs, deg, _ = carry
        p = _sc_scatter(hs, gidx, sidx, zerosw, iota_n)

        def first(p, hs, deg):
            return _tc_first(x_pad, W1, p), p, plain0

        def mid(p, hs, deg):
            bl = lax.dynamic_index_in_dim(b_stack, l - 1, keepdims=False)
            wl = lax.dynamic_index_in_dim(w_stack, l - 1, keepdims=False)
            hs_next, plain = _tc_mid(p, hs, deg, bl, wl)
            return hs_next, deg, plain

        return lax.cond(l == 0, first, mid, p, hs, deg)

    _, _, out = lax.fori_loop(0, 5, layer, (ones_mat, zdeg, plain0))
    return out[:N_NODES]

# --- scband reference (transcript-rebuilt; emitter-appended) ---
"""Pipeline reference for scband-gnn-gcn-4-68616397521284 (READ-ONLY COPY).

The authoritative reference and input builder live on the scoring server;
editing this copy changes nothing except your own understanding.
"""

import jax, jax.numpy as jnp
import numpy as np

N_NODES = 10000
N_EDGES = 320000
D_IN = 128
D_HID = 128
D_OUT = 128


def glorot(key, shape):
    fan_in, fan_out = shape[0], shape[1]
    limit = np.sqrt(6.0 / (fan_in + fan_out))
    return jax.random.uniform(key, shape, jnp.float32, -limit, limit)


def setup_inputs(seed: int = 0) -> dict:
    key = jax.random.key(seed)
    ks = jax.random.split(key, 10)
    x = jax.random.normal(ks[0], (N_NODES, D_IN), dtype=jnp.float32)
    edge_index = jax.random.randint(ks[1], (2, N_EDGES), 0, N_NODES, dtype=jnp.int64)
    W1 = glorot(ks[2], (D_IN, D_HID)); b1 = jnp.zeros((D_HID,), jnp.float32)
    W2 = glorot(ks[3], (D_HID, D_HID)); b2 = jnp.zeros((D_HID,), jnp.float32)
    W3 = glorot(ks[4], (D_HID, D_HID)); b3 = jnp.zeros((D_HID,), jnp.float32)
    W4 = glorot(ks[5], (D_HID, D_OUT)); b4 = jnp.zeros((D_OUT,), jnp.float32)
    return {"x": x, "edge_index": edge_index, "W1": W1, "b1": b1, "W2": W2, "b2": b2, "W3": W3, "b3": b3, "W4": W4, "b4": b4}


def gcn_conv(x, edge_index, W, b):
    # PyG GCNConv: add self-loops, symmetric D^-1/2 (A+I) D^-1/2 normalization
    num_nodes = x.shape[0]
    h = x @ W
    loop = jnp.arange(num_nodes, dtype=edge_index.dtype)
    src = jnp.concatenate([edge_index[0], loop])
    dst = jnp.concatenate([edge_index[1], loop])
    deg = jnp.zeros((num_nodes,), x.dtype).at[dst].add(1.0)
    deg_inv_sqrt = jnp.where(deg > 0, 1.0 / jnp.sqrt(deg), 0.0)
    norm = deg_inv_sqrt[src] * deg_inv_sqrt[dst]
    msg = h[src] * norm[:, None]
    out = jax.ops.segment_sum(msg, dst, num_segments=num_nodes)
    return out + b


def reference(x, edge_index, W1, b1, W2, b2, W3, b3, W4, b4):
    h = gcn_conv(x, edge_index, W1, b1)
    h = jax.nn.relu(h)
    h = gcn_conv(h, edge_index, W2, b2)
    h = jax.nn.relu(h)
    h = gcn_conv(h, edge_index, W3, b3)
    h = jax.nn.relu(h)
    h = gcn_conv(h, edge_index, W4, b4)
    return h

if __name__ == "__main__":
    import jax
    _d = setup_inputs()
    print(jax.jit(kernel)(*tuple(_d.values())))

</pallas_src>

<mosaic_0001>
#map = affine_map<(d0, d1) -> (0, 0)>
#map1 = affine_map<(d0, d1) -> (0)>
#map2 = affine_map<(d0, d1) -> (0, 0, 0)>
module attributes {stable_mosaic.version = 14 : i64} {
  func.func @_sc_scatter_body(%arg0: i32, %arg1: i32, %arg2: memref<10240x128xf32, #tpu.memory_space<hbm>>, %arg3: memref<337920xi32, #tpu.memory_space<hbm>>, %arg4: memref<337920xi32, #tpu.memory_space<hbm>>, %arg5: memref<16x128xf32, #tpu.memory_space<hbm>>, %arg6: memref<10240xi32, #tpu.memory_space<hbm>>, %arg7: memref<2x5120x128xf32, #tpu.memory_space<hbm>>, %arg8: memref<16xi32, #tpu.memory_space<vmem>>, %arg9: memref<16xi32, #tpu.memory_space<vmem>>, %arg10: memref<16xi32, #tpu.memory_space<vmem>>, %arg11: memref<16xi32, #tpu.memory_space<vmem>>, %arg12: memref<16xi32, #tpu.memory_space<vmem>>, %arg13: memref<16xi32, #tpu.memory_space<vmem>>, %arg14: memref<16x128xf32, #tpu.memory_space<vmem>>, %arg15: memref<16x128xf32, #tpu.memory_space<vmem>>, %arg16: memref<16x128xf32, #tpu.memory_space<vmem>>, %arg17: memref<16xi32, #tpu.memory_space<vmem>>, %arg18: memref<5120x128xf32, #tpu.memory_space<vmem_shared>>, %arg19: memref<!tpu.dma_semaphore, #tpu.memory_space<semaphore_mem>>, %arg20: memref<!tpu.dma_semaphore, #tpu.memory_space<semaphore_mem>>, %arg21: memref<!tpu.dma_semaphore, #tpu.memory_space<semaphore_mem>>, %arg22: memref<!tpu.dma_semaphore, #tpu.memory_space<semaphore_mem>>, %arg23: memref<!tpu.dma_semaphore, #tpu.memory_space<semaphore_mem>>, %arg24: memref<!tpu.dma_semaphore, #tpu.memory_space<semaphore_mem>>, %arg25: memref<!tpu.dma_semaphore, #tpu.memory_space<semaphore_mem>>, %arg26: memref<!tpu.dma_semaphore, #tpu.memory_space<semaphore_mem>>, %arg27: memref<!tpu.dma_semaphore, #tpu.memory_space<semaphore_mem>>, %arg28: memref<!tpu.dma_semaphore, #tpu.memory_space<semaphore_mem>>, %arg29: memref<!tpu.dma_semaphore, #tpu.memory_space<semaphore_mem>>, %arg30: memref<!tpu.dma_semaphore, #tpu.memory_space<semaphore_mem>>) attributes {dimension_semantics = [#tpu.dimension_semantics<core_parallel>, #tpu.dimension_semantics<subcore_parallel>], iteration_bounds = array<i64: 2, 16>, scalar_prefetch = 0 : i64, scratch_operands = 23 : i64, tpu.core_type = #tpu.core_type<sc_vector_subcore>, window_params = [{transform_indices = #map}, {transform_indices = #map1}, {transform_indices = #map1}, {transform_indices = #map}, {transform_indices = #map1}, {transform_indices = #map2}]} {
    %mul3A = arith.constant 320 : i32
    %mul3A_0 = arith.muli %arg1, %mul3A : i32
    %multiple_of3A = tpu.assume_multiple %mul3A_0, 8 : i32
    %mul3A_1 = arith.constant 10560 : i32
    %mul3A_2 = arith.muli %arg1, %mul3A_1 : i32
    %mul3A_3 = arith.constant 168960 : i32
    %mul3A_4 = arith.muli %arg0, %mul3A_3 : i32
    %add3A = arith.addi %mul3A_4, %mul3A_2 : i32
    "tpu.region"() ({
      %run_scoped3A = tpu.sem_alloc : memref<!tpu.dma_semaphore, #tpu.memory_space<semaphore_mem>>
      tpu.enqueue_dma source(%arg5 : memref<16x128xf32, #tpu.memory_space<hbm>>) target(%arg14 : memref<16x128xf32, #tpu.memory_space<vmem>>) target_semaphore(%run_scoped3A : memref<!tpu.dma_semaphore, #tpu.memory_space<semaphore_mem>>)
      tpu.wait_dma2 semaphore(%run_scoped3A : memref<!tpu.dma_semaphore, #tpu.memory_space<semaphore_mem>>) src(%arg5 : memref<16x128xf32, #tpu.memory_space<hbm>>) dst(%arg14 : memref<16x128xf32, #tpu.memory_space<vmem>>)
      tpu.yield
    }) : () -> ()
    %add3A_5 = arith.constant 0 : i32
    %add3A_6 = arith.addi %multiple_of3A, %add3A_5 : i32
    %multiple_of3A_7 = tpu.assume_multiple %add3A_6, 8 : i32
    "tpu.region"() ({
      %run_scoped3A = tpu.sem_alloc : memref<!tpu.dma_semaphore, #tpu.memory_space<semaphore_mem>>
      %dma_start3A_406 = tpu.memref_slice %arg6[%multiple_of3A_7] : memref<10240xi32, #tpu.memory_space<hbm>> -> memref<16xi32, #tpu.memory_space<hbm>>
      %dma_start3A_407 = tpu.memref_slice %arg6[%multiple_of3A_7] : memref<10240xi32, #tpu.memory_space<hbm>> -> memref<16xi32, #tpu.memory_space<hbm>>
      tpu.enqueue_dma source(%dma_start3A_407 : memref<16xi32, #tpu.memory_space<hbm>>) target(%arg17 : memref<16xi32, #tpu.memory_space<vmem>>) target_semaphore(%run_scoped3A : memref<!tpu.dma_semaphore, #tpu.memory_space<semaphore_mem>>)
      %dma_wait3A_408 = tpu.memref_slice %arg6[%multiple_of3A_7] : memref<10240xi32, #tpu.memory_space<hbm>> -> memref<16xi32, #tpu.memory_space<hbm>>
      %dma_wait3A_409 = tpu.memref_slice %arg6[%multiple_of3A_7] : memref<10240xi32, #tpu.memory_space<hbm>> -> memref<16xi32, #tpu.memory_space<hbm>>
      tpu.wait_dma2 semaphore(%run_scoped3A : memref<!tpu.dma_semaphore, #tpu.memory_space<semaphore_mem>>) src(%dma_wait3A_409 : memref<16xi32, #tpu.memory_space<hbm>>) dst(%arg17 : memref<16xi32, #tpu.memory_space<vmem>>)
      tpu.yield
    }) : () -> ()
    %dma_start3A = arith.constant 0 : i32
    %dma_start3A_8 = arith.constant 0 : i32
    %dma_start3A_9 = tpu.memref_slice %arg18[%dma_start3A, %dma_start3A_8] : memref<5120x128xf32, #tpu.memory_space<vmem_shared>> -> memref<5120x128xf32, #tpu.memory_space<vmem_shared>>
    tpu.enqueue_indirect_dma source(%arg14 : memref<16x128xf32, #tpu.memory_space<vmem>>) target(%dma_start3A_9 : memref<5120x128xf32, #tpu.memory_space<vmem_shared>>) offsets(%arg17 : memref<16xi32, #tpu.memory_space<vmem>>) semaphore(%arg22 : memref<!tpu.dma_semaphore, #tpu.memory_space<semaphore_mem>>)
    %dma_wait3A = arith.constant 0 : i32
    %dma_wait3A_10 = arith.constant 0 : i32
    %dma_wait3A_11 = tpu.memref_slice %arg18[%dma_wait3A, %dma_wait3A_10] : memref<5120x128xf32, #tpu.memory_space<vmem_shared>> -> memref<5120x128xf32, #tpu.memory_space<vmem_shared>>
    tpu.wait_indirect_dma semaphore(%arg22 : memref<!tpu.dma_semaphore, #tpu.memory_space<semaphore_mem>>) src(%arg14 : memref<16x128xf32, #tpu.memory_space<vmem>>) dst(%dma_wait3A_11 : memref<5120x128xf32, #tpu.memory_space<vmem_shared>>)
    %add3A_12 = arith.constant 16 : i32
    %add3A_13 = arith.addi %multiple_of3A, %add3A_12 : i32
    %multiple_of3A_14 = tpu.assume_multiple %add3A_13, 8 : i32
    "tpu.region"() ({
      %run_scoped3A = tpu.sem_alloc : memref<!tpu.dma_semaphore, #tpu.memory_space<semaphore_mem>>
      %dma_start3A_406 = tpu.memref_slice %arg6[%multiple_of3A_14] : memref<10240xi32, #tpu.memory_space<hbm>> -> memref<16xi32, #tpu.memory_space<hbm>>
      %dma_start3A_407 = tpu.memref_slice %arg6[%multiple_of3A_14] : memref<10240xi32, #tpu.memory_space<hbm>> -> memref<16xi32, #tpu.memory_space<hbm>>
      tpu.enqueue_dma source(%dma_start3A_407 : memref<16xi32, #tpu.memory_space<hbm>>) target(%arg17 : memref<16xi32, #tpu.memory_space<vmem>>) target_semaphore(%run_scoped3A : memref<!tpu.dma_semaphore, #tpu.memory_space<semaphore_mem>>)
      %dma_wait3A_408 = tpu.memref_slice %arg6[%multiple_of3A_14] : memref<10240xi32, #tpu.memory_space<hbm>> -> memref<16xi32, #tpu.memory_space<hbm>>
      %dma_wait3A_409 = tpu.memref_slice %arg6[%multiple_of3A_14] : memref<10240xi32, #tpu.memory_space<hbm>> -> memref<16xi32, #tpu.memory_space<hbm>>
      tpu.wait_dma2 semaphore(%run_scoped3A : memref<!tpu.dma_semaphore, #tpu.memory_space<semaphore_mem>>) src(%dma_wait3A_409 : memref<16xi32, #tpu.memory_space<hbm>>) dst(%arg17 : memref<16xi32, #tpu.memory_space<vmem>>)
      tpu.yield
    }) : () -> ()
    %dma_start3A_15 = arith.constant 0 : i32
    %dma_start3A_16 = arith.constant 0 : i32
    %dma_start3A_17 = tpu.memref_slice %arg18[%dma_start3A_15, %dma_start3A_16] : memref<5120x128xf32, #tpu.memory_space<vmem_shared>> -> memref<5120x128xf32, #tpu.memory_space<vmem_shared>>
    tpu.enqueue_indirect_dma source(%arg14 : memref<16x128xf32, #tpu.memory_space<vmem>>) target(%dma_start3A_17 : memref<5120x128xf32, #tpu.memory_space<vmem_shared>>) offsets(%arg17 : memref<16xi32, #tpu.memory_space<vmem>>) semaphore(%arg22 : memref<!tpu.dma_semaphore, #tpu.memory_space<semaphore_mem>>)
    %dma_wait3A_18 = arith.constant 0 : i32
    %dma_wait3A_19 = arith.constant 0 : i32
    %dma_wait3A_20 = tpu.memref_slice %arg18[%dma_wait3A_18, %dma_wait3A_19] : memref<5120x128xf32, #tpu.memory_space<vmem_shared>> -> memref<5120x128xf32, #tpu.memory_space<vmem_shared>>
    tpu.wait_indirect_dma semaphore(%arg22 : memref<!tpu.dma_semaphore, #tpu.memory_space<semaphore_mem>>) src(%arg14 : memref<16x128xf32, #tpu.memory_space<vmem>>) dst(%dma_wait3A_20 : memref<5120x128xf32, #tpu.memory_space<vmem_shared>>)
    %add3A_21 = arith.constant 32 : i32
    %add3A_22 = arith.addi %multiple_of3A, %add3A_21 : i32
    %multiple_of3A_23 = tpu.assume_multiple %add3A_22, 8 : i32
    "tpu.region"() ({
      %run_scoped3A = tpu.sem_alloc : memref<!tpu.dma_semaphore, #tpu.memory_space<semaphore_mem>>
      %dma_start3A_406 = tpu.memref_slice %arg6[%multiple_of3A_23] : memref<10240xi32, #tpu.memory_space<hbm>> -> memref<16xi32, #tpu.memory_space<hbm>>
      %dma_start3A_407 = tpu.memref_slice %arg6[%multiple_of3A_23] : memref<10240xi32, #tpu.memory_space<hbm>> -> memref<16xi32, #tpu.memory_space<hbm>>
      tpu.enqueue_dma source(%dma_start3A_407 : memref<16xi32, #tpu.memory_space<hbm>>) target(%arg17 : memref<16xi32, #tpu.memory_space<vmem>>) target_semaphore(%run_scoped3A : memref<!tpu.dma_semaphore, #tpu.memory_space<semaphore_mem>>)
      %dma_wait3A_408 = tpu.memref_slice %arg6[%multiple_of3A_23] : memref<10240xi32, #tpu.memory_space<hbm>> -> memref<16xi32, #tpu.memory_space<hbm>>
      %dma_wait3A_409 = tpu.memref_slice %arg6[%multiple_of3A_23] : memref<10240xi32, #tpu.memory_space<hbm>> -> memref<16xi32, #tpu.memory_space<hbm>>
      tpu.wait_dma2 semaphore(%run_scoped3A : memref<!tpu.dma_semaphore, #tpu.memory_space<semaphore_mem>>) src(%dma_wait3A_409 : memref<16xi32, #tpu.memory_space<hbm>>) dst(%arg17 : memref<16xi32, #tpu.memory_space<vmem>>)
      tpu.yield
    }) : () -> ()
    %dma_start3A_24 = arith.constant 0 : i32
    %dma_start3A_25 = arith.constant 0 : i32
    %dma_start3A_26 = tpu.memref_slice %arg18[%dma_start3A_24, %dma_start3A_25] : memref<5120x128xf32, #tpu.memory_space<vmem_shared>> -> memref<5120x128xf32, #tpu.memory_space<vmem_shared>>
    tpu.enqueue_indirect_dma source(%arg14 : memref<16x128xf32, #tpu.memory_space<vmem>>) target(%dma_start3A_26 : memref<5120x128xf32, #tpu.memory_space<vmem_shared>>) offsets(%arg17 : memref<16xi32, #tpu.memory_space<vmem>>) semaphore(%arg22 : memref<!tpu.dma_semaphore, #tpu.memory_space<semaphore_mem>>)
    %dma_wait3A_27 = arith.constant 0 : i32
    %dma_wait3A_28 = arith.constant 0 : i32
    %dma_wait3A_29 = tpu.memref_slice %arg18[%dma_wait3A_27, %dma_wait3A_28] : memref<5120x128xf32, #tpu.memory_space<vmem_shared>> -> memref<5120x128xf32, #tpu.memory_space<vmem_shared>>
    tpu.wait_indirect_dma semaphore(%arg22 : memref<!tpu.dma_semaphore, #tpu.memory_space<semaphore_mem>>) src(%arg14 : memref<16x128xf32, #tpu.memory_space<vmem>>) dst(%dma_wait3A_29 : memref<5120x128xf32, #tpu.memory_space<vmem_shared>>)
    %add3A_30 = arith.constant 48 : i32
    %add3A_31 = arith.addi %multiple_of3A, %add3A_30 : i32
    %multiple_of3A_32 = tpu.assume_multiple %add3A_31, 8 : i32
    "tpu.region"() ({
      %run_scoped3A = tpu.sem_alloc : memref<!tpu.dma_semaphore, #tpu.memory_space<semaphore_mem>>
      %dma_start3A_406 = tpu.memref_slice %arg6[%multiple_of3A_32] : memref<10240xi32, #tpu.memory_space<hbm>> -> memref<16xi32, #tpu.memory_space<hbm>>
      %dma_start3A_407 = tpu.memref_slice %arg6[%multiple_of3A_32] : memref<10240xi32, #tpu.memory_space<hbm>> -> memref<16xi32, #tpu.memory_space<hbm>>
      tpu.enqueue_dma source(%dma_start3A_407 : memref<16xi32, #tpu.memory_space<hbm>>) target(%arg17 : memref<16xi32, #tpu.memory_space<vmem>>) target_semaphore(%run_scoped3A : memref<!tpu.dma_semaphore, #tpu.memory_space<semaphore_mem>>)
      %dma_wait3A_408 = tpu.memref_slice %arg6[%multiple_of3A_32] : memref<10240xi32, #tpu.memory_space<hbm>> -> memref<16xi32, #tpu.memory_space<hbm>>
      %dma_wait3A_409 = tpu.memref_slice %arg6[%multiple_of3A_32] : memref<10240xi32, #tpu.memory_space<hbm>> -> memref<16xi32, #tpu.memory_space<hbm>>
      tpu.wait_dma2 semaphore(%run_scoped3A : memref<!tpu.dma_semaphore, #tpu.memory_space<semaphore_mem>>) src(%dma_wait3A_409 : memref<16xi32, #tpu.memory_space<hbm>>) dst(%arg17 : memref<16xi32, #tpu.memory_space<vmem>>)
      tpu.yield
    }) : () -> ()
    %dma_start3A_33 = arith.constant 0 : i32
    %dma_start3A_34 = arith.constant 0 : i32
    %dma_start3A_35 = tpu.memref_slice %arg18[%dma_start3A_33, %dma_start3A_34] : memref<5120x128xf32, #tpu.memory_space<vmem_shared>> -> memref<5120x128xf32, #tpu.memory_space<vmem_shared>>
    tpu.enqueue_indirect_dma source(%arg14 : memref<16x128xf32, #tpu.memory_space<vmem>>) target(%dma_start3A_35 : memref<5120x128xf32, #tpu.memory_space<vmem_shared>>) offsets(%arg17 : memref<16xi32, #tpu.memory_space<vmem>>) semaphore(%arg22 : memref<!tpu.dma_semaphore, #tpu.memory_space<semaphore_mem>>)
    %dma_wait3A_36 = arith.constant 0 : i32
    %dma_wait3A_37 = arith.constant 0 : i32
    %dma_wait3A_38 = tpu.memref_slice %arg18[%dma_wait3A_36, %dma_wait3A_37] : memref<5120x128xf32, #tpu.memory_space<vmem_shared>> -> memref<5120x128xf32, #tpu.memory_space<vmem_shared>>
    tpu.wait_indirect_dma semaphore(%arg22 : memref<!tpu.dma_semaphore, #tpu.memory_space<semaphore_mem>>) src(%arg14 : memref<16x128xf32, #tpu.memory_space<vmem>>) dst(%dma_wait3A_38 : memref<5120x128xf32, #tpu.memory_space<vmem_shared>>)
    %add3A_39 = arith.constant 64 : i32
    %add3A_40 = arith.addi %multiple_of3A, %add3A_39 : i32
    %multiple_of3A_41 = tpu.assume_multiple %add3A_40, 8 : i32
    "tpu.region"() ({
      %run_scoped3A = tpu.sem_alloc : memref<!tpu.dma_semaphore, #tpu.memory_space<semaphore_mem>>
      %dma_start3A_406 = tpu.memref_slice %arg6[%multiple_of3A_41] : memref<10240xi32, #tpu.memory_space<hbm>> -> memref<16xi32, #tpu.memory_space<hbm>>
      %dma_start3A_407 = tpu.memref_slice %arg6[%multiple_of3A_41] : memref<10240xi32, #tpu.memory_space<hbm>> -> memref<16xi32, #tpu.memory_space<hbm>>
      tpu.enqueue_dma source(%dma_start3A_407 : memref<16xi32, #tpu.memory_space<hbm>>) target(%arg17 : memref<16xi32, #tpu.memory_space<vmem>>) target_semaphore(%run_scoped3A : memref<!tpu.dma_semaphore, #tpu.memory_space<semaphore_mem>>)
      %dma_wait3A_408 = tpu.memref_slice %arg6[%multiple_of3A_41] : memref<10240xi32, #tpu.memory_space<hbm>> -> memref<16xi32, #tpu.memory_space<hbm>>
      %dma_wait3A_409 = tpu.memref_slice %arg6[%multiple_of3A_41] : memref<10240xi32, #tpu.memory_space<hbm>> -> memref<16xi32, #tpu.memory_space<hbm>>
      tpu.wait_dma2 semaphore(%run_scoped3A : memref<!tpu.dma_semaphore, #tpu.memory_space<semaphore_mem>>) src(%dma_wait3A_409 : memref<16xi32, #tpu.memory_space<hbm>>) dst(%arg17 : memref<16xi32, #tpu.memory_space<vmem>>)
      tpu.yield
    }) : () -> ()
    %dma_start3A_42 = arith.constant 0 : i32
    %dma_start3A_43 = arith.constant 0 : i32
    %dma_start3A_44 = tpu.memref_slice %arg18[%dma_start3A_42, %dma_start3A_43] : memref<5120x128xf32, #tpu.memory_space<vmem_shared>> -> memref<5120x128xf32, #tpu.memory_space<vmem_shared>>
    tpu.enqueue_indirect_dma source(%arg14 : memref<16x128xf32, #tpu.memory_space<vmem>>) target(%dma_start3A_44 : memref<5120x128xf32, #tpu.memory_space<vmem_shared>>) offsets(%arg17 : memref<16xi32, #tpu.memory_space<vmem>>) semaphore(%arg22 : memref<!tpu.dma_semaphore, #tpu.memory_space<semaphore_mem>>)
    %dma_wait3A_45 = arith.constant 0 : i32
    %dma_wait3A_46 = arith.constant 0 : i32
    %dma_wait3A_47 = tpu.memref_slice %arg18[%dma_wait3A_45, %dma_wait3A_46] : memref<5120x128xf32, #tpu.memory_space<vmem_shared>> -> memref<5120x128xf32, #tpu.memory_space<vmem_shared>>
    tpu.wait_indirect_dma semaphore(%arg22 : memref<!tpu.dma_semaphore, #tpu.memory_space<semaphore_mem>>) src(%arg14 : memref<16x128xf32, #tpu.memory_space<vmem>>) dst(%dma_wait3A_47 : memref<5120x128xf32, #tpu.memory_space<vmem_shared>>)
    %add3A_48 = arith.constant 80 : i32
    %add3A_49 = arith.addi %multiple_of3A, %add3A_48 : i32
    %multiple_of3A_50 = tpu.assume_multiple %add3A_49, 8 : i32
    "tpu.region"() ({
      %run_scoped3A = tpu.sem_alloc : memref<!tpu.dma_semaphore, #tpu.memory_space<semaphore_mem>>
      %dma_start3A_406 = tpu.memref_slice %arg6[%multiple_of3A_50] : memref<10240xi32, #tpu.memory_space<hbm>> -> memref<16xi32, #tpu.memory_space<hbm>>
      %dma_start3A_407 = tpu.memref_slice %arg6[%multiple_of3A_50] : memref<10240xi32, #tpu.memory_space<hbm>> -> memref<16xi32, #tpu.memory_space<hbm>>
      tpu.enqueue_dma source(%dma_start3A_407 : memref<16xi32, #tpu.memory_space<hbm>>) target(%arg17 : memref<16xi32, #tpu.memory_space<vmem>>) target_semaphore(%run_scoped3A : memref<!tpu.dma_semaphore, #tpu.memory_space<semaphore_mem>>)
      %dma_wait3A_408 = tpu.memref_slice %arg6[%multiple_of3A_50] : memref<10240xi32, #tpu.memory_space<hbm>> -> memref<16xi32, #tpu.memory_space<hbm>>
      %dma_wait3A_409 = tpu.memref_slice %arg6[%multiple_of3A_50] : memref<10240xi32, #tpu.memory_space<hbm>> -> memref<16xi32, #tpu.memory_space<hbm>>
      tpu.wait_dma2 semaphore(%run_scoped3A : memref<!tpu.dma_semaphore, #tpu.memory_space<semaphore_mem>>) src(%dma_wait3A_409 : memref<16xi32, #tpu.memory_space<hbm>>) dst(%arg17 : memref<16xi32, #tpu.memory_space<vmem>>)
      tpu.yield
    }) : () -> ()
    %dma_start3A_51 = arith.constant 0 : i32
    %dma_start3A_52 = arith.constant 0 : i32
    %dma_start3A_53 = tpu.memref_slice %arg18[%dma_start3A_51, %dma_start3A_52] : memref<5120x128xf32, #tpu.memory_space<vmem_shared>> -> memref<5120x128xf32, #tpu.memory_space<vmem_shared>>
    tpu.enqueue_indirect_dma source(%arg14 : memref<16x128xf32, #tpu.memory_space<vmem>>) target(%dma_start3A_53 : memref<5120x128xf32, #tpu.memory_space<vmem_shared>>) offsets(%arg17 : memref<16xi32, #tpu.memory_space<vmem>>) semaphore(%arg22 : memref<!tpu.dma_semaphore, #tpu.memory_space<semaphore_mem>>)
    %dma_wait3A_54 = arith.constant 0 : i32
    %dma_wait3A_55 = arith.constant 0 : i32
    %dma_wait3A_56 = tpu.memref_slice %arg18[%dma_wait3A_54, %dma_wait3A_55] : memref<5120x128xf32, #tpu.memory_space<vmem_shared>> -> memref<5120x128xf32, #tpu.memory_space<vmem_shared>>
    tpu.wait_indirect_dma semaphore(%arg22 : memref<!tpu.dma_semaphore, #tpu.memory_space<semaphore_mem>>) src(%arg14 : memref<16x128xf32, #tpu.memory_space<vmem>>) dst(%dma_wait3A_56 : memref<5120x128xf32, #tpu.memory_space<vmem_shared>>)
    %add3A_57 = arith.constant 96 : i32
    %add3A_58 = arith.addi %multiple_of3A, %add3A_57 : i32
    %multiple_of3A_59 = tpu.assume_multiple %add3A_58, 8 : i32
    "tpu.region"() ({
      %run_scoped3A = tpu.sem_alloc : memref<!tpu.dma_semaphore, #tpu.memory_space<semaphore_mem>>
      %dma_start3A_406 = tpu.memref_slice %arg6[%multiple_of3A_59] : memref<10240xi32, #tpu.memory_space<hbm>> -> memref<16xi32, #tpu.memory_space<hbm>>
      %dma_start3A_407 = tpu.memref_slice %arg6[%multiple_of3A_59] : memref<10240xi32, #tpu.memory_space<hbm>> -> memref<16xi32, #tpu.memory_space<hbm>>
      tpu.enqueue_dma source(%dma_start3A_407 : memref<16xi32, #tpu.memory_space<hbm>>) target(%arg17 : memref<16xi32, #tpu.memory_space<vmem>>) target_semaphore(%run_scoped3A : memref<!tpu.dma_semaphore, #tpu.memory_space<semaphore_mem>>)
      %dma_wait3A_408 = tpu.memref_slice %arg6[%multiple_of3A_59] : memref<10240xi32, #tpu.memory_space<hbm>> -> memref<16xi32, #tpu.memory_space<hbm>>
      %dma_wait3A_409 = tpu.memref_slice %arg6[%multiple_of3A_59] : memref<10240xi32, #tpu.memory_space<hbm>> -> memref<16xi32, #tpu.memory_space<hbm>>
      tpu.wait_dma2 semaphore(%run_scoped3A : memref<!tpu.dma_semaphore, #tpu.memory_space<semaphore_mem>>) src(%dma_wait3A_409 : memref<16xi32, #tpu.memory_space<hbm>>) dst(%arg17 : memref<16xi32, #tpu.memory_space<vmem>>)
      tpu.yield
    }) : () -> ()
    %dma_start3A_60 = arith.constant 0 : i32
    %dma_start3A_61 = arith.constant 0 : i32
    %dma_start3A_62 = tpu.memref_slice %arg18[%dma_start3A_60, %dma_start3A_61] : memref<5120x128xf32, #tpu.memory_space<vmem_shared>> -> memref<5120x128xf32, #tpu.memory_space<vmem_shared>>
    tpu.enqueue_indirect_dma source(%arg14 : memref<16x128xf32, #tpu.memory_space<vmem>>) target(%dma_start3A_62 : memref<5120x128xf32, #tpu.memory_space<vmem_shared>>) offsets(%arg17 : memref<16xi32, #tpu.memory_space<vmem>>) semaphore(%arg22 : memref<!tpu.dma_semaphore, #tpu.memory_space<semaphore_mem>>)
    %dma_wait3A_63 = arith.constant 0 : i32
    %dma_wait3A_64 = arith.constant 0 : i32
    %dma_wait3A_65 = tpu.memref_slice %arg18[%dma_wait3A_63, %dma_wait3A_64] : memref<5120x128xf32, #tpu.memory_space<vmem_shared>> -> memref<5120x128xf32, #tpu.memory_space<vmem_shared>>
    tpu.wait_indirect_dma semaphore(%arg22 : memref<!tpu.dma_semaphore, #tpu.memory_space<semaphore_mem>>) src(%arg14 : memref<16x128xf32, #tpu.memory_space<vmem>>) dst(%dma_wait3A_65 : memref<5120x128xf32, #tpu.memory_space<vmem_shared>>)
    %add3A_66 = arith.constant 112 : i32
    %add3A_67 = arith.addi %multiple_of3A, %add3A_66 : i32
    %multiple_of3A_68 = tpu.assume_multiple %add3A_67, 8 : i32
    "tpu.region"() ({
      %run_scoped3A = tpu.sem_alloc : memref<!tpu.dma_semaphore, #tpu.memory_space<semaphore_mem>>
      %dma_start3A_406 = tpu.memref_slice %arg6[%multiple_of3A_68] : memref<10240xi32, #tpu.memory_space<hbm>> -> memref<16xi32, #tpu.memory_space<hbm>>
      %dma_start3A_407 = tpu.memref_slice %arg6[%multiple_of3A_68] : memref<10240xi32, #tpu.memory_space<hbm>> -> memref<16xi32, #tpu.memory_space<hbm>>
      tpu.enqueue_dma source(%dma_start3A_407 : memref<16xi32, #tpu.memory_space<hbm>>) target(%arg17 : memref<16xi32, #tpu.memory_space<vmem>>) target_semaphore(%run_scoped3A : memref<!tpu.dma_semaphore, #tpu.memory_space<semaphore_mem>>)
      %dma_wait3A_408 = tpu.memref_slice %arg6[%multiple_of3A_68] : memref<10240xi32, #tpu.memory_space<hbm>> -> memref<16xi32, #tpu.memory_space<hbm>>
      %dma_wait3A_409 = tpu.memref_slice %arg6[%multiple_of3A_68] : memref<10240xi32, #tpu.memory_space<hbm>> -> memref<16xi32, #tpu.memory_space<hbm>>
      tpu.wait_dma2 semaphore(%run_scoped3A : memref<!tpu.dma_semaphore, #tpu.memory_space<semaphore_mem>>) src(%dma_wait3A_409 : memref<16xi32, #tpu.memory_space<hbm>>) dst(%arg17 : memref<16xi32, #tpu.memory_space<vmem>>)
      tpu.yield
    }) : () -> ()
    %dma_start3A_69 = arith.constant 0 : i32
    %dma_start3A_70 = arith.constant 0 : i32
    %dma_start3A_71 = tpu.memref_slice %arg18[%dma_start3A_69, %dma_start3A_70] : memref<5120x128xf32, #tpu.memory_space<vmem_shared>> -> memref<5120x128xf32, #tpu.memory_space<vmem_shared>>
    tpu.enqueue_indirect_dma source(%arg14 : memref<16x128xf32, #tpu.memory_space<vmem>>) target(%dma_start3A_71 : memref<5120x128xf32, #tpu.memory_space<vmem_shared>>) offsets(%arg17 : memref<16xi32, #tpu.memory_space<vmem>>) semaphore(%arg22 : memref<!tpu.dma_semaphore, #tpu.memory_space<semaphore_mem>>)
    %dma_wait3A_72 = arith.constant 0 : i32
    %dma_wait3A_73 = arith.constant 0 : i32
    %dma_wait3A_74 = tpu.memref_slice %arg18[%dma_wait3A_72, %dma_wait3A_73] : memref<5120x128xf32, #tpu.memory_space<vmem_shared>> -> memref<5120x128xf32, #tpu.memory_space<vmem_shared>>
    tpu.wait_indirect_dma semaphore(%arg22 : memref<!tpu.dma_semaphore, #tpu.memory_space<semaphore_mem>>) src(%arg14 : memref<16x128xf32, #tpu.memory_space<vmem>>) dst(%dma_wait3A_74 : memref<5120x128xf32, #tpu.memory_space<vmem_shared>>)
    %add3A_75 = arith.constant 128 : i32
    %add3A_76 = arith.addi %multiple_of3A, %add3A_75 : i32
    %multiple_of3A_77 = tpu.assume_multiple %add3A_76, 8 : i32
    "tpu.region"() ({
      %run_scoped3A = tpu.sem_alloc : memref<!tpu.dma_semaphore, #tpu.memory_space<semaphore_mem>>
      %dma_start3A_406 = tpu.memref_slice %arg6[%multiple_of3A_77] : memref<10240xi32, #tpu.memory_space<hbm>> -> memref<16xi32, #tpu.memory_space<hbm>>
      %dma_start3A_407 = tpu.memref_slice %arg6[%multiple_of3A_77] : memref<10240xi32, #tpu.memory_space<hbm>> -> memref<16xi32, #tpu.memory_space<hbm>>
      tpu.enqueue_dma source(%dma_start3A_407 : memref<16xi32, #tpu.memory_space<hbm>>) target(%arg17 : memref<16xi32, #tpu.memory_space<vmem>>) target_semaphore(%run_scoped3A : memref<!tpu.dma_semaphore, #tpu.memory_space<semaphore_mem>>)
      %dma_wait3A_408 = tpu.memref_slice %arg6[%multiple_of3A_77] : memref<10240xi32, #tpu.memory_space<hbm>> -> memref<16xi32, #tpu.memory_space<hbm>>
      %dma_wait3A_409 = tpu.memref_slice %arg6[%multiple_of3A_77] : memref<10240xi32, #tpu.memory_space<hbm>> -> memref<16xi32, #tpu.memory_space<hbm>>
      tpu.wait_dma2 semaphore(%run_scoped3A : memref<!tpu.dma_semaphore, #tpu.memory_space<semaphore_mem>>) src(%dma_wait3A_409 : memref<16xi32, #tpu.memory_space<hbm>>) dst(%arg17 : memref<16xi32, #tpu.memory_space<vmem>>)
      tpu.yield
    }) : () -> ()
    %dma_start3A_78 = arith.constant 0 : i32
    %dma_start3A_79 = arith.constant 0 : i32
    %dma_start3A_80 = tpu.memref_slice %arg18[%dma_start3A_78, %dma_start3A_79] : memref<5120x128xf32, #tpu.memory_space<vmem_shared>> -> memref<5120x128xf32, #tpu.memory_space<vmem_shared>>
    tpu.enqueue_indirect_dma source(%arg14 : memref<16x128xf32, #tpu.memory_space<vmem>>) target(%dma_start3A_80 : memref<5120x128xf32, #tpu.memory_space<vmem_shared>>) offsets(%arg17 : memref<16xi32, #tpu.memory_space<vmem>>) semaphore(%arg22 : memref<!tpu.dma_semaphore, #tpu.memory_space<semaphore_mem>>)
    %dma_wait3A_81 = arith.constant 0 : i32
    %dma_wait3A_82 = arith.constant 0 : i32
    %dma_wait3A_83 = tpu.memref_slice %arg18[%dma_wait3A_81, %dma_wait3A_82] : memref<5120x128xf32, #tpu.memory_space<vmem_shared>> -> memref<5120x128xf32, #tpu.memory_space<vmem_shared>>
    tpu.wait_indirect_dma semaphore(%arg22 : memref<!tpu.dma_semaphore, #tpu.memory_space<semaphore_mem>>) src(%arg14 : memref<16x128xf32, #tpu.memory_space<vmem>>) dst(%dma_wait3A_83 : memref<5120x128xf32, #tpu.memory_space<vmem_shared>>)
    %add3A_84 = arith.constant 144 : i32
    %add3A_85 = arith.addi %multiple_of3A, %add3A_84 : i32
    %multiple_of3A_86 = tpu.assume_multiple %add3A_85, 8 : i32
    "tpu.region"() ({
      %run_scoped3A = tpu.sem_alloc : memref<!tpu.dma_semaphore, #tpu.memory_space<semaphore_mem>>
      %dma_start3A_406 = tpu.memref_slice %arg6[%multiple_of3A_86] : memref<10240xi32, #tpu.memory_space<hbm>> -> memref<16xi32, #tpu.memory_space<hbm>>
      %dma_start3A_407 = tpu.memref_slice %arg6[%multiple_of3A_86] : memref<10240xi32, #tpu.memory_space<hbm>> -> memref<16xi32, #tpu.memory_space<hbm>>
      tpu.enqueue_dma source(%dma_start3A_407 : memref<16xi32, #tpu.memory_space<hbm>>) target(%arg17 : memref<16xi32, #tpu.memory_space<vmem>>) target_semaphore(%run_scoped3A : memref<!tpu.dma_semaphore, #tpu.memory_space<semaphore_mem>>)
      %dma_wait3A_408 = tpu.memref_slice %arg6[%multiple_of3A_86] : memref<10240xi32, #tpu.memory_space<hbm>> -> memref<16xi32, #tpu.memory_space<hbm>>
      %dma_wait3A_409 = tpu.memref_slice %arg6[%multiple_of3A_86] : memref<10240xi32, #tpu.memory_space<hbm>> -> memref<16xi32, #tpu.memory_space<hbm>>
      tpu.wait_dma2 semaphore(%run_scoped3A : memref<!tpu.dma_semaphore, #tpu.memory_space<semaphore_mem>>) src(%dma_wait3A_409 : memref<16xi32, #tpu.memory_space<hbm>>) dst(%arg17 : memref<16xi32, #tpu.memory_space<vmem>>)
      tpu.yield
    }) : () -> ()
    %dma_start3A_87 = arith.constant 0 : i32
    %dma_start3A_88 = arith.constant 0 : i32
    %dma_start3A_89 = tpu.memref_slice %arg18[%dma_start3A_87, %dma_start3A_88] : memref<5120x128xf32, #tpu.memory_space<vmem_shared>> -> memref<5120x128xf32, #tpu.memory_space<vmem_shared>>
    tpu.enqueue_indirect_dma source(%arg14 : memref<16x128xf32, #tpu.memory_space<vmem>>) target(%dma_start3A_89 : memref<5120x128xf32, #tpu.memory_space<vmem_shared>>) offsets(%arg17 : memref<16xi32, #tpu.memory_space<vmem>>) semaphore(%arg22 : memref<!tpu.dma_semaphore, #tpu.memory_space<semaphore_mem>>)
    %dma_wait3A_90 = arith.constant 0 : i32
    %dma_wait3A_91 = arith.constant 0 : i32
    %dma_wait3A_92 = tpu.memref_slice %arg18[%dma_wait3A_90, %dma_wait3A_91] : memref<5120x128xf32, #tpu.memory_space<vmem_shared>> -> memref<5120x128xf32, #tpu.memory_space<vmem_shared>>
    tpu.wait_indirect_dma semaphore(%arg22 : memref<!tpu.dma_semaphore, #tpu.memory_space<semaphore_mem>>) src(%arg14 : memref<16x128xf32, #tpu.memory_space<vmem>>) dst(%dma_wait3A_92 : memref<5120x128xf32, #tpu.memory_space<vmem_shared>>)
    %add3A_93 = arith.constant 160 : i32
    %add3A_94 = arith.addi %multiple_of3A, %add3A_93 : i32
    %multiple_of3A_95 = tpu.assume_multiple %add3A_94, 8 : i32
    "tpu.region"() ({
      %run_scoped3A = tpu.sem_alloc : memref<!tpu.dma_semaphore, #tpu.memory_space<semaphore_mem>>
      %dma_start3A_406 = tpu.memref_slice %arg6[%multiple_of3A_95] : memref<10240xi32, #tpu.memory_space<hbm>> -> memref<16xi32, #tpu.memory_space<hbm>>
      %dma_start3A_407 = tpu.memref_slice %arg6[%multiple_of3A_95] : memref<10240xi32, #tpu.memory_space<hbm>> -> memref<16xi32, #tpu.memory_space<hbm>>
      tpu.enqueue_dma source(%dma_start3A_407 : memref<16xi32, #tpu.memory_space<hbm>>) target(%arg17 : memref<16xi32, #tpu.memory_space<vmem>>) target_semaphore(%run_scoped3A : memref<!tpu.dma_semaphore, #tpu.memory_space<semaphore_mem>>)
      %dma_wait3A_408 = tpu.memref_slice %arg6[%multiple_of3A_95] : memref<10240xi32, #tpu.memory_space<hbm>> -> memref<16xi32, #tpu.memory_space<hbm>>
      %dma_wait3A_409 = tpu.memref_slice %arg6[%multiple_of3A_95] : memref<10240xi32, #tpu.memory_space<hbm>> -> memref<16xi32, #tpu.memory_space<hbm>>
      tpu.wait_dma2 semaphore(%run_scoped3A : memref<!tpu.dma_semaphore, #tpu.memory_space<semaphore_mem>>) src(%dma_wait3A_409 : memref<16xi32, #tpu.memory_space<hbm>>) dst(%arg17 : memref<16xi32, #tpu.memory_space<vmem>>)
      tpu.yield
    }) : () -> ()
    %dma_start3A_96 = arith.constant 0 : i32
    %dma_start3A_97 = arith.constant 0 : i32
    %dma_start3A_98 = tpu.memref_slice %arg18[%dma_start3A_96, %dma_start3A_97] : memref<5120x128xf32, #tpu.memory_space<vmem_shared>> -> memref<5120x128xf32, #tpu.memory_space<vmem_shared>>
    tpu.enqueue_indirect_dma source(%arg14 : memref<16x128xf32, #tpu.memory_space<vmem>>) target(%dma_start3A_98 : memref<5120x128xf32, #tpu.memory_space<vmem_shared>>) offsets(%arg17 : memref<16xi32, #tpu.memory_space<vmem>>) semaphore(%arg22 : memref<!tpu.dma_semaphore, #tpu.memory_space<semaphore_mem>>)
    %dma_wait3A_99 = arith.constant 0 : i32
    %dma_wait3A_100 = arith.constant 0 : i32
    %dma_wait3A_101 = tpu.memref_slice %arg18[%dma_wait3A_99, %dma_wait3A_100] : memref<5120x128xf32, #tpu.memory_space<vmem_shared>> -> memref<5120x128xf32, #tpu.memory_space<vmem_shared>>
    tpu.wait_indirect_dma semaphore(%arg22 : memref<!tpu.dma_semaphore, #tpu.memory_space<semaphore_mem>>) src(%arg14 : memref<16x128xf32, #tpu.memory_space<vmem>>) dst(%dma_wait3A_101 : memref<5120x128xf32, #tpu.memory_space<vmem_shared>>)
    %add3A_102 = arith.constant 176 : i32
    %add3A_103 = arith.addi %multiple_of3A, %add3A_102 : i32
    %multiple_of3A_104 = tpu.assume_multiple %add3A_103, 8 : i32
    "tpu.region"() ({
      %run_scoped3A = tpu.sem_alloc : memref<!tpu.dma_semaphore, #tpu.memory_space<semaphore_mem>>
      %dma_start3A_406 = tpu.memref_slice %arg6[%multiple_of3A_104] : memref<10240xi32, #tpu.memory_space<hbm>> -> memref<16xi32, #tpu.memory_space<hbm>>
      %dma_start3A_407 = tpu.memref_slice %arg6[%multiple_of3A_104] : memref<10240xi32, #tpu.memory_space<hbm>> -> memref<16xi32, #tpu.memory_space<hbm>>
      tpu.enqueue_dma source(%dma_start3A_407 : memref<16xi32, #tpu.memory_space<hbm>>) target(%arg17 : memref<16xi32, #tpu.memory_space<vmem>>) target_semaphore(%run_scoped3A : memref<!tpu.dma_semaphore, #tpu.memory_space<semaphore_mem>>)
      %dma_wait3A_408 = tpu.memref_slice %arg6[%multiple_of3A_104] : memref<10240xi32, #tpu.memory_space<hbm>> -> memref<16xi32, #tpu.memory_space<hbm>>
      %dma_wait3A_409 = tpu.memref_slice %arg6[%multiple_of3A_104] : memref<10240xi32, #tpu.memory_space<hbm>> -> memref<16xi32, #tpu.memory_space<hbm>>
      tpu.wait_dma2 semaphore(%run_scoped3A : memref<!tpu.dma_semaphore, #tpu.memory_space<semaphore_mem>>) src(%dma_wait3A_409 : memref<16xi32, #tpu.memory_space<hbm>>) dst(%arg17 : memref<16xi32, #tpu.memory_space<vmem>>)
      tpu.yield
    }) : () -> ()
    %dma_start3A_105 = arith.constant 0 : i32
    %dma_start3A_106 = arith.constant 0 : i32
    %dma_start3A_107 = tpu.memref_slice %arg18[%dma_start3A_105, %dma_start3A_106] : memref<5120x128xf32, #tpu.memory_space<vmem_shared>> -> memref<5120x128xf32, #tpu.memory_space<vmem_shared>>
    tpu.enqueue_indirect_dma source(%arg14 : memref<16x128xf32, #tpu.memory_space<vmem>>) target(%dma_start3A_107 : memref<5120x128xf32, #tpu.memory_space<vmem_shared>>) offsets(%arg17 : memref<16xi32, #tpu.memory_space<vmem>>) semaphore(%arg22 : memref<!tpu.dma_semaphore, #tpu.memory_space<semaphore_mem>>)
    %dma_wait3A_108 = arith.constant 0 : i32
    %dma_wait3A_109 = arith.constant 0 : i32
    %dma_wait3A_110 = tpu.memref_slice %arg18[%dma_wait3A_108, %dma_wait3A_109] : memref<5120x128xf32, #tpu.memory_space<vmem_shared>> -> memref<5120x128xf32, #tpu.memory_space<vmem_shared>>
    tpu.wait_indirect_dma semaphore(%arg22 : memref<!tpu.dma_semaphore, #tpu.memory_space<semaphore_mem>>) src(%arg14 : memref<16x128xf32, #tpu.memory_space<vmem>>) dst(%dma_wait3A_110 : memref<5120x128xf32, #tpu.memory_space<vmem_shared>>)
    %add3A_111 = arith.constant 192 : i32
    %add3A_112 = arith.addi %multiple_of3A, %add3A_111 : i32
    %multiple_of3A_113 = tpu.assume_multiple %add3A_112, 8 : i32
    "tpu.region"() ({
      %run_scoped3A = tpu.sem_alloc : memref<!tpu.dma_semaphore, #tpu.memory_space<semaphore_mem>>
      %dma_start3A_406 = tpu.memref_slice %arg6[%multiple_of3A_113] : memref<10240xi32, #tpu.memory_space<hbm>> -> memref<16xi32, #tpu.memory_space<hbm>>
      %dma_start3A_407 = tpu.memref_slice %arg6[%multiple_of3A_113] : memref<10240xi32, #tpu.memory_space<hbm>> -> memref<16xi32, #tpu.memory_space<hbm>>
      tpu.enqueue_dma source(%dma_start3A_407 : memref<16xi32, #tpu.memory_space<hbm>>) target(%arg17 : memref<16xi32, #tpu.memory_space<vmem>>) target_semaphore(%run_scoped3A : memref<!tpu.dma_semaphore, #tpu.memory_space<semaphore_mem>>)
      %dma_wait3A_408 = tpu.memref_slice %arg6[%multiple_of3A_113] : memref<10240xi32, #tpu.memory_space<hbm>> -> memref<16xi32, #tpu.memory_space<hbm>>
      %dma_wait3A_409 = tpu.memref_slice %arg6[%multiple_of3A_113] : memref<10240xi32, #tpu.memory_space<hbm>> -> memref<16xi32, #tpu.memory_space<hbm>>
      tpu.wait_dma2 semaphore(%run_scoped3A : memref<!tpu.dma_semaphore, #tpu.memory_space<semaphore_mem>>) src(%dma_wait3A_409 : memref<16xi32, #tpu.memory_space<hbm>>) dst(%arg17 : memref<16xi32, #tpu.memory_space<vmem>>)
      tpu.yield
    }) : () -> ()
    %dma_start3A_114 = arith.constant 0 : i32
    %dma_start3A_115 = arith.constant 0 : i32
    %dma_start3A_116 = tpu.memref_slice %arg18[%dma_start3A_114, %dma_start3A_115] : memref<5120x128xf32, #tpu.memory_space<vmem_shared>> -> memref<5120x128xf32, #tpu.memory_space<vmem_shared>>
    tpu.enqueue_indirect_dma source(%arg14 : memref<16x128xf32, #tpu.memory_space<vmem>>) target(%dma_start3A_116 : memref<5120x128xf32, #tpu.memory_space<vmem_shared>>) offsets(%arg17 : memref<16xi32, #tpu.memory_space<vmem>>) semaphore(%arg22 : memref<!tpu.dma_semaphore, #tpu.memory_space<semaphore_mem>>)
    %dma_wait3A_117 = arith.constant 0 : i32
    %dma_wait3A_118 = arith.constant 0 : i32
    %dma_wait3A_119 = tpu.memref_slice %arg18[%dma_wait3A_117, %dma_wait3A_118] : memref<5120x128xf32, #tpu.memory_space<vmem_shared>> -> memref<5120x128xf32, #tpu.memory_space<vmem_shared>>
    tpu.wait_indirect_dma semaphore(%arg22 : memref<!tpu.dma_semaphore, #tpu.memory_space<semaphore_mem>>) src(%arg14 : memref<16x128xf32, #tpu.memory_space<vmem>>) dst(%dma_wait3A_119 : memref<5120x128xf32, #tpu.memory_space<vmem_shared>>)
    %add3A_120 = arith.constant 208 : i32
    %add3A_121 = arith.addi %multiple_of3A, %add3A_120 : i32
    %multiple_of3A_122 = tpu.assume_multiple %add3A_121, 8 : i32
    "tpu.region"() ({
      %run_scoped3A = tpu.sem_alloc : memref<!tpu.dma_semaphore, #tpu.memory_space<semaphore_mem>>
      %dma_start3A_406 = tpu.memref_slice %arg6[%multiple_of3A_122] : memref<10240xi32, #tpu.memory_space<hbm>> -> memref<16xi32, #tpu.memory_space<hbm>>
      %dma_start3A_407 = tpu.memref_slice %arg6[%multiple_of3A_122] : memref<10240xi32, #tpu.memory_space<hbm>> -> memref<16xi32, #tpu.memory_space<hbm>>
      tpu.enqueue_dma source(%dma_start3A_407 : memref<16xi32, #tpu.memory_space<hbm>>) target(%arg17 : memref<16xi32, #tpu.memory_space<vmem>>) target_semaphore(%run_scoped3A : memref<!tpu.dma_semaphore, #tpu.memory_space<semaphore_mem>>)
      %dma_wait3A_408 = tpu.memref_slice %arg6[%multiple_of3A_122] : memref<10240xi32, #tpu.memory_space<hbm>> -> memref<16xi32, #tpu.memory_space<hbm>>
      %dma_wait3A_409 = tpu.memref_slice %arg6[%multiple_of3A_122] : memref<10240xi32, #tpu.memory_space<hbm>> -> memref<16xi32, #tpu.memory_space<hbm>>
      tpu.wait_dma2 semaphore(%run_scoped3A : memref<!tpu.dma_semaphore, #tpu.memory_space<semaphore_mem>>) src(%dma_wait3A_409 : memref<16xi32, #tpu.memory_space<hbm>>) dst(%arg17 : memref<16xi32, #tpu.memory_space<vmem>>)
      tpu.yield
    }) : () -> ()
    %dma_start3A_123 = arith.constant 0 : i32
    %dma_start3A_124 = arith.constant 0 : i32
    %dma_start3A_125 = tpu.memref_slice %arg18[%dma_start3A_123, %dma_start3A_124] : memref<5120x128xf32, #tpu.memory_space<vmem_shared>> -> memref<5120x128xf32, #tpu.memory_space<vmem_shared>>
    tpu.enqueue_indirect_dma source(%arg14 : memref<16x128xf32, #tpu.memory_space<vmem>>) target(%dma_start3A_125 : memref<5120x128xf32, #tpu.memory_space<vmem_shared>>) offsets(%arg17 : memref<16xi32, #tpu.memory_space<vmem>>) semaphore(%arg22 : memref<!tpu.dma_semaphore, #tpu.memory_space<semaphore_mem>>)
    %dma_wait3A_126 = arith.constant 0 : i32
    %dma_wait3A_127 = arith.constant 0 : i32
    %dma_wait3A_128 = tpu.memref_slice %arg18[%dma_wait3A_126, %dma_wait3A_127] : memref<5120x128xf32, #tpu.memory_space<vmem_shared>> -> memref<5120x128xf32, #tpu.memory_space<vmem_shared>>
    tpu.wait_indirect_dma semaphore(%arg22 : memref<!tpu.dma_semaphore, #tpu.memory_space<semaphore_mem>>) src(%arg14 : memref<16x128xf32, #tpu.memory_space<vmem>>) dst(%dma_wait3A_128 : memref<5120x128xf32, #tpu.memory_space<vmem_shared>>)
    %add3A_129 = arith.constant 224 : i32
    %add3A_130 = arith.addi %multiple_of3A, %add3A_129 : i32
    %multiple_of3A_131 = tpu.assume_multiple %add3A_130, 8 : i32
    "tpu.region"() ({
      %run_scoped3A = tpu.sem_alloc : memref<!tpu.dma_semaphore, #tpu.memory_space<semaphore_mem>>
      %dma_start3A_406 = tpu.memref_slice %arg6[%multiple_of3A_131] : memref<10240xi32, #tpu.memory_space<hbm>> -> memref<16xi32, #tpu.memory_space<hbm>>
      %dma_start3A_407 = tpu.memref_slice %arg6[%multiple_of3A_131] : memref<10240xi32, #tpu.memory_space<hbm>> -> memref<16xi32, #tpu.memory_space<hbm>>
      tpu.enqueue_dma source(%dma_start3A_407 : memref<16xi32, #tpu.memory_space<hbm>>) target(%arg17 : memref<16xi32, #tpu.memory_space<vmem>>) target_semaphore(%run_scoped3A : memref<!tpu.dma_semaphore, #tpu.memory_space<semaphore_mem>>)
      %dma_wait3A_408 = tpu.memref_slice %arg6[%multiple_of3A_131] : memref<10240xi32, #tpu.memory_space<hbm>> -> memref<16xi32, #tpu.memory_space<hbm>>
      %dma_wait3A_409 = tpu.memref_slice %arg6[%multiple_of3A_131] : memref<10240xi32, #tpu.memory_space<hbm>> -> memref<16xi32, #tpu.memory_space<hbm>>
      tpu.wait_dma2 semaphore(%run_scoped3A : memref<!tpu.dma_semaphore, #tpu.memory_space<semaphore_mem>>) src(%dma_wait3A_409 : memref<16xi32, #tpu.memory_space<hbm>>) dst(%arg17 : memref<16xi32, #tpu.memory_space<vmem>>)
      tpu.yield
    }) : () -> ()
    %dma_start3A_132 = arith.constant 0 : i32
    %dma_start3A_133 = arith.constant 0 : i32
    %dma_start3A_134 = tpu.memref_slice %arg18[%dma_start3A_132, %dma_start3A_133] : memref<5120x128xf32, #tpu.memory_space<vmem_shared>> -> memref<5120x128xf32, #tpu.memory_space<vmem_shared>>
    tpu.enqueue_indirect_dma source(%arg14 : memref<16x128xf32, #tpu.memory_space<vmem>>) target(%dma_start3A_134 : memref<5120x128xf32, #tpu.memory_space<vmem_shared>>) offsets(%arg17 : memref<16xi32, #tpu.memory_space<vmem>>) semaphore(%arg22 : memref<!tpu.dma_semaphore, #tpu.memory_space<semaphore_mem>>)
    %dma_wait3A_135 = arith.constant 0 : i32
    %dma_wait3A_136 = arith.constant 0 : i32
    %dma_wait3A_137 = tpu.memref_slice %arg18[%dma_wait3A_135, %dma_wait3A_136] : memref<5120x128xf32, #tpu.memory_space<vmem_shared>> -> memref<5120x128xf32, #tpu.memory_space<vmem_shared>>
    tpu.wait_indirect_dma semaphore(%arg22 : memref<!tpu.dma_semaphore, #tpu.memory_space<semaphore_mem>>) src(%arg14 : memref<16x128xf32, #tpu.memory_space<vmem>>) dst(%dma_wait3A_137 : memref<5120x128xf32, #tpu.memory_space<vmem_shared>>)
    %add3A_138 = arith.constant 240 : i32
    %add3A_139 = arith.addi %multiple_of3A, %add3A_138 : i32
    %multiple_of3A_140 = tpu.assume_multiple %add3A_139, 8 : i32
    "tpu.region"() ({
      %run_scoped3A = tpu.sem_alloc : memref<!tpu.dma_semaphore, #tpu.memory_space<semaphore_mem>>
      %dma_start3A_406 = tpu.memref_slice %arg6[%multiple_of3A_140] : memref<10240xi32, #tpu.memory_space<hbm>> -> memref<16xi32, #tpu.memory_space<hbm>>
      %dma_start3A_407 = tpu.memref_slice %arg6[%multiple_of3A_140] : memref<10240xi32, #tpu.memory_space<hbm>> -> memref<16xi32, #tpu.memory_space<hbm>>
      tpu.enqueue_dma source(%dma_start3A_407 : memref<16xi32, #tpu.memory_space<hbm>>) target(%arg17 : memref<16xi32, #tpu.memory_space<vmem>>) target_semaphore(%run_scoped3A : memref<!tpu.dma_semaphore, #tpu.memory_space<semaphore_mem>>)
      %dma_wait3A_408 = tpu.memref_slice %arg6[%multiple_of3A_140] : memref<10240xi32, #tpu.memory_space<hbm>> -> memref<16xi32, #tpu.memory_space<hbm>>
      %dma_wait3A_409 = tpu.memref_slice %arg6[%multiple_of3A_140] : memref<10240xi32, #tpu.memory_space<hbm>> -> memref<16xi32, #tpu.memory_space<hbm>>
      tpu.wait_dma2 semaphore(%run_scoped3A : memref<!tpu.dma_semaphore, #tpu.memory_space<semaphore_mem>>) src(%dma_wait3A_409 : memref<16xi32, #tpu.memory_space<hbm>>) dst(%arg17 : memref<16xi32, #tpu.memory_space<vmem>>)
      tpu.yield
    }) : () -> ()
    %dma_start3A_141 = arith.constant 0 : i32
    %dma_start3A_142 = arith.constant 0 : i32
    %dma_start3A_143 = tpu.memref_slice %arg18[%dma_start3A_141, %dma_start3A_142] : memref<5120x128xf32, #tpu.memory_space<vmem_shared>> -> memref<5120x128xf32, #tpu.memory_space<vmem_shared>>
    tpu.enqueue_indirect_dma source(%arg14 : memref<16x128xf32, #tpu.memory_space<vmem>>) target(%dma_start3A_143 : memref<5120x128xf32, #tpu.memory_space<vmem_shared>>) offsets(%arg17 : memref<16xi32, #tpu.memory_space<vmem>>) semaphore(%arg22 : memref<!tpu.dma_semaphore, #tpu.memory_space<semaphore_mem>>)
    %dma_wait3A_144 = arith.constant 0 : i32
    %dma_wait3A_145 = arith.constant 0 : i32
    %dma_wait3A_146 = tpu.memref_slice %arg18[%dma_wait3A_144, %dma_wait3A_145] : memref<5120x128xf32, #tpu.memory_space<vmem_shared>> -> memref<5120x128xf32, #tpu.memory_space<vmem_shared>>
    tpu.wait_indirect_dma semaphore(%arg22 : memref<!tpu.dma_semaphore, #tpu.memory_space<semaphore_mem>>) src(%arg14 : memref<16x128xf32, #tpu.memory_space<vmem>>) dst(%dma_wait3A_146 : memref<5120x128xf32, #tpu.memory_space<vmem_shared>>)
    %add3A_147 = arith.constant 256 : i32
    %add3A_148 = arith.addi %multiple_of3A, %add3A_147 : i32
    %multiple_of3A_149 = tpu.assume_multiple %add3A_148, 8 : i32
    "tpu.region"() ({
      %run_scoped3A = tpu.sem_alloc : memref<!tpu.dma_semaphore, #tpu.memory_space<semaphore_mem>>
      %dma_start3A_406 = tpu.memref_slice %arg6[%multiple_of3A_149] : memref<10240xi32, #tpu.memory_space<hbm>> -> memref<16xi32, #tpu.memory_space<hbm>>
      %dma_start3A_407 = tpu.memref_slice %arg6[%multiple_of3A_149] : memref<10240xi32, #tpu.memory_space<hbm>> -> memref<16xi32, #tpu.memory_space<hbm>>
      tpu.enqueue_dma source(%dma_start3A_407 : memref<16xi32, #tpu.memory_space<hbm>>) target(%arg17 : memref<16xi32, #tpu.memory_space<vmem>>) target_semaphore(%run_scoped3A : memref<!tpu.dma_semaphore, #tpu.memory_space<semaphore_mem>>)
      %dma_wait3A_408 = tpu.memref_slice %arg6[%multiple_of3A_149] : memref<10240xi32, #tpu.memory_space<hbm>> -> memref<16xi32, #tpu.memory_space<hbm>>
      %dma_wait3A_409 = tpu.memref_slice %arg6[%multiple_of3A_149] : memref<10240xi32, #tpu.memory_space<hbm>> -> memref<16xi32, #tpu.memory_space<hbm>>
      tpu.wait_dma2 semaphore(%run_scoped3A : memref<!tpu.dma_semaphore, #tpu.memory_space<semaphore_mem>>) src(%dma_wait3A_409 : memref<16xi32, #tpu.memory_space<hbm>>) dst(%arg17 : memref<16xi32, #tpu.memory_space<vmem>>)
      tpu.yield
    }) : () -> ()
    %dma_start3A_150 = arith.constant 0 : i32
    %dma_start3A_151 = arith.constant 0 : i32
    %dma_start3A_152 = tpu.memref_slice %arg18[%dma_start3A_150, %dma_start3A_151] : memref<5120x128xf32, #tpu.memory_space<vmem_shared>> -> memref<5120x128xf32, #tpu.memory_space<vmem_shared>>
    tpu.enqueue_indirect_dma source(%arg14 : memref<16x128xf32, #tpu.memory_space<vmem>>) target(%dma_start3A_152 : memref<5120x128xf32, #tpu.memory_space<vmem_shared>>) offsets(%arg17 : memref<16xi32, #tpu.memory_space<vmem>>) semaphore(%arg22 : memref<!tpu.dma_semaphore, #tpu.memory_space<semaphore_mem>>)
    %dma_wait3A_153 = arith.constant 0 : i32
    %dma_wait3A_154 = arith.constant 0 : i32
    %dma_wait3A_155 = tpu.memref_slice %arg18[%dma_wait3A_153, %dma_wait3A_154] : memref<5120x128xf32, #tpu.memory_space<vmem_shared>> -> memref<5120x128xf32, #tpu.memory_space<vmem_shared>>
    tpu.wait_indirect_dma semaphore(%arg22 : memref<!tpu.dma_semaphore, #tpu.memory_space<semaphore_mem>>) src(%arg14 : memref<16x128xf32, #tpu.memory_space<vmem>>) dst(%dma_wait3A_155 : memref<5120x128xf32, #tpu.memory_space<vmem_shared>>)
    %add3A_156 = arith.constant 272 : i32
    %add3A_157 = arith.addi %multiple_of3A, %add3A_156 : i32
    %multiple_of3A_158 = tpu.assume_multiple %add3A_157, 8 : i32
    "tpu.region"() ({
      %run_scoped3A = tpu.sem_alloc : memref<!tpu.dma_semaphore, #tpu.memory_space<semaphore_mem>>
      %dma_start3A_406 = tpu.memref_slice %arg6[%multiple_of3A_158] : memref<10240xi32, #tpu.memory_space<hbm>> -> memref<16xi32, #tpu.memory_space<hbm>>
      %dma_start3A_407 = tpu.memref_slice %arg6[%multiple_of3A_158] : memref<10240xi32, #tpu.memory_space<hbm>> -> memref<16xi32, #tpu.memory_space<hbm>>
      tpu.enqueue_dma source(%dma_start3A_407 : memref<16xi32, #tpu.memory_space<hbm>>) target(%arg17 : memref<16xi32, #tpu.memory_space<vmem>>) target_semaphore(%run_scoped3A : memref<!tpu.dma_semaphore, #tpu.memory_space<semaphore_mem>>)
      %dma_wait3A_408 = tpu.memref_slice %arg6[%multiple_of3A_158] : memref<10240xi32, #tpu.memory_space<hbm>> -> memref<16xi32, #tpu.memory_space<hbm>>
      %dma_wait3A_409 = tpu.memref_slice %arg6[%multiple_of3A_158] : memref<10240xi32, #tpu.memory_space<hbm>> -> memref<16xi32, #tpu.memory_space<hbm>>
      tpu.wait_dma2 semaphore(%run_scoped3A : memref<!tpu.dma_semaphore, #tpu.memory_space<semaphore_mem>>) src(%dma_wait3A_409 : memref<16xi32, #tpu.memory_space<hbm>>) dst(%arg17 : memref<16xi32, #tpu.memory_space<vmem>>)
      tpu.yield
    }) : () -> ()
    %dma_start3A_159 = arith.constant 0 : i32
    %dma_start3A_160 = arith.constant 0 : i32
    %dma_start3A_161 = tpu.memref_slice %arg18[%dma_start3A_159, %dma_start3A_160] : memref<5120x128xf32, #tpu.memory_space<vmem_shared>> -> memref<5120x128xf32, #tpu.memory_space<vmem_shared>>
    tpu.enqueue_indirect_dma source(%arg14 : memref<16x128xf32, #tpu.memory_space<vmem>>) target(%dma_start3A_161 : memref<5120x128xf32, #tpu.memory_space<vmem_shared>>) offsets(%arg17 : memref<16xi32, #tpu.memory_space<vmem>>) semaphore(%arg22 : memref<!tpu.dma_semaphore, #tpu.memory_space<semaphore_mem>>)
    %dma_wait3A_162 = arith.constant 0 : i32
    %dma_wait3A_163 = arith.constant 0 : i32
    %dma_wait3A_164 = tpu.memref_slice %arg18[%dma_wait3A_162, %dma_wait3A_163] : memref<5120x128xf32, #tpu.memory_space<vmem_shared>> -> memref<5120x128xf32, #tpu.memory_space<vmem_shared>>
    tpu.wait_indirect_dma semaphore(%arg22 : memref<!tpu.dma_semaphore, #tpu.memory_space<semaphore_mem>>) src(%arg14 : memref<16x128xf32, #tpu.memory_space<vmem>>) dst(%dma_wait3A_164 : memref<5120x128xf32, #tpu.memory_space<vmem_shared>>)
    %add3A_165 = arith.constant 288 : i32
    %add3A_166 = arith.addi %multiple_of3A, %add3A_165 : i32
    %multiple_of3A_167 = tpu.assume_multiple %add3A_166, 8 : i32
    "tpu.region"() ({
      %run_scoped3A = tpu.sem_alloc : memref<!tpu.dma_semaphore, #tpu.memory_space<semaphore_mem>>
      %dma_start3A_406 = tpu.memref_slice %arg6[%multiple_of3A_167] : memref<10240xi32, #tpu.memory_space<hbm>> -> memref<16xi32, #tpu.memory_space<hbm>>
      %dma_start3A_407 = tpu.memref_slice %arg6[%multiple_of3A_167] : memref<10240xi32, #tpu.memory_space<hbm>> -> memref<16xi32, #tpu.memory_space<hbm>>
      tpu.enqueue_dma source(%dma_start3A_407 : memref<16xi32, #tpu.memory_space<hbm>>) target(%arg17 : memref<16xi32, #tpu.memory_space<vmem>>) target_semaphore(%run_scoped3A : memref<!tpu.dma_semaphore, #tpu.memory_space<semaphore_mem>>)
      %dma_wait3A_408 = tpu.memref_slice %arg6[%multiple_of3A_167] : memref<10240xi32, #tpu.memory_space<hbm>> -> memref<16xi32, #tpu.memory_space<hbm>>
      %dma_wait3A_409 = tpu.memref_slice %arg6[%multiple_of3A_167] : memref<10240xi32, #tpu.memory_space<hbm>> -> memref<16xi32, #tpu.memory_space<hbm>>
      tpu.wait_dma2 semaphore(%run_scoped3A : memref<!tpu.dma_semaphore, #tpu.memory_space<semaphore_mem>>) src(%dma_wait3A_409 : memref<16xi32, #tpu.memory_space<hbm>>) dst(%arg17 : memref<16xi32, #tpu.memory_space<vmem>>)
      tpu.yield
    }) : () -> ()
    %dma_start3A_168 = arith.constant 0 : i32
    %dma_start3A_169 = arith.constant 0 : i32
    %dma_start3A_170 = tpu.memref_slice %arg18[%dma_start3A_168, %dma_start3A_169] : memref<5120x128xf32, #tpu.memory_space<vmem_shared>> -> memref<5120x128xf32, #tpu.memory_space<vmem_shared>>
    tpu.enqueue_indirect_dma source(%arg14 : memref<16x128xf32, #tpu.memory_space<vmem>>) target(%dma_start3A_170 : memref<5120x128xf32, #tpu.memory_space<vmem_shared>>) offsets(%arg17 : memref<16xi32, #tpu.memory_space<vmem>>) semaphore(%arg22 : memref<!tpu.dma_semaphore, #tpu.memory_space<semaphore_mem>>)
    %dma_wait3A_171 = arith.constant 0 : i32
    %dma_wait3A_172 = arith.constant 0 : i32
    %dma_wait3A_173 = tpu.memref_slice %arg18[%dma_wait3A_171, %dma_wait3A_172] : memref<5120x128xf32, #tpu.memory_space<vmem_shared>> -> memref<5120x128xf32, #tpu.memory_space<vmem_shared>>
    tpu.wait_indirect_dma semaphore(%arg22 : memref<!tpu.dma_semaphore, #tpu.memory_space<semaphore_mem>>) src(%arg14 : memref<16x128xf32, #tpu.memory_space<vmem>>) dst(%dma_wait3A_173 : memref<5120x128xf32, #tpu.memory_space<vmem_shared>>)
    %add3A_174 = arith.constant 304 : i32
    %add3A_175 = arith.addi %multiple_of3A, %add3A_174 : i32
    %multiple_of3A_176 = tpu.assume_multiple %add3A_175, 8 : i32
    "tpu.region"() ({
      %run_scoped3A = tpu.sem_alloc : memref<!tpu.dma_semaphore, #tpu.memory_space<semaphore_mem>>
      %dma_start3A_406 = tpu.memref_slice %arg6[%multiple_of3A_176] : memref<10240xi32, #tpu.memory_space<hbm>> -> memref<16xi32, #tpu.memory_space<hbm>>
      %dma_start3A_407 = tpu.memref_slice %arg6[%multiple_of3A_176] : memref<10240xi32, #tpu.memory_space<hbm>> -> memref<16xi32, #tpu.memory_space<hbm>>
      tpu.enqueue_dma source(%dma_start3A_407 : memref<16xi32, #tpu.memory_space<hbm>>) target(%arg17 : memref<16xi32, #tpu.memory_space<vmem>>) target_semaphore(%run_scoped3A : memref<!tpu.dma_semaphore, #tpu.memory_space<semaphore_mem>>)
      %dma_wait3A_408 = tpu.memref_slice %arg6[%multiple_of3A_176] : memref<10240xi32, #tpu.memory_space<hbm>> -> memref<16xi32, #tpu.memory_space<hbm>>
      %dma_wait3A_409 = tpu.memref_slice %arg6[%multiple_of3A_176] : memref<10240xi32, #tpu.memory_space<hbm>> -> memref<16xi32, #tpu.memory_space<hbm>>
      tpu.wait_dma2 semaphore(%run_scoped3A : memref<!tpu.dma_semaphore, #tpu.memory_space<semaphore_mem>>) src(%dma_wait3A_409 : memref<16xi32, #tpu.memory_space<hbm>>) dst(%arg17 : memref<16xi32, #tpu.memory_space<vmem>>)
      tpu.yield
    }) : () -> ()
    %dma_start3A_177 = arith.constant 0 : i32
    %dma_start3A_178 = arith.constant 0 : i32
    %dma_start3A_179 = tpu.memref_slice %arg18[%dma_start3A_177, %dma_start3A_178] : memref<5120x128xf32, #tpu.memory_space<vmem_shared>> -> memref<5120x128xf32, #tpu.memory_space<vmem_shared>>
    tpu.enqueue_indirect_dma source(%arg14 : memref<16x128xf32, #tpu.memory_space<vmem>>) target(%dma_start3A_179 : memref<5120x128xf32, #tpu.memory_space<vmem_shared>>) offsets(%arg17 : memref<16xi32, #tpu.memory_space<vmem>>) semaphore(%arg22 : memref<!tpu.dma_semaphore, #tpu.memory_space<semaphore_mem>>)
    %dma_wait3A_180 = arith.constant 0 : i32
    %dma_wait3A_181 = arith.constant 0 : i32
    %dma_wait3A_182 = tpu.memref_slice %arg18[%dma_wait3A_180, %dma_wait3A_181] : memref<5120x128xf32, #tpu.memory_space<vmem_shared>> -> memref<5120x128xf32, #tpu.memory_space<vmem_shared>>
    tpu.wait_indirect_dma semaphore(%arg22 : memref<!tpu.dma_semaphore, #tpu.memory_space<semaphore_mem>>) src(%arg14 : memref<16x128xf32, #tpu.memory_space<vmem>>) dst(%dma_wait3A_182 : memref<5120x128xf32, #tpu.memory_space<vmem_shared>>)
    %barrier3A = arith.constant 0 : index
    tpu.barrier barrier_id(%barrier3A)
    %add3A_183 = arith.constant 0 : i32
    %add3A_184 = arith.addi %add3A, %add3A_183 : i32
    %multiple_of3A_185 = tpu.assume_multiple %add3A_184, 8 : i32
    %dma_start3A_186 = tpu.memref_slice %arg3[%multiple_of3A_185] : memref<337920xi32, #tpu.memory_space<hbm>> -> memref<16xi32, #tpu.memory_space<hbm>>
    %dma_start3A_187 = tpu.memref_slice %arg3[%multiple_of3A_185] : memref<337920xi32, #tpu.memory_space<hbm>> -> memref<16xi32, #tpu.memory_space<hbm>>
    tpu.enqueue_dma source(%dma_start3A_187 : memref<16xi32, #tpu.memory_space<hbm>>) target(%arg8 : memref<16xi32, #tpu.memory_space<vmem>>) target_semaphore(%arg25 : memref<!tpu.dma_semaphore, #tpu.memory_space<semaphore_mem>>)
    %add3A_188 = arith.constant 16 : i32
    %add3A_189 = arith.addi %add3A, %add3A_188 : i32
    %multiple_of3A_190 = tpu.assume_multiple %add3A_189, 8 : i32
    %dma_start3A_191 = tpu.memref_slice %arg3[%multiple_of3A_190] : memref<337920xi32, #tpu.memory_space<hbm>> -> memref<16xi32, #tpu.memory_space<hbm>>
    %dma_start3A_192 = tpu.memref_slice %arg3[%multiple_of3A_190] : memref<337920xi32, #tpu.memory_space<hbm>> -> memref<16xi32, #tpu.memory_space<hbm>>
    tpu.enqueue_dma source(%dma_start3A_192 : memref<16xi32, #tpu.memory_space<hbm>>) target(%arg9 : memref<16xi32, #tpu.memory_space<vmem>>) target_semaphore(%arg26 : memref<!tpu.dma_semaphore, #tpu.memory_space<semaphore_mem>>)
    %add3A_193 = arith.constant 32 : i32
    %add3A_194 = arith.addi %add3A, %add3A_193 : i32
    %multiple_of3A_195 = tpu.assume_multiple %add3A_194, 8 : i32
    %dma_start3A_196 = tpu.memref_slice %arg3[%multiple_of3A_195] : memref<337920xi32, #tpu.memory_space<hbm>> -> memref<16xi32, #tpu.memory_space<hbm>>
    %dma_start3A_197 = tpu.memref_slice %arg3[%multiple_of3A_195] : memref<337920xi32, #tpu.memory_space<hbm>> -> memref<16xi32, #tpu.memory_space<hbm>>
    tpu.enqueue_dma source(%dma_start3A_197 : memref<16xi32, #tpu.memory_space<hbm>>) target(%arg10 : memref<16xi32, #tpu.memory_space<vmem>>) target_semaphore(%arg27 : memref<!tpu.dma_semaphore, #tpu.memory_space<semaphore_mem>>)
    %add3A_198 = arith.constant 0 : i32
    %add3A_199 = arith.addi %add3A, %add3A_198 : i32
    %multiple_of3A_200 = tpu.assume_multiple %add3A_199, 8 : i32
    %dma_start3A_201 = tpu.memref_slice %arg4[%multiple_of3A_200] : memref<337920xi32, #tpu.memory_space<hbm>> -> memref<16xi32, #tpu.memory_space<hbm>>
    %dma_start3A_202 = tpu.memref_slice %arg4[%multiple_of3A_200] : memref<337920xi32, #tpu.memory_space<hbm>> -> memref<16xi32, #tpu.memory_space<hbm>>
    tpu.enqueue_dma source(%dma_start3A_202 : memref<16xi32, #tpu.memory_space<hbm>>) target(%arg11 : memref<16xi32, #tpu.memory_space<vmem>>) target_semaphore(%arg28 : memref<!tpu.dma_semaphore, #tpu.memory_space<semaphore_mem>>)
    %add3A_203 = arith.constant 0 : i32
    %add3A_204 = arith.addi %add3A, %add3A_203 : i32
    %multiple_of3A_205 = tpu.assume_multiple %add3A_204, 8 : i32
    %dma_wait3A_206 = tpu.memref_slice %arg3[%multiple_of3A_205] : memref<337920xi32, #tpu.memory_space<hbm>> -> memref<16xi32, #tpu.memory_space<hbm>>
    %dma_wait3A_207 = tpu.memref_slice %arg3[%multiple_of3A_205] : memref<337920xi32, #tpu.memory_space<hbm>> -> memref<16xi32, #tpu.memory_space<hbm>>
    tpu.wait_dma2 semaphore(%arg25 : memref<!tpu.dma_semaphore, #tpu.memory_space<semaphore_mem>>) src(%dma_wait3A_207 : memref<16xi32, #tpu.memory_space<hbm>>) dst(%arg8 : memref<16xi32, #tpu.memory_space<vmem>>)
    %dma_start3A_208 = arith.constant 0 : i32
    %dma_start3A_209 = arith.constant 0 : i32
    %dma_start3A_210 = tpu.memref_slice %arg2[%dma_start3A_208, %dma_start3A_209] : memref<10240x128xf32, #tpu.memory_space<hbm>> -> memref<10240x128xf32, #tpu.memory_space<hbm>>
    tpu.enqueue_indirect_dma source(%dma_start3A_210 : memref<10240x128xf32, #tpu.memory_space<hbm>>) target(%arg14 : memref<16x128xf32, #tpu.memory_space<vmem>>) offsets(%arg8 : memref<16xi32, #tpu.memory_space<vmem>>) semaphore(%arg19 : memref<!tpu.dma_semaphore, #tpu.memory_space<semaphore_mem>>)
    %scan3A = arith.constant 0 : i32
    %scan3A_211 = arith.constant 0 : i32
    %scan3A_212 = arith.constant 220 : i32
    %scan3A_213 = arith.addi %scan3A_211, %scan3A_212 : i32
    %scan3A_214 = arith.constant 1 : i32
    scf.for %scan3A_406 = %scan3A_211 to %scan3A_213 step %scan3A_214  : i32 {
      %mul3A_407 = arith.constant 3 : i32
      %mul3A_408 = arith.muli %mul3A_407, %scan3A_406 : i32
      %ge3A = arith.constant 2 : i32
      %ge3A_409 = arith.cmpi sge, %mul3A_408, %ge3A : i32
      %add3A_410 = arith.constant 1 : i32
      %add3A_411 = arith.addi %mul3A_408, %add3A_410 : i32
      %lt3A = arith.constant 660 : i32
      %lt3A_412 = arith.cmpi slt, %add3A_411, %lt3A : i32
      %and3A = arith.andi %ge3A_409, %lt3A_412 : i1
      %convert_element_type3A = arith.extui %and3A : i1 to i32
      %cond3A = arith.constant 0 : i32
      %cond3A_413 = arith.cmpi ne, %convert_element_type3A, %cond3A : i32
      scf.if %cond3A_413 {
        %dma_wait3A_516 = arith.constant 0 : i32
        %dma_wait3A_517 = arith.constant 0 : i32
        %dma_wait3A_518 = tpu.memref_slice %arg18[%dma_wait3A_516, %dma_wait3A_517] : memref<5120x128xf32, #tpu.memory_space<vmem_shared>> -> memref<5120x128xf32, #tpu.memory_space<vmem_shared>>
        tpu.wait_indirect_dma semaphore(%arg23 : memref<!tpu.dma_semaphore, #tpu.memory_space<semaphore_mem>>) src(%arg15 : memref<16x128xf32, #tpu.memory_space<vmem>>) dst(%dma_wait3A_518 : memref<5120x128xf32, #tpu.memory_space<vmem_shared>>)
      } else {
      }
      %add3A_414 = arith.constant 1 : i32
      %add3A_415 = arith.addi %mul3A_408, %add3A_414 : i32
      %lt3A_416 = arith.constant 660 : i32
      %lt3A_417 = arith.cmpi slt, %add3A_415, %lt3A_416 : i32
      %convert_element_type3A_418 = arith.extui %lt3A_417 : i1 to i32
      %cond3A_419 = arith.constant 0 : i32
      %cond3A_420 = arith.cmpi ne, %convert_element_type3A_418, %cond3A_419 : i32
      scf.if %cond3A_420 {
        %add3A_516 = arith.constant 1 : i32
        %add3A_517 = arith.addi %mul3A_408, %add3A_516 : i32
        %mul3A_518 = arith.constant 16 : i32
        %mul3A_519 = arith.muli %add3A_517, %mul3A_518 : i32
        %add3A_520 = arith.addi %add3A, %mul3A_519 : i32
        %multiple_of3A_521 = tpu.assume_multiple %add3A_520, 8 : i32
        %dma_wait3A_522 = tpu.memref_slice %arg3[%multiple_of3A_521] : memref<337920xi32, #tpu.memory_space<hbm>> -> memref<16xi32, #tpu.memory_space<hbm>>
        %dma_wait3A_523 = tpu.memref_slice %arg3[%multiple_of3A_521] : memref<337920xi32, #tpu.memory_space<hbm>> -> memref<16xi32, #tpu.memory_space<hbm>>
        tpu.wait_dma2 semaphore(%arg26 : memref<!tpu.dma_semaphore, #tpu.memory_space<semaphore_mem>>) src(%dma_wait3A_523 : memref<16xi32, #tpu.memory_space<hbm>>) dst(%arg9 : memref<16xi32, #tpu.memory_space<vmem>>)
        %add3A_524 = arith.constant 1 : i32
        %add3A_525 = arith.addi %mul3A_408, %add3A_524 : i32
        %mul3A_526 = arith.constant 16 : i32
        %mul3A_527 = arith.muli %add3A_525, %mul3A_526 : i32
        %add3A_528 = arith.addi %add3A, %mul3A_527 : i32
        %multiple_of3A_529 = tpu.assume_multiple %add3A_528, 8 : i32
        %dma_start3A_530 = tpu.memref_slice %arg4[%multiple_of3A_529] : memref<337920xi32, #tpu.memory_space<hbm>> -> memref<16xi32, #tpu.memory_space<hbm>>
        %dma_start3A_531 = tpu.memref_slice %arg4[%multiple_of3A_529] : memref<337920xi32, #tpu.memory_space<hbm>> -> memref<16xi32, #tpu.memory_space<hbm>>
        tpu.enqueue_dma source(%dma_start3A_531 : memref<16xi32, #tpu.memory_space<hbm>>) target(%arg12 : memref<16xi32, #tpu.memory_space<vmem>>) target_semaphore(%arg29 : memref<!tpu.dma_semaphore, #tpu.memory_space<semaphore_mem>>)
        %dma_start3A_532 = arith.constant 0 : i32
        %dma_start3A_533 = arith.constant 0 : i32
        %dma_start3A_534 = tpu.memref_slice %arg2[%dma_start3A_532, %dma_start3A_533] : memref<10240x128xf32, #tpu.memory_space<hbm>> -> memref<10240x128xf32, #tpu.memory_space<hbm>>
        tpu.enqueue_indirect_dma source(%dma_start3A_534 : memref<10240x128xf32, #tpu.memory_space<hbm>>) target(%arg15 : memref<16x128xf32, #tpu.memory_space<vmem>>) offsets(%arg9 : memref<16xi32, #tpu.memory_space<vmem>>) semaphore(%arg20 : memref<!tpu.dma_semaphore, #tpu.memory_space<semaphore_mem>>)
      } else {
      }
      %dma_wait3A_421 = arith.constant 0 : i32
      %dma_wait3A_422 = arith.constant 0 : i32
      %dma_wait3A_423 = tpu.memref_slice %arg2[%dma_wait3A_421, %dma_wait3A_422] : memref<10240x128xf32, #tpu.memory_space<hbm>> -> memref<10240x128xf32, #tpu.memory_space<hbm>>
      tpu.wait_indirect_dma semaphore(%arg19 : memref<!tpu.dma_semaphore, #tpu.memory_space<semaphore_mem>>) src(%dma_wait3A_423 : memref<10240x128xf32, #tpu.memory_space<hbm>>) dst(%arg14 : memref<16x128xf32, #tpu.memory_space<vmem>>)
      %mul3A_424 = arith.constant 16 : i32
      %mul3A_425 = arith.muli %mul3A_408, %mul3A_424 : i32
      %add3A_426 = arith.addi %add3A, %mul3A_425 : i32
      %multiple_of3A_427 = tpu.assume_multiple %add3A_426, 8 : i32
      %dma_wait3A_428 = tpu.memref_slice %arg4[%multiple_of3A_427] : memref<337920xi32, #tpu.memory_space<hbm>> -> memref<16xi32, #tpu.memory_space<hbm>>
      %dma_wait3A_429 = tpu.memref_slice %arg4[%multiple_of3A_427] : memref<337920xi32, #tpu.memory_space<hbm>> -> memref<16xi32, #tpu.memory_space<hbm>>
      tpu.wait_dma2 semaphore(%arg28 : memref<!tpu.dma_semaphore, #tpu.memory_space<semaphore_mem>>) src(%dma_wait3A_429 : memref<16xi32, #tpu.memory_space<hbm>>) dst(%arg11 : memref<16xi32, #tpu.memory_space<vmem>>)
      %dma_start3A_430 = arith.constant 0 : i32
      %dma_start3A_431 = arith.constant 0 : i32
      %dma_start3A_432 = tpu.memref_slice %arg18[%dma_start3A_430, %dma_start3A_431] : memref<5120x128xf32, #tpu.memory_space<vmem_shared>> -> memref<5120x128xf32, #tpu.memory_space<vmem_shared>>
      tpu.enqueue_indirect_dma source(%arg14 : memref<16x128xf32, #tpu.memory_space<vmem>>) target(%dma_start3A_432 : memref<5120x128xf32, #tpu.memory_space<vmem_shared>>) offsets(%arg11 : memref<16xi32, #tpu.memory_space<vmem>>) semaphore(%arg22 : memref<!tpu.dma_semaphore, #tpu.memory_space<semaphore_mem>>) {add = true}
      %add3A_433 = arith.constant 3 : i32
      %add3A_434 = arith.addi %mul3A_408, %add3A_433 : i32
      %lt3A_435 = arith.constant 660 : i32
      %lt3A_436 = arith.cmpi slt, %add3A_434, %lt3A_435 : i32
      %convert_element_type3A_437 = arith.extui %lt3A_436 : i1 to i32
      %cond3A_438 = arith.constant 0 : i32
      %cond3A_439 = arith.cmpi ne, %convert_element_type3A_437, %cond3A_438 : i32
      scf.if %cond3A_439 {
        %add3A_516 = arith.constant 3 : i32
        %add3A_517 = arith.addi %mul3A_408, %add3A_516 : i32
        %mul3A_518 = arith.constant 16 : i32
        %mul3A_519 = arith.muli %add3A_517, %mul3A_518 : i32
        %add3A_520 = arith.addi %add3A, %mul3A_519 : i32
        %multiple_of3A_521 = tpu.assume_multiple %add3A_520, 8 : i32
        %dma_start3A_522 = tpu.memref_slice %arg3[%multiple_of3A_521] : memref<337920xi32, #tpu.memory_space<hbm>> -> memref<16xi32, #tpu.memory_space<hbm>>
        %dma_start3A_523 = tpu.memref_slice %arg3[%multiple_of3A_521] : memref<337920xi32, #tpu.memory_space<hbm>> -> memref<16xi32, #tpu.memory_space<hbm>>
        tpu.enqueue_dma source(%dma_start3A_523 : memref<16xi32, #tpu.memory_space<hbm>>) target(%arg8 : memref<16xi32, #tpu.memory_space<vmem>>) target_semaphore(%arg25 : memref<!tpu.dma_semaphore, #tpu.memory_space<semaphore_mem>>)
      } else {
      }
      %add3A_440 = arith.constant 1 : i32
      %add3A_441 = arith.addi %mul3A_408, %add3A_440 : i32
      %ge3A_442 = arith.constant 2 : i32
      %ge3A_443 = arith.cmpi sge, %add3A_441, %ge3A_442 : i32
      %add3A_444 = arith.constant 1 : i32
      %add3A_445 = arith.addi %add3A_441, %add3A_444 : i32
      %lt3A_446 = arith.constant 660 : i32
      %lt3A_447 = arith.cmpi slt, %add3A_445, %lt3A_446 : i32
      %and3A_448 = arith.andi %ge3A_443, %lt3A_447 : i1
      %convert_element_type3A_449 = arith.extui %and3A_448 : i1 to i32
      %cond3A_450 = arith.constant 0 : i32
      %cond3A_451 = arith.cmpi ne, %convert_element_type3A_449, %cond3A_450 : i32
      scf.if %cond3A_451 {
        %dma_wait3A_516 = arith.constant 0 : i32
        %dma_wait3A_517 = arith.constant 0 : i32
        %dma_wait3A_518 = tpu.memref_slice %arg18[%dma_wait3A_516, %dma_wait3A_517] : memref<5120x128xf32, #tpu.memory_space<vmem_shared>> -> memref<5120x128xf32, #tpu.memory_space<vmem_shared>>
        tpu.wait_indirect_dma semaphore(%arg24 : memref<!tpu.dma_semaphore, #tpu.memory_space<semaphore_mem>>) src(%arg16 : memref<16x128xf32, #tpu.memory_space<vmem>>) dst(%dma_wait3A_518 : memref<5120x128xf32, #tpu.memory_space<vmem_shared>>)
      } else {
      }
      %add3A_452 = arith.constant 1 : i32
      %add3A_453 = arith.addi %add3A_441, %add3A_452 : i32
      %lt3A_454 = arith.constant 660 : i32
      %lt3A_455 = arith.cmpi slt, %add3A_453, %lt3A_454 : i32
      %convert_element_type3A_456 = arith.extui %lt3A_455 : i1 to i32
      %cond3A_457 = arith.constant 0 : i32
      %cond3A_458 = arith.cmpi ne, %convert_element_type3A_456, %cond3A_457 : i32
      scf.if %cond3A_458 {
        %add3A_516 = arith.constant 1 : i32
        %add3A_517 = arith.addi %add3A_441, %add3A_516 : i32
        %mul3A_518 = arith.constant 16 : i32
        %mul3A_519 = arith.muli %add3A_517, %mul3A_518 : i32
        %add3A_520 = arith.addi %add3A, %mul3A_519 : i32
        %multiple_of3A_521 = tpu.assume_multiple %add3A_520, 8 : i32
        %dma_wait3A_522 = tpu.memref_slice %arg3[%multiple_of3A_521] : memref<337920xi32, #tpu.memory_space<hbm>> -> memref<16xi32, #tpu.memory_space<hbm>>
        %dma_wait3A_523 = tpu.memref_slice %arg3[%multiple_of3A_521] : memref<337920xi32, #tpu.memory_space<hbm>> -> memref<16xi32, #tpu.memory_space<hbm>>
        tpu.wait_dma2 semaphore(%arg27 : memref<!tpu.dma_semaphore, #tpu.memory_space<semaphore_mem>>) src(%dma_wait3A_523 : memref<16xi32, #tpu.memory_space<hbm>>) dst(%arg10 : memref<16xi32, #tpu.memory_space<vmem>>)
        %add3A_524 = arith.constant 1 : i32
        %add3A_525 = arith.addi %add3A_441, %add3A_524 : i32
        %mul3A_526 = arith.constant 16 : i32
        %mul3A_527 = arith.muli %add3A_525, %mul3A_526 : i32
        %add3A_528 = arith.addi %add3A, %mul3A_527 : i32
        %multiple_of3A_529 = tpu.assume_multiple %add3A_528, 8 : i32
        %dma_start3A_530 = tpu.memref_slice %arg4[%multiple_of3A_529] : memref<337920xi32, #tpu.memory_space<hbm>> -> memref<16xi32, #tpu.memory_space<hbm>>
        %dma_start3A_531 = tpu.memref_slice %arg4[%multiple_of3A_529] : memref<337920xi32, #tpu.memory_space<hbm>> -> memref<16xi32, #tpu.memory_space<hbm>>
        tpu.enqueue_dma source(%dma_start3A_531 : memref<16xi32, #tpu.memory_space<hbm>>) target(%arg13 : memref<16xi32, #tpu.memory_space<vmem>>) target_semaphore(%arg30 : memref<!tpu.dma_semaphore, #tpu.memory_space<semaphore_mem>>)
        %dma_start3A_532 = arith.constant 0 : i32
        %dma_start3A_533 = arith.constant 0 : i32
        %dma_start3A_534 = tpu.memref_slice %arg2[%dma_start3A_532, %dma_start3A_533] : memref<10240x128xf32, #tpu.memory_space<hbm>> -> memref<10240x128xf32, #tpu.memory_space<hbm>>
        tpu.enqueue_indirect_dma source(%dma_start3A_534 : memref<10240x128xf32, #tpu.memory_space<hbm>>) target(%arg16 : memref<16x128xf32, #tpu.memory_space<vmem>>) offsets(%arg10 : memref<16xi32, #tpu.memory_space<vmem>>) semaphore(%arg21 : memref<!tpu.dma_semaphore, #tpu.memory_space<semaphore_mem>>)
      } else {
      }
      %dma_wait3A_459 = arith.constant 0 : i32
      %dma_wait3A_460 = arith.constant 0 : i32
      %dma_wait3A_461 = tpu.memref_slice %arg2[%dma_wait3A_459, %dma_wait3A_460] : memref<10240x128xf32, #tpu.memory_space<hbm>> -> memref<10240x128xf32, #tpu.memory_space<hbm>>
      tpu.wait_indirect_dma semaphore(%arg20 : memref<!tpu.dma_semaphore, #tpu.memory_space<semaphore_mem>>) src(%dma_wait3A_461 : memref<10240x128xf32, #tpu.memory_space<hbm>>) dst(%arg15 : memref<16x128xf32, #tpu.memory_space<vmem>>)
      %mul3A_462 = arith.constant 16 : i32
      %mul3A_463 = arith.muli %add3A_441, %mul3A_462 : i32
      %add3A_464 = arith.addi %add3A, %mul3A_463 : i32
      %multiple_of3A_465 = tpu.assume_multiple %add3A_464, 8 : i32
      %dma_wait3A_466 = tpu.memref_slice %arg4[%multiple_of3A_465] : memref<337920xi32, #tpu.memory_space<hbm>> -> memref<16xi32, #tpu.memory_space<hbm>>
      %dma_wait3A_467 = tpu.memref_slice %arg4[%multiple_of3A_465] : memref<337920xi32, #tpu.memory_space<hbm>> -> memref<16xi32, #tpu.memory_space<hbm>>
      tpu.wait_dma2 semaphore(%arg29 : memref<!tpu.dma_semaphore, #tpu.memory_space<semaphore_mem>>) src(%dma_wait3A_467 : memref<16xi32, #tpu.memory_space<hbm>>) dst(%arg12 : memref<16xi32, #tpu.memory_space<vmem>>)
      %dma_start3A_468 = arith.constant 0 : i32
      %dma_start3A_469 = arith.constant 0 : i32
      %dma_start3A_470 = tpu.memref_slice %arg18[%dma_start3A_468, %dma_start3A_469] : memref<5120x128xf32, #tpu.memory_space<vmem_shared>> -> memref<5120x128xf32, #tpu.memory_space<vmem_shared>>
      tpu.enqueue_indirect_dma source(%arg15 : memref<16x128xf32, #tpu.memory_space<vmem>>) target(%dma_start3A_470 : memref<5120x128xf32, #tpu.memory_space<vmem_shared>>) offsets(%arg12 : memref<16xi32, #tpu.memory_space<vmem>>) semaphore(%arg23 : memref<!tpu.dma_semaphore, #tpu.memory_space<semaphore_mem>>) {add = true}
      %add3A_471 = arith.constant 3 : i32
      %add3A_472 = arith.addi %add3A_441, %add3A_471 : i32
      %lt3A_473 = arith.constant 660 : i32
      %lt3A_474 = arith.cmpi slt, %add3A_472, %lt3A_473 : i32
      %convert_element_type3A_475 = arith.extui %lt3A_474 : i1 to i32
      %cond3A_476 = arith.constant 0 : i32
      %cond3A_477 = arith.cmpi ne, %convert_element_type3A_475, %cond3A_476 : i32
      scf.if %cond3A_477 {
        %add3A_516 = arith.constant 3 : i32
        %add3A_517 = arith.addi %add3A_441, %add3A_516 : i32
        %mul3A_518 = arith.constant 16 : i32
        %mul3A_519 = arith.muli %add3A_517, %mul3A_518 : i32
        %add3A_520 = arith.addi %add3A, %mul3A_519 : i32
        %multiple_of3A_521 = tpu.assume_multiple %add3A_520, 8 : i32
        %dma_start3A_522 = tpu.memref_slice %arg3[%multiple_of3A_521] : memref<337920xi32, #tpu.memory_space<hbm>> -> memref<16xi32, #tpu.memory_space<hbm>>
        %dma_start3A_523 = tpu.memref_slice %arg3[%multiple_of3A_521] : memref<337920xi32, #tpu.memory_space<hbm>> -> memref<16xi32, #tpu.memory_space<hbm>>
        tpu.enqueue_dma source(%dma_start3A_523 : memref<16xi32, #tpu.memory_space<hbm>>) target(%arg9 : memref<16xi32, #tpu.memory_space<vmem>>) target_semaphore(%arg26 : memref<!tpu.dma_semaphore, #tpu.memory_space<semaphore_mem>>)
      } else {
      }
      %add3A_478 = arith.constant 2 : i32
      %add3A_479 = arith.addi %mul3A_408, %add3A_478 : i32
      %ge3A_480 = arith.constant 2 : i32
      %ge3A_481 = arith.cmpi sge, %add3A_479, %ge3A_480 : i32
      %add3A_482 = arith.constant 1 : i32
      %add3A_483 = arith.addi %add3A_479, %add3A_482 : i32
      %lt3A_484 = arith.constant 660 : i32
      %lt3A_485 = arith.cmpi slt, %add3A_483, %lt3A_484 : i32
      %and3A_486 = arith.andi %ge3A_481, %lt3A_485 : i1
      %convert_element_type3A_487 = arith.extui %and3A_486 : i1 to i32
      %cond3A_488 = arith.constant 0 : i32
      %cond3A_489 = arith.cmpi ne, %convert_element_type3A_487, %cond3A_488 : i32
      scf.if %cond3A_489 {
        %dma_wait3A_516 = arith.constant 0 : i32
        %dma_wait3A_517 = arith.constant 0 : i32
        %dma_wait3A_518 = tpu.memref_slice %arg18[%dma_wait3A_516, %dma_wait3A_517] : memref<5120x128xf32, #tpu.memory_space<vmem_shared>> -> memref<5120x128xf32, #tpu.memory_space<vmem_shared>>
        tpu.wait_indirect_dma semaphore(%arg22 : memref<!tpu.dma_semaphore, #tpu.memory_space<semaphore_mem>>) src(%arg14 : memref<16x128xf32, #tpu.memory_space<vmem>>) dst(%dma_wait3A_518 : memref<5120x128xf32, #tpu.memory_space<vmem_shared>>)
      } else {
      }
      %add3A_490 = arith.constant 1 : i32
      %add3A_491 = arith.addi %add3A_479, %add3A_490 : i32
      %lt3A_492 = arith.constant 660 : i32
      %lt3A_493 = arith.cmpi slt, %add3A_491, %lt3A_492 : i32
      %convert_element_type3A_494 = arith.extui %lt3A_493 : i1 to i32
      %cond3A_495 = arith.constant 0 : i32
      %cond3A_496 = arith.cmpi ne, %convert_element_type3A_494, %cond3A_495 : i32
      scf.if %cond3A_496 {
        %add3A_516 = arith.constant 1 : i32
        %add3A_517 = arith.addi %add3A_479, %add3A_516 : i32
        %mul3A_518 = arith.constant 16 : i32
        %mul3A_519 = arith.muli %add3A_517, %mul3A_518 : i32
        %add3A_520 = arith.addi %add3A, %mul3A_519 : i32
        %multiple_of3A_521 = tpu.assume_multiple %add3A_520, 8 : i32
        %dma_wait3A_522 = tpu.memref_slice %arg3[%multiple_of3A_521] : memref<337920xi32, #tpu.memory_space<hbm>> -> memref<16xi32, #tpu.memory_space<hbm>>
        %dma_wait3A_523 = tpu.memref_slice %arg3[%multiple_of3A_521] : memref<337920xi32, #tpu.memory_space<hbm>> -> memref<16xi32, #tpu.memory_space<hbm>>
        tpu.wait_dma2 semaphore(%arg25 : memref<!tpu.dma_semaphore, #tpu.memory_space<semaphore_mem>>) src(%dma_wait3A_523 : memref<16xi32, #tpu.memory_space<hbm>>) dst(%arg8 : memref<16xi32, #tpu.memory_space<vmem>>)
        %add3A_524 = arith.constant 1 : i32
        %add3A_525 = arith.addi %add3A_479, %add3A_524 : i32
        %mul3A_526 = arith.constant 16 : i32
        %mul3A_527 = arith.muli %add3A_525, %mul3A_526 : i32
        %add3A_528 = arith.addi %add3A, %mul3A_527 : i32
        %multiple_of3A_529 = tpu.assume_multiple %add3A_528, 8 : i32
        %dma_start3A_530 = tpu.memref_slice %arg4[%multiple_of3A_529] : memref<337920xi32, #tpu.memory_space<hbm>> -> memref<16xi32, #tpu.memory_space<hbm>>
        %dma_start3A_531 = tpu.memref_slice %arg4[%multiple_of3A_529] : memref<337920xi32, #tpu.memory_space<hbm>> -> memref<16xi32, #tpu.memory_space<hbm>>
        tpu.enqueue_dma source(%dma_start3A_531 : memref<16xi32, #tpu.memory_space<hbm>>) target(%arg11 : memref<16xi32, #tpu.memory_space<vmem>>) target_semaphore(%arg28 : memref<!tpu.dma_semaphore, #tpu.memory_space<semaphore_mem>>)
        %dma_start3A_532 = arith.constant 0 : i32
        %dma_start3A_533 = arith.constant 0 : i32
        %dma_start3A_534 = tpu.memref_slice %arg2[%dma_start3A_532, %dma_start3A_533] : memref<10240x128xf32, #tpu.memory_space<hbm>> -> memref<10240x128xf32, #tpu.memory_space<hbm>>
        tpu.enqueue_indirect_dma source(%dma_start3A_534 : memref<10240x128xf32, #tpu.memory_space<hbm>>) target(%arg14 : memref<16x128xf32, #tpu.memory_space<vmem>>) offsets(%arg8 : memref<16xi32, #tpu.memory_space<vmem>>) semaphore(%arg19 : memref<!tpu.dma_semaphore, #tpu.memory_space<semaphore_mem>>)
      } else {
      }
      %dma_wait3A_497 = arith.constant 0 : i32
      %dma_wait3A_498 = arith.constant 0 : i32
      %dma_wait3A_499 = tpu.memref_slice %arg2[%dma_wait3A_497, %dma_wait3A_498] : memref<10240x128xf32, #tpu.memory_space<hbm>> -> memref<10240x128xf32, #tpu.memory_space<hbm>>
      tpu.wait_indirect_dma semaphore(%arg21 : memref<!tpu.dma_semaphore, #tpu.memory_space<semaphore_mem>>) src(%dma_wait3A_499 : memref<10240x128xf32, #tpu.memory_space<hbm>>) dst(%arg16 : memref<16x128xf32, #tpu.memory_space<vmem>>)
      %mul3A_500 = arith.constant 16 : i32
      %mul3A_501 = arith.muli %add3A_479, %mul3A_500 : i32
      %add3A_502 = arith.addi %add3A, %mul3A_501 : i32
      %multiple_of3A_503 = tpu.assume_multiple %add3A_502, 8 : i32
      %dma_wait3A_504 = tpu.memref_slice %arg4[%multiple_of3A_503] : memref<337920xi32, #tpu.memory_space<hbm>> -> memref<16xi32, #tpu.memory_space<hbm>>
      %dma_wait3A_505 = tpu.memref_slice %arg4[%multiple_of3A_503] : memref<337920xi32, #tpu.memory_space<hbm>> -> memref<16xi32, #tpu.memory_space<hbm>>
      tpu.wait_dma2 semaphore(%arg30 : memref<!tpu.dma_semaphore, #tpu.memory_space<semaphore_mem>>) src(%dma_wait3A_505 : memref<16xi32, #tpu.memory_space<hbm>>) dst(%arg13 : memref<16xi32, #tpu.memory_space<vmem>>)
      %dma_start3A_506 = arith.constant 0 : i32
      %dma_start3A_507 = arith.constant 0 : i32
      %dma_start3A_508 = tpu.memref_slice %arg18[%dma_start3A_506, %dma_start3A_507] : memref<5120x128xf32, #tpu.memory_space<vmem_shared>> -> memref<5120x128xf32, #tpu.memory_space<vmem_shared>>
      tpu.enqueue_indirect_dma source(%arg16 : memref<16x128xf32, #tpu.memory_space<vmem>>) target(%dma_start3A_508 : memref<5120x128xf32, #tpu.memory_space<vmem_shared>>) offsets(%arg13 : memref<16xi32, #tpu.memory_space<vmem>>) semaphore(%arg24 : memref<!tpu.dma_semaphore, #tpu.memory_space<semaphore_mem>>) {add = true}
      %add3A_509 = arith.constant 3 : i32
      %add3A_510 = arith.addi %add3A_479, %add3A_509 : i32
      %lt3A_511 = arith.constant 660 : i32
      %lt3A_512 = arith.cmpi slt, %add3A_510, %lt3A_511 : i32
      %convert_element_type3A_513 = arith.extui %lt3A_512 : i1 to i32
      %cond3A_514 = arith.constant 0 : i32
      %cond3A_515 = arith.cmpi ne, %convert_element_type3A_513, %cond3A_514 : i32
      scf.if %cond3A_515 {
        %add3A_516 = arith.constant 3 : i32
        %add3A_517 = arith.addi %add3A_479, %add3A_516 : i32
        %mul3A_518 = arith.constant 16 : i32
        %mul3A_519 = arith.muli %add3A_517, %mul3A_518 : i32
        %add3A_520 = arith.addi %add3A, %mul3A_519 : i32
        %multiple_of3A_521 = tpu.assume_multiple %add3A_520, 8 : i32
        %dma_start3A_522 = tpu.memref_slice %arg3[%multiple_of3A_521] : memref<337920xi32, #tpu.memory_space<hbm>> -> memref<16xi32, #tpu.memory_space<hbm>>
        %dma_start3A_523 = tpu.memref_slice %arg3[%multiple_of3A_521] : memref<337920xi32, #tpu.memory_space<hbm>> -> memref<16xi32, #tpu.memory_space<hbm>>
        tpu.enqueue_dma source(%dma_start3A_523 : memref<16xi32, #tpu.memory_space<hbm>>) target(%arg10 : memref<16xi32, #tpu.memory_space<vmem>>) target_semaphore(%arg27 : memref<!tpu.dma_semaphore, #tpu.memory_space<semaphore_mem>>)
      } else {
      }
    }
    %scan3A_215 = arith.constant 220 : i32
    %dma_wait3A_216 = arith.constant 0 : i32
    %dma_wait3A_217 = arith.constant 0 : i32
    %dma_wait3A_218 = tpu.memref_slice %arg18[%dma_wait3A_216, %dma_wait3A_217] : memref<5120x128xf32, #tpu.memory_space<vmem_shared>> -> memref<5120x128xf32, #tpu.memory_space<vmem_shared>>
    tpu.wait_indirect_dma semaphore(%arg22 : memref<!tpu.dma_semaphore, #tpu.memory_space<semaphore_mem>>) src(%arg14 : memref<16x128xf32, #tpu.memory_space<vmem>>) dst(%dma_wait3A_218 : memref<5120x128xf32, #tpu.memory_space<vmem_shared>>)
    %dma_wait3A_219 = arith.constant 0 : i32
    %dma_wait3A_220 = arith.constant 0 : i32
    %dma_wait3A_221 = tpu.memref_slice %arg18[%dma_wait3A_219, %dma_wait3A_220] : memref<5120x128xf32, #tpu.memory_space<vmem_shared>> -> memref<5120x128xf32, #tpu.memory_space<vmem_shared>>
    tpu.wait_indirect_dma semaphore(%arg23 : memref<!tpu.dma_semaphore, #tpu.memory_space<semaphore_mem>>) src(%arg15 : memref<16x128xf32, #tpu.memory_space<vmem>>) dst(%dma_wait3A_221 : memref<5120x128xf32, #tpu.memory_space<vmem_shared>>)
    %dma_wait3A_222 = arith.constant 0 : i32
    %dma_wait3A_223 = arith.constant 0 : i32
    %dma_wait3A_224 = tpu.memref_slice %arg18[%dma_wait3A_222, %dma_wait3A_223] : memref<5120x128xf32, #tpu.memory_space<vmem_shared>> -> memref<5120x128xf32, #tpu.memory_space<vmem_shared>>
    tpu.wait_indirect_dma semaphore(%arg24 : memref<!tpu.dma_semaphore, #tpu.memory_space<semaphore_mem>>) src(%arg16 : memref<16x128xf32, #tpu.memory_space<vmem>>) dst(%dma_wait3A_224 : memref<5120x128xf32, #tpu.memory_space<vmem_shared>>)
    %barrier3A_225 = arith.constant 0 : index
    tpu.barrier barrier_id(%barrier3A_225)
    %add3A_226 = arith.constant 0 : i32
    %add3A_227 = arith.addi %multiple_of3A, %add3A_226 : i32
    %multiple_of3A_228 = tpu.assume_multiple %add3A_227, 8 : i32
    "tpu.region"() ({
      %run_scoped3A = tpu.sem_alloc : memref<!tpu.dma_semaphore, #tpu.memory_space<semaphore_mem>>
      %dma_start3A_406 = tpu.memref_slice %arg6[%multiple_of3A_228] : memref<10240xi32, #tpu.memory_space<hbm>> -> memref<16xi32, #tpu.memory_space<hbm>>
      %dma_start3A_407 = tpu.memref_slice %arg6[%multiple_of3A_228] : memref<10240xi32, #tpu.memory_space<hbm>> -> memref<16xi32, #tpu.memory_space<hbm>>
      tpu.enqueue_dma source(%dma_start3A_407 : memref<16xi32, #tpu.memory_space<hbm>>) target(%arg17 : memref<16xi32, #tpu.memory_space<vmem>>) target_semaphore(%run_scoped3A : memref<!tpu.dma_semaphore, #tpu.memory_space<semaphore_mem>>)
      %dma_wait3A_408 = tpu.memref_slice %arg6[%multiple_of3A_228] : memref<10240xi32, #tpu.memory_space<hbm>> -> memref<16xi32, #tpu.memory_space<hbm>>
      %dma_wait3A_409 = tpu.memref_slice %arg6[%multiple_of3A_228] : memref<10240xi32, #tpu.memory_space<hbm>> -> memref<16xi32, #tpu.memory_space<hbm>>
      tpu.wait_dma2 semaphore(%run_scoped3A : memref<!tpu.dma_semaphore, #tpu.memory_space<semaphore_mem>>) src(%dma_wait3A_409 : memref<16xi32, #tpu.memory_space<hbm>>) dst(%arg17 : memref<16xi32, #tpu.memory_space<vmem>>)
      tpu.yield
    }) : () -> ()
    %dma_start3A_229 = arith.constant 0 : i32
    %dma_start3A_230 = arith.constant 0 : i32
    %dma_start3A_231 = tpu.memref_slice %arg18[%dma_start3A_229, %dma_start3A_230] : memref<5120x128xf32, #tpu.memory_space<vmem_shared>> -> memref<5120x128xf32, #tpu.memory_space<vmem_shared>>
    tpu.enqueue_indirect_dma source(%dma_start3A_231 : memref<5120x128xf32, #tpu.memory_space<vmem_shared>>) target(%arg14 : memref<16x128xf32, #tpu.memory_space<vmem>>) offsets(%arg17 : memref<16xi32, #tpu.memory_space<vmem>>) semaphore(%arg22 : memref<!tpu.dma_semaphore, #tpu.memory_space<semaphore_mem>>)
    %dma_wait3A_232 = arith.constant 0 : i32
    %dma_wait3A_233 = arith.constant 0 : i32
    %dma_wait3A_234 = tpu.memref_slice %arg18[%dma_wait3A_232, %dma_wait3A_233] : memref<5120x128xf32, #tpu.memory_space<vmem_shared>> -> memref<5120x128xf32, #tpu.memory_space<vmem_shared>>
    tpu.wait_indirect_dma semaphore(%arg22 : memref<!tpu.dma_semaphore, #tpu.memory_space<semaphore_mem>>) src(%dma_wait3A_234 : memref<5120x128xf32, #tpu.memory_space<vmem_shared>>) dst(%arg14 : memref<16x128xf32, #tpu.memory_space<vmem>>)
    "tpu.region"() ({
      %run_scoped3A = tpu.sem_alloc : memref<!tpu.dma_semaphore, #tpu.memory_space<semaphore_mem>>
      %dma_start3A_406 = arith.constant 0 : i32
      %dma_start3A_407 = tpu.memref_slice %arg7[%arg0, %multiple_of3A_228, %dma_start3A_406] : memref<2x5120x128xf32, #tpu.memory_space<hbm>> -> memref<1x16x128xf32, #tpu.memory_space<hbm>>
      %dma_start3A_408 = tpu.memref_squeeze %dma_start3A_407 : memref<1x16x128xf32, #tpu.memory_space<hbm>> -> memref<16x128xf32, #tpu.memory_space<hbm>>
      %dma_start3A_409 = arith.constant 0 : i32
      %dma_start3A_410 = tpu.memref_slice %arg7[%arg0, %multiple_of3A_228, %dma_start3A_409] : memref<2x5120x128xf32, #tpu.memory_space<hbm>> -> memref<1x16x128xf32, #tpu.memory_space<hbm>>
      %dma_start3A_411 = tpu.memref_squeeze %dma_start3A_410 : memref<1x16x128xf32, #tpu.memory_space<hbm>> -> memref<16x128xf32, #tpu.memory_space<hbm>>
      tpu.enqueue_dma source(%arg14 : memref<16x128xf32, #tpu.memory_space<vmem>>) target(%dma_start3A_411 : memref<16x128xf32, #tpu.memory_space<hbm>>) target_semaphore(%run_scoped3A : memref<!tpu.dma_semaphore, #tpu.memory_space<semaphore_mem>>)
      %dma_wait3A_412 = arith.constant 0 : i32
      %dma_wait3A_413 = tpu.memref_slice %arg7[%arg0, %multiple_of3A_228, %dma_wait3A_412] : memref<2x5120x128xf32, #tpu.memory_space<hbm>> -> memref<1x16x128xf32, #tpu.memory_space<hbm>>
      %dma_wait3A_414 = tpu.memref_squeeze %dma_wait3A_413 : memref<1x16x128xf32, #tpu.memory_space<hbm>> -> memref<16x128xf32, #tpu.memory_space<hbm>>
      %dma_wait3A_415 = arith.constant 0 : i32
      %dma_wait3A_416 = tpu.memref_slice %arg7[%arg0, %multiple_of3A_228, %dma_wait3A_415] : memref<2x5120x128xf32, #tpu.memory_space<hbm>> -> memref<1x16x128xf32, #tpu.memory_space<hbm>>
      %dma_wait3A_417 = tpu.memref_squeeze %dma_wait3A_416 : memref<1x16x128xf32, #tpu.memory_space<hbm>> -> memref<16x128xf32, #tpu.memory_space<hbm>>
      tpu.wait_dma2 semaphore(%run_scoped3A : memref<!tpu.dma_semaphore, #tpu.memory_space<semaphore_mem>>) src(%arg14 : memref<16x128xf32, #tpu.memory_space<vmem>>) dst(%dma_wait3A_417 : memref<16x128xf32, #tpu.memory_space<hbm>>)
      tpu.yield
    }) : () -> ()
    %add3A_235 = arith.constant 16 : i32
    %add3A_236 = arith.addi %multiple_of3A, %add3A_235 : i32
    %multiple_of3A_237 = tpu.assume_multiple %add3A_236, 8 : i32
    "tpu.region"() ({
      %run_scoped3A = tpu.sem_alloc : memref<!tpu.dma_semaphore, #tpu.memory_space<semaphore_mem>>
      %dma_start3A_406 = tpu.memref_slice %arg6[%multiple_of3A_237] : memref<10240xi32, #tpu.memory_space<hbm>> -> memref<16xi32, #tpu.memory_space<hbm>>
      %dma_start3A_407 = tpu.memref_slice %arg6[%multiple_of3A_237] : memref<10240xi32, #tpu.memory_space<hbm>> -> memref<16xi32, #tpu.memory_space<hbm>>
      tpu.enqueue_dma source(%dma_start3A_407 : memref<16xi32, #tpu.memory_space<hbm>>) target(%arg17 : memref<16xi32, #tpu.memory_space<vmem>>) target_semaphore(%run_scoped3A : memref<!tpu.dma_semaphore, #tpu.memory_space<semaphore_mem>>)
      %dma_wait3A_408 = tpu.memref_slice %arg6[%multiple_of3A_237] : memref<10240xi32, #tpu.memory_space<hbm>> -> memref<16xi32, #tpu.memory_space<hbm>>
      %dma_wait3A_409 = tpu.memref_slice %arg6[%multiple_of3A_237] : memref<10240xi32, #tpu.memory_space<hbm>> -> memref<16xi32, #tpu.memory_space<hbm>>
      tpu.wait_dma2 semaphore(%run_scoped3A : memref<!tpu.dma_semaphore, #tpu.memory_space<semaphore_mem>>) src(%dma_wait3A_409 : memref<16xi32, #tpu.memory_space<hbm>>) dst(%arg17 : memref<16xi32, #tpu.memory_space<vmem>>)
      tpu.yield
    }) : () -> ()
    %dma_start3A_238 = arith.constant 0 : i32
    %dma_start3A_239 = arith.constant 0 : i32
    %dma_start3A_240 = tpu.memref_slice %arg18[%dma_start3A_238, %dma_start3A_239] : memref<5120x128xf32, #tpu.memory_space<vmem_shared>> -> memref<5120x128xf32, #tpu.memory_space<vmem_shared>>
    tpu.enqueue_indirect_dma source(%dma_start3A_240 : memref<5120x128xf32, #tpu.memory_space<vmem_shared>>) target(%arg14 : memref<16x128xf32, #tpu.memory_space<vmem>>) offsets(%arg17 : memref<16xi32, #tpu.memory_space<vmem>>) semaphore(%arg22 : memref<!tpu.dma_semaphore, #tpu.memory_space<semaphore_mem>>)
    %dma_wait3A_241 = arith.constant 0 : i32
    %dma_wait3A_242 = arith.constant 0 : i32
    %dma_wait3A_243 = tpu.memref_slice %arg18[%dma_wait3A_241, %dma_wait3A_242] : memref<5120x128xf32, #tpu.memory_space<vmem_shared>> -> memref<5120x128xf32, #tpu.memory_space<vmem_shared>>
    tpu.wait_indirect_dma semaphore(%arg22 : memref<!tpu.dma_semaphore, #tpu.memory_space<semaphore_mem>>) src(%dma_wait3A_243 : memref<5120x128xf32, #tpu.memory_space<vmem_shared>>) dst(%arg14 : memref<16x128xf32, #tpu.memory_space<vmem>>)
    "tpu.region"() ({
      %run_scoped3A = tpu.sem_alloc : memref<!tpu.dma_semaphore, #tpu.memory_space<semaphore_mem>>
      %dma_start3A_406 = arith.constant 0 : i32
      %dma_start3A_407 = tpu.memref_slice %arg7[%arg0, %multiple_of3A_237, %dma_start3A_406] : memref<2x5120x128xf32, #tpu.memory_space<hbm>> -> memref<1x16x128xf32, #tpu.memory_space<hbm>>
      %dma_start3A_408 = tpu.memref_squeeze %dma_start3A_407 : memref<1x16x128xf32, #tpu.memory_space<hbm>> -> memref<16x128xf32, #tpu.memory_space<hbm>>
      %dma_start3A_409 = arith.constant 0 : i32
      %dma_start3A_410 = tpu.memref_slice %arg7[%arg0, %multiple_of3A_237, %dma_start3A_409] : memref<2x5120x128xf32, #tpu.memory_space<hbm>> -> memref<1x16x128xf32, #tpu.memory_space<hbm>>
      %dma_start3A_411 = tpu.memref_squeeze %dma_start3A_410 : memref<1x16x128xf32, #tpu.memory_space<hbm>> -> memref<16x128xf32, #tpu.memory_space<hbm>>
      tpu.enqueue_dma source(%arg14 : memref<16x128xf32, #tpu.memory_space<vmem>>) target(%dma_start3A_411 : memref<16x128xf32, #tpu.memory_space<hbm>>) target_semaphore(%run_scoped3A : memref<!tpu.dma_semaphore, #tpu.memory_space<semaphore_mem>>)
      %dma_wait3A_412 = arith.constant 0 : i32
      %dma_wait3A_413 = tpu.memref_slice %arg7[%arg0, %multiple_of3A_237, %dma_wait3A_412] : memref<2x5120x128xf32, #tpu.memory_space<hbm>> -> memref<1x16x128xf32, #tpu.memory_space<hbm>>
      %dma_wait3A_414 = tpu.memref_squeeze %dma_wait3A_413 : memref<1x16x128xf32, #tpu.memory_space<hbm>> -> memref<16x128xf32, #tpu.memory_space<hbm>>
      %dma_wait3A_415 = arith.constant 0 : i32
      %dma_wait3A_416 = tpu.memref_slice %arg7[%arg0, %multiple_of3A_237, %dma_wait3A_415] : memref<2x5120x128xf32, #tpu.memory_space<hbm>> -> memref<1x16x128xf32, #tpu.memory_space<hbm>>
      %dma_wait3A_417 = tpu.memref_squeeze %dma_wait3A_416 : memref<1x16x128xf32, #tpu.memory_space<hbm>> -> memref<16x128xf32, #tpu.memory_space<hbm>>
      tpu.wait_dma2 semaphore(%run_scoped3A : memref<!tpu.dma_semaphore, #tpu.memory_space<semaphore_mem>>) src(%arg14 : memref<16x128xf32, #tpu.memory_space<vmem>>) dst(%dma_wait3A_417 : memref<16x128xf32, #tpu.memory_space<hbm>>)
      tpu.yield
    }) : () -> ()
    %add3A_244 = arith.constant 32 : i32
    %add3A_245 = arith.addi %multiple_of3A, %add3A_244 : i32
    %multiple_of3A_246 = tpu.assume_multiple %add3A_245, 8 : i32
    "tpu.region"() ({
      %run_scoped3A = tpu.sem_alloc : memref<!tpu.dma_semaphore, #tpu.memory_space<semaphore_mem>>
      %dma_start3A_406 = tpu.memref_slice %arg6[%multiple_of3A_246] : memref<10240xi32, #tpu.memory_space<hbm>> -> memref<16xi32, #tpu.memory_space<hbm>>
      %dma_start3A_407 = tpu.memref_slice %arg6[%multiple_of3A_246] : memref<10240xi32, #tpu.memory_space<hbm>> -> memref<16xi32, #tpu.memory_space<hbm>>
      tpu.enqueue_dma source(%dma_start3A_407 : memref<16xi32, #tpu.memory_space<hbm>>) target(%arg17 : memref<16xi32, #tpu.memory_space<vmem>>) target_semaphore(%run_scoped3A : memref<!tpu.dma_semaphore, #tpu.memory_space<semaphore_mem>>)
      %dma_wait3A_408 = tpu.memref_slice %arg6[%multiple_of3A_246] : memref<10240xi32, #tpu.memory_space<hbm>> -> memref<16xi32, #tpu.memory_space<hbm>>
      %dma_wait3A_409 = tpu.memref_slice %arg6[%multiple_of3A_246] : memref<10240xi32, #tpu.memory_space<hbm>> -> memref<16xi32, #tpu.memory_space<hbm>>
      tpu.wait_dma2 semaphore(%run_scoped3A : memref<!tpu.dma_semaphore, #tpu.memory_space<semaphore_mem>>) src(%dma_wait3A_409 : memref<16xi32, #tpu.memory_space<hbm>>) dst(%arg17 : memref<16xi32, #tpu.memory_space<vmem>>)
      tpu.yield
    }) : () -> ()
    %dma_start3A_247 = arith.constant 0 : i32
    %dma_start3A_248 = arith.constant 0 : i32
    %dma_start3A_249 = tpu.memref_slice %arg18[%dma_start3A_247, %dma_start3A_248] : memref<5120x128xf32, #tpu.memory_space<vmem_shared>> -> memref<5120x128xf32, #tpu.memory_space<vmem_shared>>
    tpu.enqueue_indirect_dma source(%dma_start3A_249 : memref<5120x128xf32, #tpu.memory_space<vmem_shared>>) target(%arg14 : memref<16x128xf32, #tpu.memory_space<vmem>>) offsets(%arg17 : memref<16xi32, #tpu.memory_space<vmem>>) semaphore(%arg22 : memref<!tpu.dma_semaphore, #tpu.memory_space<semaphore_mem>>)
    %dma_wait3A_250 = arith.constant 0 : i32
    %dma_wait3A_251 = arith.constant 0 : i32
    %dma_wait3A_252 = tpu.memref_slice %arg18[%dma_wait3A_250, %dma_wait3A_251] : memref<5120x128xf32, #tpu.memory_space<vmem_shared>> -> memref<5120x128xf32, #tpu.memory_space<vmem_shared>>
    tpu.wait_indirect_dma semaphore(%arg22 : memref<!tpu.dma_semaphore, #tpu.memory_space<semaphore_mem>>) src(%dma_wait3A_252 : memref<5120x128xf32, #tpu.memory_space<vmem_shared>>) dst(%arg14 : memref<16x128xf32, #tpu.memory_space<vmem>>)
    "tpu.region"() ({
      %run_scoped3A = tpu.sem_alloc : memref<!tpu.dma_semaphore, #tpu.memory_space<semaphore_mem>>
      %dma_start3A_406 = arith.constant 0 : i32
      %dma_start3A_407 = tpu.memref_slice %arg7[%arg0, %multiple_of3A_246, %dma_start3A_406] : memref<2x5120x128xf32, #tpu.memory_space<hbm>> -> memref<1x16x128xf32, #tpu.memory_space<hbm>>
      %dma_start3A_408 = tpu.memref_squeeze %dma_start3A_407 : memref<1x16x128xf32, #tpu.memory_space<hbm>> -> memref<16x128xf32, #tpu.memory_space<hbm>>
      %dma_start3A_409 = arith.constant 0 : i32
      %dma_start3A_410 = tpu.memref_slice %arg7[%arg0, %multiple_of3A_246, %dma_start3A_409] : memref<2x5120x128xf32, #tpu.memory_space<hbm>> -> memref<1x16x128xf32, #tpu.memory_space<hbm>>
      %dma_start3A_411 = tpu.memref_squeeze %dma_start3A_410 : memref<1x16x128xf32, #tpu.memory_space<hbm>> -> memref<16x128xf32, #tpu.memory_space<hbm>>
      tpu.enqueue_dma source(%arg14 : memref<16x128xf32, #tpu.memory_space<vmem>>) target(%dma_start3A_411 : memref<16x128xf32, #tpu.memory_space<hbm>>) target_semaphore(%run_scoped3A : memref<!tpu.dma_semaphore, #tpu.memory_space<semaphore_mem>>)
      %dma_wait3A_412 = arith.constant 0 : i32
      %dma_wait3A_413 = tpu.memref_slice %arg7[%arg0, %multiple_of3A_246, %dma_wait3A_412] : memref<2x5120x128xf32, #tpu.memory_space<hbm>> -> memref<1x16x128xf32, #tpu.memory_space<hbm>>
      %dma_wait3A_414 = tpu.memref_squeeze %dma_wait3A_413 : memref<1x16x128xf32, #tpu.memory_space<hbm>> -> memref<16x128xf32, #tpu.memory_space<hbm>>
      %dma_wait3A_415 = arith.constant 0 : i32
      %dma_wait3A_416 = tpu.memref_slice %arg7[%arg0, %multiple_of3A_246, %dma_wait3A_415] : memref<2x5120x128xf32, #tpu.memory_space<hbm>> -> memref<1x16x128xf32, #tpu.memory_space<hbm>>
      %dma_wait3A_417 = tpu.memref_squeeze %dma_wait3A_416 : memref<1x16x128xf32, #tpu.memory_space<hbm>> -> memref<16x128xf32, #tpu.memory_space<hbm>>
      tpu.wait_dma2 semaphore(%run_scoped3A : memref<!tpu.dma_semaphore, #tpu.memory_space<semaphore_mem>>) src(%arg14 : memref<16x128xf32, #tpu.memory_space<vmem>>) dst(%dma_wait3A_417 : memref<16x128xf32, #tpu.memory_space<hbm>>)
      tpu.yield
    }) : () -> ()
    %add3A_253 = arith.constant 48 : i32
    %add3A_254 = arith.addi %multiple_of3A, %add3A_253 : i32
    %multiple_of3A_255 = tpu.assume_multiple %add3A_254, 8 : i32
    "tpu.region"() ({
      %run_scoped3A = tpu.sem_alloc : memref<!tpu.dma_semaphore, #tpu.memory_space<semaphore_mem>>
      %dma_start3A_406 = tpu.memref_slice %arg6[%multiple_of3A_255] : memref<10240xi32, #tpu.memory_space<hbm>> -> memref<16xi32, #tpu.memory_space<hbm>>
      %dma_start3A_407 = tpu.memref_slice %arg6[%multiple_of3A_255] : memref<10240xi32, #tpu.memory_space<hbm>> -> memref<16xi32, #tpu.memory_space<hbm>>
      tpu.enqueue_dma source(%dma_start3A_407 : memref<16xi32, #tpu.memory_space<hbm>>) target(%arg17 : memref<16xi32, #tpu.memory_space<vmem>>) target_semaphore(%run_scoped3A : memref<!tpu.dma_semaphore, #tpu.memory_space<semaphore_mem>>)
      %dma_wait3A_408 = tpu.memref_slice %arg6[%multiple_of3A_255] : memref<10240xi32, #tpu.memory_space<hbm>> -> memref<16xi32, #tpu.memory_space<hbm>>
      %dma_wait3A_409 = tpu.memref_slice %arg6[%multiple_of3A_255] : memref<10240xi32, #tpu.memory_space<hbm>> -> memref<16xi32, #tpu.memory_space<hbm>>
      tpu.wait_dma2 semaphore(%run_scoped3A : memref<!tpu.dma_semaphore, #tpu.memory_space<semaphore_mem>>) src(%dma_wait3A_409 : memref<16xi32, #tpu.memory_space<hbm>>) dst(%arg17 : memref<16xi32, #tpu.memory_space<vmem>>)
      tpu.yield
    }) : () -> ()
    %dma_start3A_256 = arith.constant 0 : i32
    %dma_start3A_257 = arith.constant 0 : i32
    %dma_start3A_258 = tpu.memref_slice %arg18[%dma_start3A_256, %dma_start3A_257] : memref<5120x128xf32, #tpu.memory_space<vmem_shared>> -> memref<5120x128xf32, #tpu.memory_space<vmem_shared>>
    tpu.enqueue_indirect_dma source(%dma_start3A_258 : memref<5120x128xf32, #tpu.memory_space<vmem_shared>>) target(%arg14 : memref<16x128xf32, #tpu.memory_space<vmem>>) offsets(%arg17 : memref<16xi32, #tpu.memory_space<vmem>>) semaphore(%arg22 : memref<!tpu.dma_semaphore, #tpu.memory_space<semaphore_mem>>)
    %dma_wait3A_259 = arith.constant 0 : i32
    %dma_wait3A_260 = arith.constant 0 : i32
    %dma_wait3A_261 = tpu.memref_slice %arg18[%dma_wait3A_259, %dma_wait3A_260] : memref<5120x128xf32, #tpu.memory_space<vmem_shared>> -> memref<5120x128xf32, #tpu.memory_space<vmem_shared>>
    tpu.wait_indirect_dma semaphore(%arg22 : memref<!tpu.dma_semaphore, #tpu.memory_space<semaphore_mem>>) src(%dma_wait3A_261 : memref<5120x128xf32, #tpu.memory_space<vmem_shared>>) dst(%arg14 : memref<16x128xf32, #tpu.memory_space<vmem>>)
    "tpu.region"() ({
      %run_scoped3A = tpu.sem_alloc : memref<!tpu.dma_semaphore, #tpu.memory_space<semaphore_mem>>
      %dma_start3A_406 = arith.constant 0 : i32
      %dma_start3A_407 = tpu.memref_slice %arg7[%arg0, %multiple_of3A_255, %dma_start3A_406] : memref<2x5120x128xf32, #tpu.memory_space<hbm>> -> memref<1x16x128xf32, #tpu.memory_space<hbm>>
      %dma_start3A_408 = tpu.memref_squeeze %dma_start3A_407 : memref<1x16x128xf32, #tpu.memory_space<hbm>> -> memref<16x128xf32, #tpu.memory_space<hbm>>
      %dma_start3A_409 = arith.constant 0 : i32
      %dma_start3A_410 = tpu.memref_slice %arg7[%arg0, %multiple_of3A_255, %dma_start3A_409] : memref<2x5120x128xf32, #tpu.memory_space<hbm>> -> memref<1x16x128xf32, #tpu.memory_space<hbm>>
      %dma_start3A_411 = tpu.memref_squeeze %dma_start3A_410 : memref<1x16x128xf32, #tpu.memory_space<hbm>> -> memref<16x128xf32, #tpu.memory_space<hbm>>
      tpu.enqueue_dma source(%arg14 : memref<16x128xf32, #tpu.memory_space<vmem>>) target(%dma_start3A_411 : memref<16x128xf32, #tpu.memory_space<hbm>>) target_semaphore(%run_scoped3A : memref<!tpu.dma_semaphore, #tpu.memory_space<semaphore_mem>>)
      %dma_wait3A_412 = arith.constant 0 : i32
      %dma_wait3A_413 = tpu.memref_slice %arg7[%arg0, %multiple_of3A_255, %dma_wait3A_412] : memref<2x5120x128xf32, #tpu.memory_space<hbm>> -> memref<1x16x128xf32, #tpu.memory_space<hbm>>
      %dma_wait3A_414 = tpu.memref_squeeze %dma_wait3A_413 : memref<1x16x128xf32, #tpu.memory_space<hbm>> -> memref<16x128xf32, #tpu.memory_space<hbm>>
      %dma_wait3A_415 = arith.constant 0 : i32
      %dma_wait3A_416 = tpu.memref_slice %arg7[%arg0, %multiple_of3A_255, %dma_wait3A_415] : memref<2x5120x128xf32, #tpu.memory_space<hbm>> -> memref<1x16x128xf32, #tpu.memory_space<hbm>>
      %dma_wait3A_417 = tpu.memref_squeeze %dma_wait3A_416 : memref<1x16x128xf32, #tpu.memory_space<hbm>> -> memref<16x128xf32, #tpu.memory_space<hbm>>
      tpu.wait_dma2 semaphore(%run_scoped3A : memref<!tpu.dma_semaphore, #tpu.memory_space<semaphore_mem>>) src(%arg14 : memref<16x128xf32, #tpu.memory_space<vmem>>) dst(%dma_wait3A_417 : memref<16x128xf32, #tpu.memory_space<hbm>>)
      tpu.yield
    }) : () -> ()
    %add3A_262 = arith.constant 64 : i32
    %add3A_263 = arith.addi %multiple_of3A, %add3A_262 : i32
    %multiple_of3A_264 = tpu.assume_multiple %add3A_263, 8 : i32
    "tpu.region"() ({
      %run_scoped3A = tpu.sem_alloc : memref<!tpu.dma_semaphore, #tpu.memory_space<semaphore_mem>>
      %dma_start3A_406 = tpu.memref_slice %arg6[%multiple_of3A_264] : memref<10240xi32, #tpu.memory_space<hbm>> -> memref<16xi32, #tpu.memory_space<hbm>>
      %dma_start3A_407 = tpu.memref_slice %arg6[%multiple_of3A_264] : memref<10240xi32, #tpu.memory_space<hbm>> -> memref<16xi32, #tpu.memory_space<hbm>>
      tpu.enqueue_dma source(%dma_start3A_407 : memref<16xi32, #tpu.memory_space<hbm>>) target(%arg17 : memref<16xi32, #tpu.memory_space<vmem>>) target_semaphore(%run_scoped3A : memref<!tpu.dma_semaphore, #tpu.memory_space<semaphore_mem>>)
      %dma_wait3A_408 = tpu.memref_slice %arg6[%multiple_of3A_264] : memref<10240xi32, #tpu.memory_space<hbm>> -> memref<16xi32, #tpu.memory_space<hbm>>
      %dma_wait3A_409 = tpu.memref_slice %arg6[%multiple_of3A_264] : memref<10240xi32, #tpu.memory_space<hbm>> -> memref<16xi32, #tpu.memory_space<hbm>>
      tpu.wait_dma2 semaphore(%run_scoped3A : memref<!tpu.dma_semaphore, #tpu.memory_space<semaphore_mem>>) src(%dma_wait3A_409 : memref<16xi32, #tpu.memory_space<hbm>>) dst(%arg17 : memref<16xi32, #tpu.memory_space<vmem>>)
      tpu.yield
    }) : () -> ()
    %dma_start3A_265 = arith.constant 0 : i32
    %dma_start3A_266 = arith.constant 0 : i32
    %dma_start3A_267 = tpu.memref_slice %arg18[%dma_start3A_265, %dma_start3A_266] : memref<5120x128xf32, #tpu.memory_space<vmem_shared>> -> memref<5120x128xf32, #tpu.memory_space<vmem_shared>>
    tpu.enqueue_indirect_dma source(%dma_start3A_267 : memref<5120x128xf32, #tpu.memory_space<vmem_shared>>) target(%arg14 : memref<16x128xf32, #tpu.memory_space<vmem>>) offsets(%arg17 : memref<16xi32, #tpu.memory_space<vmem>>) semaphore(%arg22 : memref<!tpu.dma_semaphore, #tpu.memory_space<semaphore_mem>>)
    %dma_wait3A_268 = arith.constant 0 : i32
    %dma_wait3A_269 = arith.constant 0 : i32
    %dma_wait3A_270 = tpu.memref_slice %arg18[%dma_wait3A_268, %dma_wait3A_269] : memref<5120x128xf32, #tpu.memory_space<vmem_shared>> -> memref<5120x128xf32, #tpu.memory_space<vmem_shared>>
    tpu.wait_indirect_dma semaphore(%arg22 : memref<!tpu.dma_semaphore, #tpu.memory_space<semaphore_mem>>) src(%dma_wait3A_270 : memref<5120x128xf32, #tpu.memory_space<vmem_shared>>) dst(%arg14 : memref<16x128xf32, #tpu.memory_space<vmem>>)
    "tpu.region"() ({
      %run_scoped3A = tpu.sem_alloc : memref<!tpu.dma_semaphore, #tpu.memory_space<semaphore_mem>>
      %dma_start3A_406 = arith.constant 0 : i32
      %dma_start3A_407 = tpu.memref_slice %arg7[%arg0, %multiple_of3A_264, %dma_start3A_406] : memref<2x5120x128xf32, #tpu.memory_space<hbm>> -> memref<1x16x128xf32, #tpu.memory_space<hbm>>
      %dma_start3A_408 = tpu.memref_squeeze %dma_start3A_407 : memref<1x16x128xf32, #tpu.memory_space<hbm>> -> memref<16x128xf32, #tpu.memory_space<hbm>>
      %dma_start3A_409 = arith.constant 0 : i32
      %dma_start3A_410 = tpu.memref_slice %arg7[%arg0, %multiple_of3A_264, %dma_start3A_409] : memref<2x5120x128xf32, #tpu.memory_space<hbm>> -> memref<1x16x128xf32, #tpu.memory_space<hbm>>
      %dma_start3A_411 = tpu.memref_squeeze %dma_start3A_410 : memref<1x16x128xf32, #tpu.memory_space<hbm>> -> memref<16x128xf32, #tpu.memory_space<hbm>>
      tpu.enqueue_dma source(%arg14 : memref<16x128xf32, #tpu.memory_space<vmem>>) target(%dma_start3A_411 : memref<16x128xf32, #tpu.memory_space<hbm>>) target_semaphore(%run_scoped3A : memref<!tpu.dma_semaphore, #tpu.memory_space<semaphore_mem>>)
      %dma_wait3A_412 = arith.constant 0 : i32
      %dma_wait3A_413 = tpu.memref_slice %arg7[%arg0, %multiple_of3A_264, %dma_wait3A_412] : memref<2x5120x128xf32, #tpu.memory_space<hbm>> -> memref<1x16x128xf32, #tpu.memory_space<hbm>>
      %dma_wait3A_414 = tpu.memref_squeeze %dma_wait3A_413 : memref<1x16x128xf32, #tpu.memory_space<hbm>> -> memref<16x128xf32, #tpu.memory_space<hbm>>
      %dma_wait3A_415 = arith.constant 0 : i32
      %dma_wait3A_416 = tpu.memref_slice %arg7[%arg0, %multiple_of3A_264, %dma_wait3A_415] : memref<2x5120x128xf32, #tpu.memory_space<hbm>> -> memref<1x16x128xf32, #tpu.memory_space<hbm>>
      %dma_wait3A_417 = tpu.memref_squeeze %dma_wait3A_416 : memref<1x16x128xf32, #tpu.memory_space<hbm>> -> memref<16x128xf32, #tpu.memory_space<hbm>>
      tpu.wait_dma2 semaphore(%run_scoped3A : memref<!tpu.dma_semaphore, #tpu.memory_space<semaphore_mem>>) src(%arg14 : memref<16x128xf32, #tpu.memory_space<vmem>>) dst(%dma_wait3A_417 : memref<16x128xf32, #tpu.memory_space<hbm>>)
      tpu.yield
    }) : () -> ()
    %add3A_271 = arith.constant 80 : i32
    %add3A_272 = arith.addi %multiple_of3A, %add3A_271 : i32
    %multiple_of3A_273 = tpu.assume_multiple %add3A_272, 8 : i32
    "tpu.region"() ({
      %run_scoped3A = tpu.sem_alloc : memref<!tpu.dma_semaphore, #tpu.memory_space<semaphore_mem>>
      %dma_start3A_406 = tpu.memref_slice %arg6[%multiple_of3A_273] : memref<10240xi32, #tpu.memory_space<hbm>> -> memref<16xi32, #tpu.memory_space<hbm>>
      %dma_start3A_407 = tpu.memref_slice %arg6[%multiple_of3A_273] : memref<10240xi32, #tpu.memory_space<hbm>> -> memref<16xi32, #tpu.memory_space<hbm>>
      tpu.enqueue_dma source(%dma_start3A_407 : memref<16xi32, #tpu.memory_space<hbm>>) target(%arg17 : memref<16xi32, #tpu.memory_space<vmem>>) target_semaphore(%run_scoped3A : memref<!tpu.dma_semaphore, #tpu.memory_space<semaphore_mem>>)
      %dma_wait3A_408 = tpu.memref_slice %arg6[%multiple_of3A_273] : memref<10240xi32, #tpu.memory_space<hbm>> -> memref<16xi32, #tpu.memory_space<hbm>>
      %dma_wait3A_409 = tpu.memref_slice %arg6[%multiple_of3A_273] : memref<10240xi32, #tpu.memory_space<hbm>> -> memref<16xi32, #tpu.memory_space<hbm>>
      tpu.wait_dma2 semaphore(%run_scoped3A : memref<!tpu.dma_semaphore, #tpu.memory_space<semaphore_mem>>) src(%dma_wait3A_409 : memref<16xi32, #tpu.memory_space<hbm>>) dst(%arg17 : memref<16xi32, #tpu.memory_space<vmem>>)
      tpu.yield
    }) : () -> ()
    %dma_start3A_274 = arith.constant 0 : i32
    %dma_start3A_275 = arith.constant 0 : i32
    %dma_start3A_276 = tpu.memref_slice %arg18[%dma_start3A_274, %dma_start3A_275] : memref<5120x128xf32, #tpu.memory_space<vmem_shared>> -> memref<5120x128xf32, #tpu.memory_space<vmem_shared>>
    tpu.enqueue_indirect_dma source(%dma_start3A_276 : memref<5120x128xf32, #tpu.memory_space<vmem_shared>>) target(%arg14 : memref<16x128xf32, #tpu.memory_space<vmem>>) offsets(%arg17 : memref<16xi32, #tpu.memory_space<vmem>>) semaphore(%arg22 : memref<!tpu.dma_semaphore, #tpu.memory_space<semaphore_mem>>)
    %dma_wait3A_277 = arith.constant 0 : i32
    %dma_wait3A_278 = arith.constant 0 : i32
    %dma_wait3A_279 = tpu.memref_slice %arg18[%dma_wait3A_277, %dma_wait3A_278] : memref<5120x128xf32, #tpu.memory_space<vmem_shared>> -> memref<5120x128xf32, #tpu.memory_space<vmem_shared>>
    tpu.wait_indirect_dma semaphore(%arg22 : memref<!tpu.dma_semaphore, #tpu.memory_space<semaphore_mem>>) src(%dma_wait3A_279 : memref<5120x128xf32, #tpu.memory_space<vmem_shared>>) dst(%arg14 : memref<16x128xf32, #tpu.memory_space<vmem>>)
    "tpu.region"() ({
      %run_scoped3A = tpu.sem_alloc : memref<!tpu.dma_semaphore, #tpu.memory_space<semaphore_mem>>
      %dma_start3A_406 = arith.constant 0 : i32
      %dma_start3A_407 = tpu.memref_slice %arg7[%arg0, %multiple_of3A_273, %dma_start3A_406] : memref<2x5120x128xf32, #tpu.memory_space<hbm>> -> memref<1x16x128xf32, #tpu.memory_space<hbm>>
      %dma_start3A_408 = tpu.memref_squeeze %dma_start3A_407 : memref<1x16x128xf32, #tpu.memory_space<hbm>> -> memref<16x128xf32, #tpu.memory_space<hbm>>
      %dma_start3A_409 = arith.constant 0 : i32
      %dma_start3A_410 = tpu.memref_slice %arg7[%arg0, %multiple_of3A_273, %dma_start3A_409] : memref<2x5120x128xf32, #tpu.memory_space<hbm>> -> memref<1x16x128xf32, #tpu.memory_space<hbm>>
      %dma_start3A_411 = tpu.memref_squeeze %dma_start3A_410 : memref<1x16x128xf32, #tpu.memory_space<hbm>> -> memref<16x128xf32, #tpu.memory_space<hbm>>
      tpu.enqueue_dma source(%arg14 : memref<16x128xf32, #tpu.memory_space<vmem>>) target(%dma_start3A_411 : memref<16x128xf32, #tpu.memory_space<hbm>>) target_semaphore(%run_scoped3A : memref<!tpu.dma_semaphore, #tpu.memory_space<semaphore_mem>>)
      %dma_wait3A_412 = arith.constant 0 : i32
      %dma_wait3A_413 = tpu.memref_slice %arg7[%arg0, %multiple_of3A_273, %dma_wait3A_412] : memref<2x5120x128xf32, #tpu.memory_space<hbm>> -> memref<1x16x128xf32, #tpu.memory_space<hbm>>
      %dma_wait3A_414 = tpu.memref_squeeze %dma_wait3A_413 : memref<1x16x128xf32, #tpu.memory_space<hbm>> -> memref<16x128xf32, #tpu.memory_space<hbm>>
      %dma_wait3A_415 = arith.constant 0 : i32
      %dma_wait3A_416 = tpu.memref_slice %arg7[%arg0, %multiple_of3A_273, %dma_wait3A_415] : memref<2x5120x128xf32, #tpu.memory_space<hbm>> -> memref<1x16x128xf32, #tpu.memory_space<hbm>>
      %dma_wait3A_417 = tpu.memref_squeeze %dma_wait3A_416 : memref<1x16x128xf32, #tpu.memory_space<hbm>> -> memref<16x128xf32, #tpu.memory_space<hbm>>
      tpu.wait_dma2 semaphore(%run_scoped3A : memref<!tpu.dma_semaphore, #tpu.memory_space<semaphore_mem>>) src(%arg14 : memref<16x128xf32, #tpu.memory_space<vmem>>) dst(%dma_wait3A_417 : memref<16x128xf32, #tpu.memory_space<hbm>>)
      tpu.yield
    }) : () -> ()
    %add3A_280 = arith.constant 96 : i32
    %add3A_281 = arith.addi %multiple_of3A, %add3A_280 : i32
    %multiple_of3A_282 = tpu.assume_multiple %add3A_281, 8 : i32
    "tpu.region"() ({
      %run_scoped3A = tpu.sem_alloc : memref<!tpu.dma_semaphore, #tpu.memory_space<semaphore_mem>>
      %dma_start3A_406 = tpu.memref_slice %arg6[%multiple_of3A_282] : memref<10240xi32, #tpu.memory_space<hbm>> -> memref<16xi32, #tpu.memory_space<hbm>>
      %dma_start3A_407 = tpu.memref_slice %arg6[%multiple_of3A_282] : memref<10240xi32, #tpu.memory_space<hbm>> -> memref<16xi32, #tpu.memory_space<hbm>>
      tpu.enqueue_dma source(%dma_start3A_407 : memref<16xi32, #tpu.memory_space<hbm>>) target(%arg17 : memref<16xi32, #tpu.memory_space<vmem>>) target_semaphore(%run_scoped3A : memref<!tpu.dma_semaphore, #tpu.memory_space<semaphore_mem>>)
      %dma_wait3A_408 = tpu.memref_slice %arg6[%multiple_of3A_282] : memref<10240xi32, #tpu.memory_space<hbm>> -> memref<16xi32, #tpu.memory_space<hbm>>
      %dma_wait3A_409 = tpu.memref_slice %arg6[%multiple_of3A_282] : memref<10240xi32, #tpu.memory_space<hbm>> -> memref<16xi32, #tpu.memory_space<hbm>>
      tpu.wait_dma2 semaphore(%run_scoped3A : memref<!tpu.dma_semaphore, #tpu.memory_space<semaphore_mem>>) src(%dma_wait3A_409 : memref<16xi32, #tpu.memory_space<hbm>>) dst(%arg17 : memref<16xi32, #tpu.memory_space<vmem>>)
      tpu.yield
    }) : () -> ()
    %dma_start3A_283 = arith.constant 0 : i32
    %dma_start3A_284 = arith.constant 0 : i32
    %dma_start3A_285 = tpu.memref_slice %arg18[%dma_start3A_283, %dma_start3A_284] : memref<5120x128xf32, #tpu.memory_space<vmem_shared>> -> memref<5120x128xf32, #tpu.memory_space<vmem_shared>>
    tpu.enqueue_indirect_dma source(%dma_start3A_285 : memref<5120x128xf32, #tpu.memory_space<vmem_shared>>) target(%arg14 : memref<16x128xf32, #tpu.memory_space<vmem>>) offsets(%arg17 : memref<16xi32, #tpu.memory_space<vmem>>) semaphore(%arg22 : memref<!tpu.dma_semaphore, #tpu.memory_space<semaphore_mem>>)
    %dma_wait3A_286 = arith.constant 0 : i32
    %dma_wait3A_287 = arith.constant 0 : i32
    %dma_wait3A_288 = tpu.memref_slice %arg18[%dma_wait3A_286, %dma_wait3A_287] : memref<5120x128xf32, #tpu.memory_space<vmem_shared>> -> memref<5120x128xf32, #tpu.memory_space<vmem_shared>>
    tpu.wait_indirect_dma semaphore(%arg22 : memref<!tpu.dma_semaphore, #tpu.memory_space<semaphore_mem>>) src(%dma_wait3A_288 : memref<5120x128xf32, #tpu.memory_space<vmem_shared>>) dst(%arg14 : memref<16x128xf32, #tpu.memory_space<vmem>>)
    "tpu.region"() ({
      %run_scoped3A = tpu.sem_alloc : memref<!tpu.dma_semaphore, #tpu.memory_space<semaphore_mem>>
      %dma_start3A_406 = arith.constant 0 : i32
      %dma_start3A_407 = tpu.memref_slice %arg7[%arg0, %multiple_of3A_282, %dma_start3A_406] : memref<2x5120x128xf32, #tpu.memory_space<hbm>> -> memref<1x16x128xf32, #tpu.memory_space<hbm>>
      %dma_start3A_408 = tpu.memref_squeeze %dma_start3A_407 : memref<1x16x128xf32, #tpu.memory_space<hbm>> -> memref<16x128xf32, #tpu.memory_space<hbm>>
      %dma_start3A_409 = arith.constant 0 : i32
      %dma_start3A_410 = tpu.memref_slice %arg7[%arg0, %multiple_of3A_282, %dma_start3A_409] : memref<2x5120x128xf32, #tpu.memory_space<hbm>> -> memref<1x16x128xf32, #tpu.memory_space<hbm>>
      %dma_start3A_411 = tpu.memref_squeeze %dma_start3A_410 : memref<1x16x128xf32, #tpu.memory_space<hbm>> -> memref<16x128xf32, #tpu.memory_space<hbm>>
      tpu.enqueue_dma source(%arg14 : memref<16x128xf32, #tpu.memory_space<vmem>>) target(%dma_start3A_411 : memref<16x128xf32, #tpu.memory_space<hbm>>) target_semaphore(%run_scoped3A : memref<!tpu.dma_semaphore, #tpu.memory_space<semaphore_mem>>)
      %dma_wait3A_412 = arith.constant 0 : i32
      %dma_wait3A_413 = tpu.memref_slice %arg7[%arg0, %multiple_of3A_282, %dma_wait3A_412] : memref<2x5120x128xf32, #tpu.memory_space<hbm>> -> memref<1x16x128xf32, #tpu.memory_space<hbm>>
      %dma_wait3A_414 = tpu.memref_squeeze %dma_wait3A_413 : memref<1x16x128xf32, #tpu.memory_space<hbm>> -> memref<16x128xf32, #tpu.memory_space<hbm>>
      %dma_wait3A_415 = arith.constant 0 : i32
      %dma_wait3A_416 = tpu.memref_slice %arg7[%arg0, %multiple_of3A_282, %dma_wait3A_415] : memref<2x5120x128xf32, #tpu.memory_space<hbm>> -> memref<1x16x128xf32, #tpu.memory_space<hbm>>
      %dma_wait3A_417 = tpu.memref_squeeze %dma_wait3A_416 : memref<1x16x128xf32, #tpu.memory_space<hbm>> -> memref<16x128xf32, #tpu.memory_space<hbm>>
      tpu.wait_dma2 semaphore(%run_scoped3A : memref<!tpu.dma_semaphore, #tpu.memory_space<semaphore_mem>>) src(%arg14 : memref<16x128xf32, #tpu.memory_space<vmem>>) dst(%dma_wait3A_417 : memref<16x128xf32, #tpu.memory_space<hbm>>)
      tpu.yield
    }) : () -> ()
    %add3A_289 = arith.constant 112 : i32
    %add3A_290 = arith.addi %multiple_of3A, %add3A_289 : i32
    %multiple_of3A_291 = tpu.assume_multiple %add3A_290, 8 : i32
    "tpu.region"() ({
      %run_scoped3A = tpu.sem_alloc : memref<!tpu.dma_semaphore, #tpu.memory_space<semaphore_mem>>
      %dma_start3A_406 = tpu.memref_slice %arg6[%multiple_of3A_291] : memref<10240xi32, #tpu.memory_space<hbm>> -> memref<16xi32, #tpu.memory_space<hbm>>
      %dma_start3A_407 = tpu.memref_slice %arg6[%multiple_of3A_291] : memref<10240xi32, #tpu.memory_space<hbm>> -> memref<16xi32, #tpu.memory_space<hbm>>
      tpu.enqueue_dma source(%dma_start3A_407 : memref<16xi32, #tpu.memory_space<hbm>>) target(%arg17 : memref<16xi32, #tpu.memory_space<vmem>>) target_semaphore(%run_scoped3A : memref<!tpu.dma_semaphore, #tpu.memory_space<semaphore_mem>>)
      %dma_wait3A_408 = tpu.memref_slice %arg6[%multiple_of3A_291] : memref<10240xi32, #tpu.memory_space<hbm>> -> memref<16xi32, #tpu.memory_space<hbm>>
      %dma_wait3A_409 = tpu.memref_slice %arg6[%multiple_of3A_291] : memref<10240xi32, #tpu.memory_space<hbm>> -> memref<16xi32, #tpu.memory_space<hbm>>
      tpu.wait_dma2 semaphore(%run_scoped3A : memref<!tpu.dma_semaphore, #tpu.memory_space<semaphore_mem>>) src(%dma_wait3A_409 : memref<16xi32, #tpu.memory_space<hbm>>) dst(%arg17 : memref<16xi32, #tpu.memory_space<vmem>>)
      tpu.yield
    }) : () -> ()
    %dma_start3A_292 = arith.constant 0 : i32
    %dma_start3A_293 = arith.constant 0 : i32
    %dma_start3A_294 = tpu.memref_slice %arg18[%dma_start3A_292, %dma_start3A_293] : memref<5120x128xf32, #tpu.memory_space<vmem_shared>> -> memref<5120x128xf32, #tpu.memory_space<vmem_shared>>
    tpu.enqueue_indirect_dma source(%dma_start3A_294 : memref<5120x128xf32, #tpu.memory_space<vmem_shared>>) target(%arg14 : memref<16x128xf32, #tpu.memory_space<vmem>>) offsets(%arg17 : memref<16xi32, #tpu.memory_space<vmem>>) semaphore(%arg22 : memref<!tpu.dma_semaphore, #tpu.memory_space<semaphore_mem>>)
    %dma_wait3A_295 = arith.constant 0 : i32
    %dma_wait3A_296 = arith.constant 0 : i32
    %dma_wait3A_297 = tpu.memref_slice %arg18[%dma_wait3A_295, %dma_wait3A_296] : memref<5120x128xf32, #tpu.memory_space<vmem_shared>> -> memref<5120x128xf32, #tpu.memory_space<vmem_shared>>
    tpu.wait_indirect_dma semaphore(%arg22 : memref<!tpu.dma_semaphore, #tpu.memory_space<semaphore_mem>>) src(%dma_wait3A_297 : memref<5120x128xf32, #tpu.memory_space<vmem_shared>>) dst(%arg14 : memref<16x128xf32, #tpu.memory_space<vmem>>)
    "tpu.region"() ({
      %run_scoped3A = tpu.sem_alloc : memref<!tpu.dma_semaphore, #tpu.memory_space<semaphore_mem>>
      %dma_start3A_406 = arith.constant 0 : i32
      %dma_start3A_407 = tpu.memref_slice %arg7[%arg0, %multiple_of3A_291, %dma_start3A_406] : memref<2x5120x128xf32, #tpu.memory_space<hbm>> -> memref<1x16x128xf32, #tpu.memory_space<hbm>>
      %dma_start3A_408 = tpu.memref_squeeze %dma_start3A_407 : memref<1x16x128xf32, #tpu.memory_space<hbm>> -> memref<16x128xf32, #tpu.memory_space<hbm>>
      %dma_start3A_409 = arith.constant 0 : i32
      %dma_start3A_410 = tpu.memref_slice %arg7[%arg0, %multiple_of3A_291, %dma_start3A_409] : memref<2x5120x128xf32, #tpu.memory_space<hbm>> -> memref<1x16x128xf32, #tpu.memory_space<hbm>>
      %dma_start3A_411 = tpu.memref_squeeze %dma_start3A_410 : memref<1x16x128xf32, #tpu.memory_space<hbm>> -> memref<16x128xf32, #tpu.memory_space<hbm>>
      tpu.enqueue_dma source(%arg14 : memref<16x128xf32, #tpu.memory_space<vmem>>) target(%dma_start3A_411 : memref<16x128xf32, #tpu.memory_space<hbm>>) target_semaphore(%run_scoped3A : memref<!tpu.dma_semaphore, #tpu.memory_space<semaphore_mem>>)
      %dma_wait3A_412 = arith.constant 0 : i32
      %dma_wait3A_413 = tpu.memref_slice %arg7[%arg0, %multiple_of3A_291, %dma_wait3A_412] : memref<2x5120x128xf32, #tpu.memory_space<hbm>> -> memref<1x16x128xf32, #tpu.memory_space<hbm>>
      %dma_wait3A_414 = tpu.memref_squeeze %dma_wait3A_413 : memref<1x16x128xf32, #tpu.memory_space<hbm>> -> memref<16x128xf32, #tpu.memory_space<hbm>>
      %dma_wait3A_415 = arith.constant 0 : i32
      %dma_wait3A_416 = tpu.memref_slice %arg7[%arg0, %multiple_of3A_291, %dma_wait3A_415] : memref<2x5120x128xf32, #tpu.memory_space<hbm>> -> memref<1x16x128xf32, #tpu.memory_space<hbm>>
      %dma_wait3A_417 = tpu.memref_squeeze %dma_wait3A_416 : memref<1x16x128xf32, #tpu.memory_space<hbm>> -> memref<16x128xf32, #tpu.memory_space<hbm>>
      tpu.wait_dma2 semaphore(%run_scoped3A : memref<!tpu.dma_semaphore, #tpu.memory_space<semaphore_mem>>) src(%arg14 : memref<16x128xf32, #tpu.memory_space<vmem>>) dst(%dma_wait3A_417 : memref<16x128xf32, #tpu.memory_space<hbm>>)
      tpu.yield
    }) : () -> ()
    %add3A_298 = arith.constant 128 : i32
    %add3A_299 = arith.addi %multiple_of3A, %add3A_298 : i32
    %multiple_of3A_300 = tpu.assume_multiple %add3A_299, 8 : i32
    "tpu.region"() ({
      %run_scoped3A = tpu.sem_alloc : memref<!tpu.dma_semaphore, #tpu.memory_space<semaphore_mem>>
      %dma_start3A_406 = tpu.memref_slice %arg6[%multiple_of3A_300] : memref<10240xi32, #tpu.memory_space<hbm>> -> memref<16xi32, #tpu.memory_space<hbm>>
      %dma_start3A_407 = tpu.memref_slice %arg6[%multiple_of3A_300] : memref<10240xi32, #tpu.memory_space<hbm>> -> memref<16xi32, #tpu.memory_space<hbm>>
      tpu.enqueue_dma source(%dma_start3A_407 : memref<16xi32, #tpu.memory_space<hbm>>) target(%arg17 : memref<16xi32, #tpu.memory_space<vmem>>) target_semaphore(%run_scoped3A : memref<!tpu.dma_semaphore, #tpu.memory_space<semaphore_mem>>)
      %dma_wait3A_408 = tpu.memref_slice %arg6[%multiple_of3A_300] : memref<10240xi32, #tpu.memory_space<hbm>> -> memref<16xi32, #tpu.memory_space<hbm>>
      %dma_wait3A_409 = tpu.memref_slice %arg6[%multiple_of3A_300] : memref<10240xi32, #tpu.memory_space<hbm>> -> memref<16xi32, #tpu.memory_space<hbm>>
      tpu.wait_dma2 semaphore(%run_scoped3A : memref<!tpu.dma_semaphore, #tpu.memory_space<semaphore_mem>>) src(%dma_wait3A_409 : memref<16xi32, #tpu.memory_space<hbm>>) dst(%arg17 : memref<16xi32, #tpu.memory_space<vmem>>)
      tpu.yield
    }) : () -> ()
    %dma_start3A_301 = arith.constant 0 : i32
    %dma_start3A_302 = arith.constant 0 : i32
    %dma_start3A_303 = tpu.memref_slice %arg18[%dma_start3A_301, %dma_start3A_302] : memref<5120x128xf32, #tpu.memory_space<vmem_shared>> -> memref<5120x128xf32, #tpu.memory_space<vmem_shared>>
    tpu.enqueue_indirect_dma source(%dma_start3A_303 : memref<5120x128xf32, #tpu.memory_space<vmem_shared>>) target(%arg14 : memref<16x128xf32, #tpu.memory_space<vmem>>) offsets(%arg17 : memref<16xi32, #tpu.memory_space<vmem>>) semaphore(%arg22 : memref<!tpu.dma_semaphore, #tpu.memory_space<semaphore_mem>>)
    %dma_wait3A_304 = arith.constant 0 : i32
    %dma_wait3A_305 = arith.constant 0 : i32
    %dma_wait3A_306 = tpu.memref_slice %arg18[%dma_wait3A_304, %dma_wait3A_305] : memref<5120x128xf32, #tpu.memory_space<vmem_shared>> -> memref<5120x128xf32, #tpu.memory_space<vmem_shared>>
    tpu.wait_indirect_dma semaphore(%arg22 : memref<!tpu.dma_semaphore, #tpu.memory_space<semaphore_mem>>) src(%dma_wait3A_306 : memref<5120x128xf32, #tpu.memory_space<vmem_shared>>) dst(%arg14 : memref<16x128xf32, #tpu.memory_space<vmem>>)
    "tpu.region"() ({
      %run_scoped3A = tpu.sem_alloc : memref<!tpu.dma_semaphore, #tpu.memory_space<semaphore_mem>>
      %dma_start3A_406 = arith.constant 0 : i32
      %dma_start3A_407 = tpu.memref_slice %arg7[%arg0, %multiple_of3A_300, %dma_start3A_406] : memref<2x5120x128xf32, #tpu.memory_space<hbm>> -> memref<1x16x128xf32, #tpu.memory_space<hbm>>
      %dma_start3A_408 = tpu.memref_squeeze %dma_start3A_407 : memref<1x16x128xf32, #tpu.memory_space<hbm>> -> memref<16x128xf32, #tpu.memory_space<hbm>>
      %dma_start3A_409 = arith.constant 0 : i32
      %dma_start3A_410 = tpu.memref_slice %arg7[%arg0, %multiple_of3A_300, %dma_start3A_409] : memref<2x5120x128xf32, #tpu.memory_space<hbm>> -> memref<1x16x128xf32, #tpu.memory_space<hbm>>
      %dma_start3A_411 = tpu.memref_squeeze %dma_start3A_410 : memref<1x16x128xf32, #tpu.memory_space<hbm>> -> memref<16x128xf32, #tpu.memory_space<hbm>>
      tpu.enqueue_dma source(%arg14 : memref<16x128xf32, #tpu.memory_space<vmem>>) target(%dma_start3A_411 : memref<16x128xf32, #tpu.memory_space<hbm>>) target_semaphore(%run_scoped3A : memref<!tpu.dma_semaphore, #tpu.memory_space<semaphore_mem>>)
      %dma_wait3A_412 = arith.constant 0 : i32
      %dma_wait3A_413 = tpu.memref_slice %arg7[%arg0, %multiple_of3A_300, %dma_wait3A_412] : memref<2x5120x128xf32, #tpu.memory_space<hbm>> -> memref<1x16x128xf32, #tpu.memory_space<hbm>>
      %dma_wait3A_414 = tpu.memref_squeeze %dma_wait3A_413 : memref<1x16x128xf32, #tpu.memory_space<hbm>> -> memref<16x128xf32, #tpu.memory_space<hbm>>
      %dma_wait3A_415 = arith.constant 0 : i32
      %dma_wait3A_416 = tpu.memref_slice %arg7[%arg0, %multiple_of3A_300, %dma_wait3A_415] : memref<2x5120x128xf32, #tpu.memory_space<hbm>> -> memref<1x16x128xf32, #tpu.memory_space<hbm>>
      %dma_wait3A_417 = tpu.memref_squeeze %dma_wait3A_416 : memref<1x16x128xf32, #tpu.memory_space<hbm>> -> memref<16x128xf32, #tpu.memory_space<hbm>>
      tpu.wait_dma2 semaphore(%run_scoped3A : memref<!tpu.dma_semaphore, #tpu.memory_space<semaphore_mem>>) src(%arg14 : memref<16x128xf32, #tpu.memory_space<vmem>>) dst(%dma_wait3A_417 : memref<16x128xf32, #tpu.memory_space<hbm>>)
      tpu.yield
    }) : () -> ()
    %add3A_307 = arith.constant 144 : i32
    %add3A_308 = arith.addi %multiple_of3A, %add3A_307 : i32
    %multiple_of3A_309 = tpu.assume_multiple %add3A_308, 8 : i32
    "tpu.region"() ({
      %run_scoped3A = tpu.sem_alloc : memref<!tpu.dma_semaphore, #tpu.memory_space<semaphore_mem>>
      %dma_start3A_406 = tpu.memref_slice %arg6[%multiple_of3A_309] : memref<10240xi32, #tpu.memory_space<hbm>> -> memref<16xi32, #tpu.memory_space<hbm>>
      %dma_start3A_407 = tpu.memref_slice %arg6[%multiple_of3A_309] : memref<10240xi32, #tpu.memory_space<hbm>> -> memref<16xi32, #tpu.memory_space<hbm>>
      tpu.enqueue_dma source(%dma_start3A_407 : memref<16xi32, #tpu.memory_space<hbm>>) target(%arg17 : memref<16xi32, #tpu.memory_space<vmem>>) target_semaphore(%run_scoped3A : memref<!tpu.dma_semaphore, #tpu.memory_space<semaphore_mem>>)
      %dma_wait3A_408 = tpu.memref_slice %arg6[%multiple_of3A_309] : memref<10240xi32, #tpu.memory_space<hbm>> -> memref<16xi32, #tpu.memory_space<hbm>>
      %dma_wait3A_409 = tpu.memref_slice %arg6[%multiple_of3A_309] : memref<10240xi32, #tpu.memory_space<hbm>> -> memref<16xi32, #tpu.memory_space<hbm>>
      tpu.wait_dma2 semaphore(%run_scoped3A : memref<!tpu.dma_semaphore, #tpu.memory_space<semaphore_mem>>) src(%dma_wait3A_409 : memref<16xi32, #tpu.memory_space<hbm>>) dst(%arg17 : memref<16xi32, #tpu.memory_space<vmem>>)
      tpu.yield
    }) : () -> ()
    %dma_start3A_310 = arith.constant 0 : i32
    %dma_start3A_311 = arith.constant 0 : i32
    %dma_start3A_312 = tpu.memref_slice %arg18[%dma_start3A_310, %dma_start3A_311] : memref<5120x128xf32, #tpu.memory_space<vmem_shared>> -> memref<5120x128xf32, #tpu.memory_space<vmem_shared>>
    tpu.enqueue_indirect_dma source(%dma_start3A_312 : memref<5120x128xf32, #tpu.memory_space<vmem_shared>>) target(%arg14 : memref<16x128xf32, #tpu.memory_space<vmem>>) offsets(%arg17 : memref<16xi32, #tpu.memory_space<vmem>>) semaphore(%arg22 : memref<!tpu.dma_semaphore, #tpu.memory_space<semaphore_mem>>)
    %dma_wait3A_313 = arith.constant 0 : i32
    %dma_wait3A_314 = arith.constant 0 : i32
    %dma_wait3A_315 = tpu.memref_slice %arg18[%dma_wait3A_313, %dma_wait3A_314] : memref<5120x128xf32, #tpu.memory_space<vmem_shared>> -> memref<5120x128xf32, #tpu.memory_space<vmem_shared>>
    tpu.wait_indirect_dma semaphore(%arg22 : memref<!tpu.dma_semaphore, #tpu.memory_space<semaphore_mem>>) src(%dma_wait3A_315 : memref<5120x128xf32, #tpu.memory_space<vmem_shared>>) dst(%arg14 : memref<16x128xf32, #tpu.memory_space<vmem>>)
    "tpu.region"() ({
      %run_scoped3A = tpu.sem_alloc : memref<!tpu.dma_semaphore, #tpu.memory_space<semaphore_mem>>
      %dma_start3A_406 = arith.constant 0 : i32
      %dma_start3A_407 = tpu.memref_slice %arg7[%arg0, %multiple_of3A_309, %dma_start3A_406] : memref<2x5120x128xf32, #tpu.memory_space<hbm>> -> memref<1x16x128xf32, #tpu.memory_space<hbm>>
      %dma_start3A_408 = tpu.memref_squeeze %dma_start3A_407 : memref<1x16x128xf32, #tpu.memory_space<hbm>> -> memref<16x128xf32, #tpu.memory_space<hbm>>
      %dma_start3A_409 = arith.constant 0 : i32
      %dma_start3A_410 = tpu.memref_slice %arg7[%arg0, %multiple_of3A_309, %dma_start3A_409] : memref<2x5120x128xf32, #tpu.memory_space<hbm>> -> memref<1x16x128xf32, #tpu.memory_space<hbm>>
      %dma_start3A_411 = tpu.memref_squeeze %dma_start3A_410 : memref<1x16x128xf32, #tpu.memory_space<hbm>> -> memref<16x128xf32, #tpu.memory_space<hbm>>
      tpu.enqueue_dma source(%arg14 : memref<16x128xf32, #tpu.memory_space<vmem>>) target(%dma_start3A_411 : memref<16x128xf32, #tpu.memory_space<hbm>>) target_semaphore(%run_scoped3A : memref<!tpu.dma_semaphore, #tpu.memory_space<semaphore_mem>>)
      %dma_wait3A_412 = arith.constant 0 : i32
      %dma_wait3A_413 = tpu.memref_slice %arg7[%arg0, %multiple_of3A_309, %dma_wait3A_412] : memref<2x5120x128xf32, #tpu.memory_space<hbm>> -> memref<1x16x128xf32, #tpu.memory_space<hbm>>
      %dma_wait3A_414 = tpu.memref_squeeze %dma_wait3A_413 : memref<1x16x128xf32, #tpu.memory_space<hbm>> -> memref<16x128xf32, #tpu.memory_space<hbm>>
      %dma_wait3A_415 = arith.constant 0 : i32
      %dma_wait3A_416 = tpu.memref_slice %arg7[%arg0, %multiple_of3A_309, %dma_wait3A_415] : memref<2x5120x128xf32, #tpu.memory_space<hbm>> -> memref<1x16x128xf32, #tpu.memory_space<hbm>>
      %dma_wait3A_417 = tpu.memref_squeeze %dma_wait3A_416 : memref<1x16x128xf32, #tpu.memory_space<hbm>> -> memref<16x128xf32, #tpu.memory_space<hbm>>
      tpu.wait_dma2 semaphore(%run_scoped3A : memref<!tpu.dma_semaphore, #tpu.memory_space<semaphore_mem>>) src(%arg14 : memref<16x128xf32, #tpu.memory_space<vmem>>) dst(%dma_wait3A_417 : memref<16x128xf32, #tpu.memory_space<hbm>>)
      tpu.yield
    }) : () -> ()
    %add3A_316 = arith.constant 160 : i32
    %add3A_317 = arith.addi %multiple_of3A, %add3A_316 : i32
    %multiple_of3A_318 = tpu.assume_multiple %add3A_317, 8 : i32
    "tpu.region"() ({
      %run_scoped3A = tpu.sem_alloc : memref<!tpu.dma_semaphore, #tpu.memory_space<semaphore_mem>>
      %dma_start3A_406 = tpu.memref_slice %arg6[%multiple_of3A_318] : memref<10240xi32, #tpu.memory_space<hbm>> -> memref<16xi32, #tpu.memory_space<hbm>>
      %dma_start3A_407 = tpu.memref_slice %arg6[%multiple_of3A_318] : memref<10240xi32, #tpu.memory_space<hbm>> -> memref<16xi32, #tpu.memory_space<hbm>>
      tpu.enqueue_dma source(%dma_start3A_407 : memref<16xi32, #tpu.memory_space<hbm>>) target(%arg17 : memref<16xi32, #tpu.memory_space<vmem>>) target_semaphore(%run_scoped3A : memref<!tpu.dma_semaphore, #tpu.memory_space<semaphore_mem>>)
      %dma_wait3A_408 = tpu.memref_slice %arg6[%multiple_of3A_318] : memref<10240xi32, #tpu.memory_space<hbm>> -> memref<16xi32, #tpu.memory_space<hbm>>
      %dma_wait3A_409 = tpu.memref_slice %arg6[%multiple_of3A_318] : memref<10240xi32, #tpu.memory_space<hbm>> -> memref<16xi32, #tpu.memory_space<hbm>>
      tpu.wait_dma2 semaphore(%run_scoped3A : memref<!tpu.dma_semaphore, #tpu.memory_space<semaphore_mem>>) src(%dma_wait3A_409 : memref<16xi32, #tpu.memory_space<hbm>>) dst(%arg17 : memref<16xi32, #tpu.memory_space<vmem>>)
      tpu.yield
    }) : () -> ()
    %dma_start3A_319 = arith.constant 0 : i32
    %dma_start3A_320 = arith.constant 0 : i32
    %dma_start3A_321 = tpu.memref_slice %arg18[%dma_start3A_319, %dma_start3A_320] : memref<5120x128xf32, #tpu.memory_space<vmem_shared>> -> memref<5120x128xf32, #tpu.memory_space<vmem_shared>>
    tpu.enqueue_indirect_dma source(%dma_start3A_321 : memref<5120x128xf32, #tpu.memory_space<vmem_shared>>) target(%arg14 : memref<16x128xf32, #tpu.memory_space<vmem>>) offsets(%arg17 : memref<16xi32, #tpu.memory_space<vmem>>) semaphore(%arg22 : memref<!tpu.dma_semaphore, #tpu.memory_space<semaphore_mem>>)
    %dma_wait3A_322 = arith.constant 0 : i32
    %dma_wait3A_323 = arith.constant 0 : i32
    %dma_wait3A_324 = tpu.memref_slice %arg18[%dma_wait3A_322, %dma_wait3A_323] : memref<5120x128xf32, #tpu.memory_space<vmem_shared>> -> memref<5120x128xf32, #tpu.memory_space<vmem_shared>>
    tpu.wait_indirect_dma semaphore(%arg22 : memref<!tpu.dma_semaphore, #tpu.memory_space<semaphore_mem>>) src(%dma_wait3A_324 : memref<5120x128xf32, #tpu.memory_space<vmem_shared>>) dst(%arg14 : memref<16x128xf32, #tpu.memory_space<vmem>>)
    "tpu.region"() ({
      %run_scoped3A = tpu.sem_alloc : memref<!tpu.dma_semaphore, #tpu.memory_space<semaphore_mem>>
      %dma_start3A_406 = arith.constant 0 : i32
      %dma_start3A_407 = tpu.memref_slice %arg7[%arg0, %multiple_of3A_318, %dma_start3A_406] : memref<2x5120x128xf32, #tpu.memory_space<hbm>> -> memref<1x16x128xf32, #tpu.memory_space<hbm>>
      %dma_start3A_408 = tpu.memref_squeeze %dma_start3A_407 : memref<1x16x128xf32, #tpu.memory_space<hbm>> -> memref<16x128xf32, #tpu.memory_space<hbm>>
      %dma_start3A_409 = arith.constant 0 : i32
      %dma_start3A_410 = tpu.memref_slice %arg7[%arg0, %multiple_of3A_318, %dma_start3A_409] : memref<2x5120x128xf32, #tpu.memory_space<hbm>> -> memref<1x16x128xf32, #tpu.memory_space<hbm>>
      %dma_start3A_411 = tpu.memref_squeeze %dma_start3A_410 : memref<1x16x128xf32, #tpu.memory_space<hbm>> -> memref<16x128xf32, #tpu.memory_space<hbm>>
      tpu.enqueue_dma source(%arg14 : memref<16x128xf32, #tpu.memory_space<vmem>>) target(%dma_start3A_411 : memref<16x128xf32, #tpu.memory_space<hbm>>) target_semaphore(%run_scoped3A : memref<!tpu.dma_semaphore, #tpu.memory_space<semaphore_mem>>)
      %dma_wait3A_412 = arith.constant 0 : i32
      %dma_wait3A_413 = tpu.memref_slice %arg7[%arg0, %multiple_of3A_318, %dma_wait3A_412] : memref<2x5120x128xf32, #tpu.memory_space<hbm>> -> memref<1x16x128xf32, #tpu.memory_space<hbm>>
      %dma_wait3A_414 = tpu.memref_squeeze %dma_wait3A_413 : memref<1x16x128xf32, #tpu.memory_space<hbm>> -> memref<16x128xf32, #tpu.memory_space<hbm>>
      %dma_wait3A_415 = arith.constant 0 : i32
      %dma_wait3A_416 = tpu.memref_slice %arg7[%arg0, %multiple_of3A_318, %dma_wait3A_415] : memref<2x5120x128xf32, #tpu.memory_space<hbm>> -> memref<1x16x128xf32, #tpu.memory_space<hbm>>
      %dma_wait3A_417 = tpu.memref_squeeze %dma_wait3A_416 : memref<1x16x128xf32, #tpu.memory_space<hbm>> -> memref<16x128xf32, #tpu.memory_space<hbm>>
      tpu.wait_dma2 semaphore(%run_scoped3A : memref<!tpu.dma_semaphore, #tpu.memory_space<semaphore_mem>>) src(%arg14 : memref<16x128xf32, #tpu.memory_space<vmem>>) dst(%dma_wait3A_417 : memref<16x128xf32, #tpu.memory_space<hbm>>)
      tpu.yield
    }) : () -> ()
    %add3A_325 = arith.constant 176 : i32
    %add3A_326 = arith.addi %multiple_of3A, %add3A_325 : i32
    %multiple_of3A_327 = tpu.assume_multiple %add3A_326, 8 : i32
    "tpu.region"() ({
      %run_scoped3A = tpu.sem_alloc : memref<!tpu.dma_semaphore, #tpu.memory_space<semaphore_mem>>
      %dma_start3A_406 = tpu.memref_slice %arg6[%multiple_of3A_327] : memref<10240xi32, #tpu.memory_space<hbm>> -> memref<16xi32, #tpu.memory_space<hbm>>
      %dma_start3A_407 = tpu.memref_slice %arg6[%multiple_of3A_327] : memref<10240xi32, #tpu.memory_space<hbm>> -> memref<16xi32, #tpu.memory_space<hbm>>
      tpu.enqueue_dma source(%dma_start3A_407 : memref<16xi32, #tpu.memory_space<hbm>>) target(%arg17 : memref<16xi32, #tpu.memory_space<vmem>>) target_semaphore(%run_scoped3A : memref<!tpu.dma_semaphore, #tpu.memory_space<semaphore_mem>>)
      %dma_wait3A_408 = tpu.memref_slice %arg6[%multiple_of3A_327] : memref<10240xi32, #tpu.memory_space<hbm>> -> memref<16xi32, #tpu.memory_space<hbm>>
      %dma_wait3A_409 = tpu.memref_slice %arg6[%multiple_of3A_327] : memref<10240xi32, #tpu.memory_space<hbm>> -> memref<16xi32, #tpu.memory_space<hbm>>
      tpu.wait_dma2 semaphore(%run_scoped3A : memref<!tpu.dma_semaphore, #tpu.memory_space<semaphore_mem>>) src(%dma_wait3A_409 : memref<16xi32, #tpu.memory_space<hbm>>) dst(%arg17 : memref<16xi32, #tpu.memory_space<vmem>>)
      tpu.yield
    }) : () -> ()
    %dma_start3A_328 = arith.constant 0 : i32
    %dma_start3A_329 = arith.constant 0 : i32
    %dma_start3A_330 = tpu.memref_slice %arg18[%dma_start3A_328, %dma_start3A_329] : memref<5120x128xf32, #tpu.memory_space<vmem_shared>> -> memref<5120x128xf32, #tpu.memory_space<vmem_shared>>
    tpu.enqueue_indirect_dma source(%dma_start3A_330 : memref<5120x128xf32, #tpu.memory_space<vmem_shared>>) target(%arg14 : memref<16x128xf32, #tpu.memory_space<vmem>>) offsets(%arg17 : memref<16xi32, #tpu.memory_space<vmem>>) semaphore(%arg22 : memref<!tpu.dma_semaphore, #tpu.memory_space<semaphore_mem>>)
    %dma_wait3A_331 = arith.constant 0 : i32
    %dma_wait3A_332 = arith.constant 0 : i32
    %dma_wait3A_333 = tpu.memref_slice %arg18[%dma_wait3A_331, %dma_wait3A_332] : memref<5120x128xf32, #tpu.memory_space<vmem_shared>> -> memref<5120x128xf32, #tpu.memory_space<vmem_shared>>
    tpu.wait_indirect_dma semaphore(%arg22 : memref<!tpu.dma_semaphore, #tpu.memory_space<semaphore_mem>>) src(%dma_wait3A_333 : memref<5120x128xf32, #tpu.memory_space<vmem_shared>>) dst(%arg14 : memref<16x128xf32, #tpu.memory_space<vmem>>)
    "tpu.region"() ({
      %run_scoped3A = tpu.sem_alloc : memref<!tpu.dma_semaphore, #tpu.memory_space<semaphore_mem>>
      %dma_start3A_406 = arith.constant 0 : i32
      %dma_start3A_407 = tpu.memref_slice %arg7[%arg0, %multiple_of3A_327, %dma_start3A_406] : memref<2x5120x128xf32, #tpu.memory_space<hbm>> -> memref<1x16x128xf32, #tpu.memory_space<hbm>>
      %dma_start3A_408 = tpu.memref_squeeze %dma_start3A_407 : memref<1x16x128xf32, #tpu.memory_space<hbm>> -> memref<16x128xf32, #tpu.memory_space<hbm>>
      %dma_start3A_409 = arith.constant 0 : i32
      %dma_start3A_410 = tpu.memref_slice %arg7[%arg0, %multiple_of3A_327, %dma_start3A_409] : memref<2x5120x128xf32, #tpu.memory_space<hbm>> -> memref<1x16x128xf32, #tpu.memory_space<hbm>>
      %dma_start3A_411 = tpu.memref_squeeze %dma_start3A_410 : memref<1x16x128xf32, #tpu.memory_space<hbm>> -> memref<16x128xf32, #tpu.memory_space<hbm>>
      tpu.enqueue_dma source(%arg14 : memref<16x128xf32, #tpu.memory_space<vmem>>) target(%dma_start3A_411 : memref<16x128xf32, #tpu.memory_space<hbm>>) target_semaphore(%run_scoped3A : memref<!tpu.dma_semaphore, #tpu.memory_space<semaphore_mem>>)
      %dma_wait3A_412 = arith.constant 0 : i32
      %dma_wait3A_413 = tpu.memref_slice %arg7[%arg0, %multiple_of3A_327, %dma_wait3A_412] : memref<2x5120x128xf32, #tpu.memory_space<hbm>> -> memref<1x16x128xf32, #tpu.memory_space<hbm>>
      %dma_wait3A_414 = tpu.memref_squeeze %dma_wait3A_413 : memref<1x16x128xf32, #tpu.memory_space<hbm>> -> memref<16x128xf32, #tpu.memory_space<hbm>>
      %dma_wait3A_415 = arith.constant 0 : i32
      %dma_wait3A_416 = tpu.memref_slice %arg7[%arg0, %multiple_of3A_327, %dma_wait3A_415] : memref<2x5120x128xf32, #tpu.memory_space<hbm>> -> memref<1x16x128xf32, #tpu.memory_space<hbm>>
      %dma_wait3A_417 = tpu.memref_squeeze %dma_wait3A_416 : memref<1x16x128xf32, #tpu.memory_space<hbm>> -> memref<16x128xf32, #tpu.memory_space<hbm>>
      tpu.wait_dma2 semaphore(%run_scoped3A : memref<!tpu.dma_semaphore, #tpu.memory_space<semaphore_mem>>) src(%arg14 : memref<16x128xf32, #tpu.memory_space<vmem>>) dst(%dma_wait3A_417 : memref<16x128xf32, #tpu.memory_space<hbm>>)
      tpu.yield
    }) : () -> ()
    %add3A_334 = arith.constant 192 : i32
    %add3A_335 = arith.addi %multiple_of3A, %add3A_334 : i32
    %multiple_of3A_336 = tpu.assume_multiple %add3A_335, 8 : i32
    "tpu.region"() ({
      %run_scoped3A = tpu.sem_alloc : memref<!tpu.dma_semaphore, #tpu.memory_space<semaphore_mem>>
      %dma_start3A_406 = tpu.memref_slice %arg6[%multiple_of3A_336] : memref<10240xi32, #tpu.memory_space<hbm>> -> memref<16xi32, #tpu.memory_space<hbm>>
      %dma_start3A_407 = tpu.memref_slice %arg6[%multiple_of3A_336] : memref<10240xi32, #tpu.memory_space<hbm>> -> memref<16xi32, #tpu.memory_space<hbm>>
      tpu.enqueue_dma source(%dma_start3A_407 : memref<16xi32, #tpu.memory_space<hbm>>) target(%arg17 : memref<16xi32, #tpu.memory_space<vmem>>) target_semaphore(%run_scoped3A : memref<!tpu.dma_semaphore, #tpu.memory_space<semaphore_mem>>)
      %dma_wait3A_408 = tpu.memref_slice %arg6[%multiple_of3A_336] : memref<10240xi32, #tpu.memory_space<hbm>> -> memref<16xi32, #tpu.memory_space<hbm>>
      %dma_wait3A_409 = tpu.memref_slice %arg6[%multiple_of3A_336] : memref<10240xi32, #tpu.memory_space<hbm>> -> memref<16xi32, #tpu.memory_space<hbm>>
      tpu.wait_dma2 semaphore(%run_scoped3A : memref<!tpu.dma_semaphore, #tpu.memory_space<semaphore_mem>>) src(%dma_wait3A_409 : memref<16xi32, #tpu.memory_space<hbm>>) dst(%arg17 : memref<16xi32, #tpu.memory_space<vmem>>)
      tpu.yield
    }) : () -> ()
    %dma_start3A_337 = arith.constant 0 : i32
    %dma_start3A_338 = arith.constant 0 : i32
    %dma_start3A_339 = tpu.memref_slice %arg18[%dma_start3A_337, %dma_start3A_338] : memref<5120x128xf32, #tpu.memory_space<vmem_shared>> -> memref<5120x128xf32, #tpu.memory_space<vmem_shared>>
    tpu.enqueue_indirect_dma source(%dma_start3A_339 : memref<5120x128xf32, #tpu.memory_space<vmem_shared>>) target(%arg14 : memref<16x128xf32, #tpu.memory_space<vmem>>) offsets(%arg17 : memref<16xi32, #tpu.memory_space<vmem>>) semaphore(%arg22 : memref<!tpu.dma_semaphore, #tpu.memory_space<semaphore_mem>>)
    %dma_wait3A_340 = arith.constant 0 : i32
    %dma_wait3A_341 = arith.constant 0 : i32
    %dma_wait3A_342 = tpu.memref_slice %arg18[%dma_wait3A_340, %dma_wait3A_341] : memref<5120x128xf32, #tpu.memory_space<vmem_shared>> -> memref<5120x128xf32, #tpu.memory_space<vmem_shared>>
    tpu.wait_indirect_dma semaphore(%arg22 : memref<!tpu.dma_semaphore, #tpu.memory_space<semaphore_mem>>) src(%dma_wait3A_342 : memref<5120x128xf32, #tpu.memory_space<vmem_shared>>) dst(%arg14 : memref<16x128xf32, #tpu.memory_space<vmem>>)
    "tpu.region"() ({
      %run_scoped3A = tpu.sem_alloc : memref<!tpu.dma_semaphore, #tpu.memory_space<semaphore_mem>>
      %dma_start3A_406 = arith.constant 0 : i32
      %dma_start3A_407 = tpu.memref_slice %arg7[%arg0, %multiple_of3A_336, %dma_start3A_406] : memref<2x5120x128xf32, #tpu.memory_space<hbm>> -> memref<1x16x128xf32, #tpu.memory_space<hbm>>
      %dma_start3A_408 = tpu.memref_squeeze %dma_start3A_407 : memref<1x16x128xf32, #tpu.memory_space<hbm>> -> memref<16x128xf32, #tpu.memory_space<hbm>>
      %dma_start3A_409 = arith.constant 0 : i32
      %dma_start3A_410 = tpu.memref_slice %arg7[%arg0, %multiple_of3A_336, %dma_start3A_409] : memref<2x5120x128xf32, #tpu.memory_space<hbm>> -> memref<1x16x128xf32, #tpu.memory_space<hbm>>
      %dma_start3A_411 = tpu.memref_squeeze %dma_start3A_410 : memref<1x16x128xf32, #tpu.memory_space<hbm>> -> memref<16x128xf32, #tpu.memory_space<hbm>>
      tpu.enqueue_dma source(%arg14 : memref<16x128xf32, #tpu.memory_space<vmem>>) target(%dma_start3A_411 : memref<16x128xf32, #tpu.memory_space<hbm>>) target_semaphore(%run_scoped3A : memref<!tpu.dma_semaphore, #tpu.memory_space<semaphore_mem>>)
      %dma_wait3A_412 = arith.constant 0 : i32
      %dma_wait3A_413 = tpu.memref_slice %arg7[%arg0, %multiple_of3A_336, %dma_wait3A_412] : memref<2x5120x128xf32, #tpu.memory_space<hbm>> -> memref<1x16x128xf32, #tpu.memory_space<hbm>>
      %dma_wait3A_414 = tpu.memref_squeeze %dma_wait3A_413 : memref<1x16x128xf32, #tpu.memory_space<hbm>> -> memref<16x128xf32, #tpu.memory_space<hbm>>
      %dma_wait3A_415 = arith.constant 0 : i32
      %dma_wait3A_416 = tpu.memref_slice %arg7[%arg0, %multiple_of3A_336, %dma_wait3A_415] : memref<2x5120x128xf32, #tpu.memory_space<hbm>> -> memref<1x16x128xf32, #tpu.memory_space<hbm>>
      %dma_wait3A_417 = tpu.memref_squeeze %dma_wait3A_416 : memref<1x16x128xf32, #tpu.memory_space<hbm>> -> memref<16x128xf32, #tpu.memory_space<hbm>>
      tpu.wait_dma2 semaphore(%run_scoped3A : memref<!tpu.dma_semaphore, #tpu.memory_space<semaphore_mem>>) src(%arg14 : memref<16x128xf32, #tpu.memory_space<vmem>>) dst(%dma_wait3A_417 : memref<16x128xf32, #tpu.memory_space<hbm>>)
      tpu.yield
    }) : () -> ()
    %add3A_343 = arith.constant 208 : i32
    %add3A_344 = arith.addi %multiple_of3A, %add3A_343 : i32
    %multiple_of3A_345 = tpu.assume_multiple %add3A_344, 8 : i32
    "tpu.region"() ({
      %run_scoped3A = tpu.sem_alloc : memref<!tpu.dma_semaphore, #tpu.memory_space<semaphore_mem>>
      %dma_start3A_406 = tpu.memref_slice %arg6[%multiple_of3A_345] : memref<10240xi32, #tpu.memory_space<hbm>> -> memref<16xi32, #tpu.memory_space<hbm>>
      %dma_start3A_407 = tpu.memref_slice %arg6[%multiple_of3A_345] : memref<10240xi32, #tpu.memory_space<hbm>> -> memref<16xi32, #tpu.memory_space<hbm>>
      tpu.enqueue_dma source(%dma_start3A_407 : memref<16xi32, #tpu.memory_space<hbm>>) target(%arg17 : memref<16xi32, #tpu.memory_space<vmem>>) target_semaphore(%run_scoped3A : memref<!tpu.dma_semaphore, #tpu.memory_space<semaphore_mem>>)
      %dma_wait3A_408 = tpu.memref_slice %arg6[%multiple_of3A_345] : memref<10240xi32, #tpu.memory_space<hbm>> -> memref<16xi32, #tpu.memory_space<hbm>>
      %dma_wait3A_409 = tpu.memref_slice %arg6[%multiple_of3A_345] : memref<10240xi32, #tpu.memory_space<hbm>> -> memref<16xi32, #tpu.memory_space<hbm>>
      tpu.wait_dma2 semaphore(%run_scoped3A : memref<!tpu.dma_semaphore, #tpu.memory_space<semaphore_mem>>) src(%dma_wait3A_409 : memref<16xi32, #tpu.memory_space<hbm>>) dst(%arg17 : memref<16xi32, #tpu.memory_space<vmem>>)
      tpu.yield
    }) : () -> ()
    %dma_start3A_346 = arith.constant 0 : i32
    %dma_start3A_347 = arith.constant 0 : i32
    %dma_start3A_348 = tpu.memref_slice %arg18[%dma_start3A_346, %dma_start3A_347] : memref<5120x128xf32, #tpu.memory_space<vmem_shared>> -> memref<5120x128xf32, #tpu.memory_space<vmem_shared>>
    tpu.enqueue_indirect_dma source(%dma_start3A_348 : memref<5120x128xf32, #tpu.memory_space<vmem_shared>>) target(%arg14 : memref<16x128xf32, #tpu.memory_space<vmem>>) offsets(%arg17 : memref<16xi32, #tpu.memory_space<vmem>>) semaphore(%arg22 : memref<!tpu.dma_semaphore, #tpu.memory_space<semaphore_mem>>)
    %dma_wait3A_349 = arith.constant 0 : i32
    %dma_wait3A_350 = arith.constant 0 : i32
    %dma_wait3A_351 = tpu.memref_slice %arg18[%dma_wait3A_349, %dma_wait3A_350] : memref<5120x128xf32, #tpu.memory_space<vmem_shared>> -> memref<5120x128xf32, #tpu.memory_space<vmem_shared>>
    tpu.wait_indirect_dma semaphore(%arg22 : memref<!tpu.dma_semaphore, #tpu.memory_space<semaphore_mem>>) src(%dma_wait3A_351 : memref<5120x128xf32, #tpu.memory_space<vmem_shared>>) dst(%arg14 : memref<16x128xf32, #tpu.memory_space<vmem>>)
    "tpu.region"() ({
      %run_scoped3A = tpu.sem_alloc : memref<!tpu.dma_semaphore, #tpu.memory_space<semaphore_mem>>
      %dma_start3A_406 = arith.constant 0 : i32
      %dma_start3A_407 = tpu.memref_slice %arg7[%arg0, %multiple_of3A_345, %dma_start3A_406] : memref<2x5120x128xf32, #tpu.memory_space<hbm>> -> memref<1x16x128xf32, #tpu.memory_space<hbm>>
      %dma_start3A_408 = tpu.memref_squeeze %dma_start3A_407 : memref<1x16x128xf32, #tpu.memory_space<hbm>> -> memref<16x128xf32, #tpu.memory_space<hbm>>
      %dma_start3A_409 = arith.constant 0 : i32
      %dma_start3A_410 = tpu.memref_slice %arg7[%arg0, %multiple_of3A_345, %dma_start3A_409] : memref<2x5120x128xf32, #tpu.memory_space<hbm>> -> memref<1x16x128xf32, #tpu.memory_space<hbm>>
      %dma_start3A_411 = tpu.memref_squeeze %dma_start3A_410 : memref<1x16x128xf32, #tpu.memory_space<hbm>> -> memref<16x128xf32, #tpu.memory_space<hbm>>
      tpu.enqueue_dma source(%arg14 : memref<16x128xf32, #tpu.memory_space<vmem>>) target(%dma_start3A_411 : memref<16x128xf32, #tpu.memory_space<hbm>>) target_semaphore(%run_scoped3A : memref<!tpu.dma_semaphore, #tpu.memory_space<semaphore_mem>>)
      %dma_wait3A_412 = arith.constant 0 : i32
      %dma_wait3A_413 = tpu.memref_slice %arg7[%arg0, %multiple_of3A_345, %dma_wait3A_412] : memref<2x5120x128xf32, #tpu.memory_space<hbm>> -> memref<1x16x128xf32, #tpu.memory_space<hbm>>
      %dma_wait3A_414 = tpu.memref_squeeze %dma_wait3A_413 : memref<1x16x128xf32, #tpu.memory_space<hbm>> -> memref<16x128xf32, #tpu.memory_space<hbm>>
      %dma_wait3A_415 = arith.constant 0 : i32
      %dma_wait3A_416 = tpu.memref_slice %arg7[%arg0, %multiple_of3A_345, %dma_wait3A_415] : memref<2x5120x128xf32, #tpu.memory_space<hbm>> -> memref<1x16x128xf32, #tpu.memory_space<hbm>>
      %dma_wait3A_417 = tpu.memref_squeeze %dma_wait3A_416 : memref<1x16x128xf32, #tpu.memory_space<hbm>> -> memref<16x128xf32, #tpu.memory_space<hbm>>
      tpu.wait_dma2 semaphore(%run_scoped3A : memref<!tpu.dma_semaphore, #tpu.memory_space<semaphore_mem>>) src(%arg14 : memref<16x128xf32, #tpu.memory_space<vmem>>) dst(%dma_wait3A_417 : memref<16x128xf32, #tpu.memory_space<hbm>>)
      tpu.yield
    }) : () -> ()
    %add3A_352 = arith.constant 224 : i32
    %add3A_353 = arith.addi %multiple_of3A, %add3A_352 : i32
    %multiple_of3A_354 = tpu.assume_multiple %add3A_353, 8 : i32
    "tpu.region"() ({
      %run_scoped3A = tpu.sem_alloc : memref<!tpu.dma_semaphore, #tpu.memory_space<semaphore_mem>>
      %dma_start3A_406 = tpu.memref_slice %arg6[%multiple_of3A_354] : memref<10240xi32, #tpu.memory_space<hbm>> -> memref<16xi32, #tpu.memory_space<hbm>>
      %dma_start3A_407 = tpu.memref_slice %arg6[%multiple_of3A_354] : memref<10240xi32, #tpu.memory_space<hbm>> -> memref<16xi32, #tpu.memory_space<hbm>>
      tpu.enqueue_dma source(%dma_start3A_407 : memref<16xi32, #tpu.memory_space<hbm>>) target(%arg17 : memref<16xi32, #tpu.memory_space<vmem>>) target_semaphore(%run_scoped3A : memref<!tpu.dma_semaphore, #tpu.memory_space<semaphore_mem>>)
      %dma_wait3A_408 = tpu.memref_slice %arg6[%multiple_of3A_354] : memref<10240xi32, #tpu.memory_space<hbm>> -> memref<16xi32, #tpu.memory_space<hbm>>
      %dma_wait3A_409 = tpu.memref_slice %arg6[%multiple_of3A_354] : memref<10240xi32, #tpu.memory_space<hbm>> -> memref<16xi32, #tpu.memory_space<hbm>>
      tpu.wait_dma2 semaphore(%run_scoped3A : memref<!tpu.dma_semaphore, #tpu.memory_space<semaphore_mem>>) src(%dma_wait3A_409 : memref<16xi32, #tpu.memory_space<hbm>>) dst(%arg17 : memref<16xi32, #tpu.memory_space<vmem>>)
      tpu.yield
    }) : () -> ()
    %dma_start3A_355 = arith.constant 0 : i32
    %dma_start3A_356 = arith.constant 0 : i32
    %dma_start3A_357 = tpu.memref_slice %arg18[%dma_start3A_355, %dma_start3A_356] : memref<5120x128xf32, #tpu.memory_space<vmem_shared>> -> memref<5120x128xf32, #tpu.memory_space<vmem_shared>>
    tpu.enqueue_indirect_dma source(%dma_start3A_357 : memref<5120x128xf32, #tpu.memory_space<vmem_shared>>) target(%arg14 : memref<16x128xf32, #tpu.memory_space<vmem>>) offsets(%arg17 : memref<16xi32, #tpu.memory_space<vmem>>) semaphore(%arg22 : memref<!tpu.dma_semaphore, #tpu.memory_space<semaphore_mem>>)
    %dma_wait3A_358 = arith.constant 0 : i32
    %dma_wait3A_359 = arith.constant 0 : i32
    %dma_wait3A_360 = tpu.memref_slice %arg18[%dma_wait3A_358, %dma_wait3A_359] : memref<5120x128xf32, #tpu.memory_space<vmem_shared>> -> memref<5120x128xf32, #tpu.memory_space<vmem_shared>>
    tpu.wait_indirect_dma semaphore(%arg22 : memref<!tpu.dma_semaphore, #tpu.memory_space<semaphore_mem>>) src(%dma_wait3A_360 : memref<5120x128xf32, #tpu.memory_space<vmem_shared>>) dst(%arg14 : memref<16x128xf32, #tpu.memory_space<vmem>>)
    "tpu.region"() ({
      %run_scoped3A = tpu.sem_alloc : memref<!tpu.dma_semaphore, #tpu.memory_space<semaphore_mem>>
      %dma_start3A_406 = arith.constant 0 : i32
      %dma_start3A_407 = tpu.memref_slice %arg7[%arg0, %multiple_of3A_354, %dma_start3A_406] : memref<2x5120x128xf32, #tpu.memory_space<hbm>> -> memref<1x16x128xf32, #tpu.memory_space<hbm>>
      %dma_start3A_408 = tpu.memref_squeeze %dma_start3A_407 : memref<1x16x128xf32, #tpu.memory_space<hbm>> -> memref<16x128xf32, #tpu.memory_space<hbm>>
      %dma_start3A_409 = arith.constant 0 : i32
      %dma_start3A_410 = tpu.memref_slice %arg7[%arg0, %multiple_of3A_354, %dma_start3A_409] : memref<2x5120x128xf32, #tpu.memory_space<hbm>> -> memref<1x16x128xf32, #tpu.memory_space<hbm>>
      %dma_start3A_411 = tpu.memref_squeeze %dma_start3A_410 : memref<1x16x128xf32, #tpu.memory_space<hbm>> -> memref<16x128xf32, #tpu.memory_space<hbm>>
      tpu.enqueue_dma source(%arg14 : memref<16x128xf32, #tpu.memory_space<vmem>>) target(%dma_start3A_411 : memref<16x128xf32, #tpu.memory_space<hbm>>) target_semaphore(%run_scoped3A : memref<!tpu.dma_semaphore, #tpu.memory_space<semaphore_mem>>)
      %dma_wait3A_412 = arith.constant 0 : i32
      %dma_wait3A_413 = tpu.memref_slice %arg7[%arg0, %multiple_of3A_354, %dma_wait3A_412] : memref<2x5120x128xf32, #tpu.memory_space<hbm>> -> memref<1x16x128xf32, #tpu.memory_space<hbm>>
      %dma_wait3A_414 = tpu.memref_squeeze %dma_wait3A_413 : memref<1x16x128xf32, #tpu.memory_space<hbm>> -> memref<16x128xf32, #tpu.memory_space<hbm>>
      %dma_wait3A_415 = arith.constant 0 : i32
      %dma_wait3A_416 = tpu.memref_slice %arg7[%arg0, %multiple_of3A_354, %dma_wait3A_415] : memref<2x5120x128xf32, #tpu.memory_space<hbm>> -> memref<1x16x128xf32, #tpu.memory_space<hbm>>
      %dma_wait3A_417 = tpu.memref_squeeze %dma_wait3A_416 : memref<1x16x128xf32, #tpu.memory_space<hbm>> -> memref<16x128xf32, #tpu.memory_space<hbm>>
      tpu.wait_dma2 semaphore(%run_scoped3A : memref<!tpu.dma_semaphore, #tpu.memory_space<semaphore_mem>>) src(%arg14 : memref<16x128xf32, #tpu.memory_space<vmem>>) dst(%dma_wait3A_417 : memref<16x128xf32, #tpu.memory_space<hbm>>)
      tpu.yield
    }) : () -> ()
    %add3A_361 = arith.constant 240 : i32
    %add3A_362 = arith.addi %multiple_of3A, %add3A_361 : i32
    %multiple_of3A_363 = tpu.assume_multiple %add3A_362, 8 : i32
    "tpu.region"() ({
      %run_scoped3A = tpu.sem_alloc : memref<!tpu.dma_semaphore, #tpu.memory_space<semaphore_mem>>
      %dma_start3A_406 = tpu.memref_slice %arg6[%multiple_of3A_363] : memref<10240xi32, #tpu.memory_space<hbm>> -> memref<16xi32, #tpu.memory_space<hbm>>
      %dma_start3A_407 = tpu.memref_slice %arg6[%multiple_of3A_363] : memref<10240xi32, #tpu.memory_space<hbm>> -> memref<16xi32, #tpu.memory_space<hbm>>
      tpu.enqueue_dma source(%dma_start3A_407 : memref<16xi32, #tpu.memory_space<hbm>>) target(%arg17 : memref<16xi32, #tpu.memory_space<vmem>>) target_semaphore(%run_scoped3A : memref<!tpu.dma_semaphore, #tpu.memory_space<semaphore_mem>>)
      %dma_wait3A_408 = tpu.memref_slice %arg6[%multiple_of3A_363] : memref<10240xi32, #tpu.memory_space<hbm>> -> memref<16xi32, #tpu.memory_space<hbm>>
      %dma_wait3A_409 = tpu.memref_slice %arg6[%multiple_of3A_363] : memref<10240xi32, #tpu.memory_space<hbm>> -> memref<16xi32, #tpu.memory_space<hbm>>
      tpu.wait_dma2 semaphore(%run_scoped3A : memref<!tpu.dma_semaphore, #tpu.memory_space<semaphore_mem>>) src(%dma_wait3A_409 : memref<16xi32, #tpu.memory_space<hbm>>) dst(%arg17 : memref<16xi32, #tpu.memory_space<vmem>>)
      tpu.yield
    }) : () -> ()
    %dma_start3A_364 = arith.constant 0 : i32
    %dma_start3A_365 = arith.constant 0 : i32
    %dma_start3A_366 = tpu.memref_slice %arg18[%dma_start3A_364, %dma_start3A_365] : memref<5120x128xf32, #tpu.memory_space<vmem_shared>> -> memref<5120x128xf32, #tpu.memory_space<vmem_shared>>
    tpu.enqueue_indirect_dma source(%dma_start3A_366 : memref<5120x128xf32, #tpu.memory_space<vmem_shared>>) target(%arg14 : memref<16x128xf32, #tpu.memory_space<vmem>>) offsets(%arg17 : memref<16xi32, #tpu.memory_space<vmem>>) semaphore(%arg22 : memref<!tpu.dma_semaphore, #tpu.memory_space<semaphore_mem>>)
    %dma_wait3A_367 = arith.constant 0 : i32
    %dma_wait3A_368 = arith.constant 0 : i32
    %dma_wait3A_369 = tpu.memref_slice %arg18[%dma_wait3A_367, %dma_wait3A_368] : memref<5120x128xf32, #tpu.memory_space<vmem_shared>> -> memref<5120x128xf32, #tpu.memory_space<vmem_shared>>
    tpu.wait_indirect_dma semaphore(%arg22 : memref<!tpu.dma_semaphore, #tpu.memory_space<semaphore_mem>>) src(%dma_wait3A_369 : memref<5120x128xf32, #tpu.memory_space<vmem_shared>>) dst(%arg14 : memref<16x128xf32, #tpu.memory_space<vmem>>)
    "tpu.region"() ({
      %run_scoped3A = tpu.sem_alloc : memref<!tpu.dma_semaphore, #tpu.memory_space<semaphore_mem>>
      %dma_start3A_406 = arith.constant 0 : i32
      %dma_start3A_407 = tpu.memref_slice %arg7[%arg0, %multiple_of3A_363, %dma_start3A_406] : memref<2x5120x128xf32, #tpu.memory_space<hbm>> -> memref<1x16x128xf32, #tpu.memory_space<hbm>>
      %dma_start3A_408 = tpu.memref_squeeze %dma_start3A_407 : memref<1x16x128xf32, #tpu.memory_space<hbm>> -> memref<16x128xf32, #tpu.memory_space<hbm>>
      %dma_start3A_409 = arith.constant 0 : i32
      %dma_start3A_410 = tpu.memref_slice %arg7[%arg0, %multiple_of3A_363, %dma_start3A_409] : memref<2x5120x128xf32, #tpu.memory_space<hbm>> -> memref<1x16x128xf32, #tpu.memory_space<hbm>>
      %dma_start3A_411 = tpu.memref_squeeze %dma_start3A_410 : memref<1x16x128xf32, #tpu.memory_space<hbm>> -> memref<16x128xf32, #tpu.memory_space<hbm>>
      tpu.enqueue_dma source(%arg14 : memref<16x128xf32, #tpu.memory_space<vmem>>) target(%dma_start3A_411 : memref<16x128xf32, #tpu.memory_space<hbm>>) target_semaphore(%run_scoped3A : memref<!tpu.dma_semaphore, #tpu.memory_space<semaphore_mem>>)
      %dma_wait3A_412 = arith.constant 0 : i32
      %dma_wait3A_413 = tpu.memref_slice %arg7[%arg0, %multiple_of3A_363, %dma_wait3A_412] : memref<2x5120x128xf32, #tpu.memory_space<hbm>> -> memref<1x16x128xf32, #tpu.memory_space<hbm>>
      %dma_wait3A_414 = tpu.memref_squeeze %dma_wait3A_413 : memref<1x16x128xf32, #tpu.memory_space<hbm>> -> memref<16x128xf32, #tpu.memory_space<hbm>>
      %dma_wait3A_415 = arith.constant 0 : i32
      %dma_wait3A_416 = tpu.memref_slice %arg7[%arg0, %multiple_of3A_363, %dma_wait3A_415] : memref<2x5120x128xf32, #tpu.memory_space<hbm>> -> memref<1x16x128xf32, #tpu.memory_space<hbm>>
      %dma_wait3A_417 = tpu.memref_squeeze %dma_wait3A_416 : memref<1x16x128xf32, #tpu.memory_space<hbm>> -> memref<16x128xf32, #tpu.memory_space<hbm>>
      tpu.wait_dma2 semaphore(%run_scoped3A : memref<!tpu.dma_semaphore, #tpu.memory_space<semaphore_mem>>) src(%arg14 : memref<16x128xf32, #tpu.memory_space<vmem>>) dst(%dma_wait3A_417 : memref<16x128xf32, #tpu.memory_space<hbm>>)
      tpu.yield
    }) : () -> ()
    %add3A_370 = arith.constant 256 : i32
    %add3A_371 = arith.addi %multiple_of3A, %add3A_370 : i32
    %multiple_of3A_372 = tpu.assume_multiple %add3A_371, 8 : i32
    "tpu.region"() ({
      %run_scoped3A = tpu.sem_alloc : memref<!tpu.dma_semaphore, #tpu.memory_space<semaphore_mem>>
      %dma_start3A_406 = tpu.memref_slice %arg6[%multiple_of3A_372] : memref<10240xi32, #tpu.memory_space<hbm>> -> memref<16xi32, #tpu.memory_space<hbm>>
      %dma_start3A_407 = tpu.memref_slice %arg6[%multiple_of3A_372] : memref<10240xi32, #tpu.memory_space<hbm>> -> memref<16xi32, #tpu.memory_space<hbm>>
      tpu.enqueue_dma source(%dma_start3A_407 : memref<16xi32, #tpu.memory_space<hbm>>) target(%arg17 : memref<16xi32, #tpu.memory_space<vmem>>) target_semaphore(%run_scoped3A : memref<!tpu.dma_semaphore, #tpu.memory_space<semaphore_mem>>)
      %dma_wait3A_408 = tpu.memref_slice %arg6[%multiple_of3A_372] : memref<10240xi32, #tpu.memory_space<hbm>> -> memref<16xi32, #tpu.memory_space<hbm>>
      %dma_wait3A_409 = tpu.memref_slice %arg6[%multiple_of3A_372] : memref<10240xi32, #tpu.memory_space<hbm>> -> memref<16xi32, #tpu.memory_space<hbm>>
      tpu.wait_dma2 semaphore(%run_scoped3A : memref<!tpu.dma_semaphore, #tpu.memory_space<semaphore_mem>>) src(%dma_wait3A_409 : memref<16xi32, #tpu.memory_space<hbm>>) dst(%arg17 : memref<16xi32, #tpu.memory_space<vmem>>)
      tpu.yield
    }) : () -> ()
    %dma_start3A_373 = arith.constant 0 : i32
    %dma_start3A_374 = arith.constant 0 : i32
    %dma_start3A_375 = tpu.memref_slice %arg18[%dma_start3A_373, %dma_start3A_374] : memref<5120x128xf32, #tpu.memory_space<vmem_shared>> -> memref<5120x128xf32, #tpu.memory_space<vmem_shared>>
    tpu.enqueue_indirect_dma source(%dma_start3A_375 : memref<5120x128xf32, #tpu.memory_space<vmem_shared>>) target(%arg14 : memref<16x128xf32, #tpu.memory_space<vmem>>) offsets(%arg17 : memref<16xi32, #tpu.memory_space<vmem>>) semaphore(%arg22 : memref<!tpu.dma_semaphore, #tpu.memory_space<semaphore_mem>>)
    %dma_wait3A_376 = arith.constant 0 : i32
    %dma_wait3A_377 = arith.constant 0 : i32
    %dma_wait3A_378 = tpu.memref_slice %arg18[%dma_wait3A_376, %dma_wait3A_377] : memref<5120x128xf32, #tpu.memory_space<vmem_shared>> -> memref<5120x128xf32, #tpu.memory_space<vmem_shared>>
    tpu.wait_indirect_dma semaphore(%arg22 : memref<!tpu.dma_semaphore, #tpu.memory_space<semaphore_mem>>) src(%dma_wait3A_378 : memref<5120x128xf32, #tpu.memory_space<vmem_shared>>) dst(%arg14 : memref<16x128xf32, #tpu.memory_space<vmem>>)
    "tpu.region"() ({
      %run_scoped3A = tpu.sem_alloc : memref<!tpu.dma_semaphore, #tpu.memory_space<semaphore_mem>>
      %dma_start3A_406 = arith.constant 0 : i32
      %dma_start3A_407 = tpu.memref_slice %arg7[%arg0, %multiple_of3A_372, %dma_start3A_406] : memref<2x5120x128xf32, #tpu.memory_space<hbm>> -> memref<1x16x128xf32, #tpu.memory_space<hbm>>
      %dma_start3A_408 = tpu.memref_squeeze %dma_start3A_407 : memref<1x16x128xf32, #tpu.memory_space<hbm>> -> memref<16x128xf32, #tpu.memory_space<hbm>>
      %dma_start3A_409 = arith.constant 0 : i32
      %dma_start3A_410 = tpu.memref_slice %arg7[%arg0, %multiple_of3A_372, %dma_start3A_409] : memref<2x5120x128xf32, #tpu.memory_space<hbm>> -> memref<1x16x128xf32, #tpu.memory_space<hbm>>
      %dma_start3A_411 = tpu.memref_squeeze %dma_start3A_410 : memref<1x16x128xf32, #tpu.memory_space<hbm>> -> memref<16x128xf32, #tpu.memory_space<hbm>>
      tpu.enqueue_dma source(%arg14 : memref<16x128xf32, #tpu.memory_space<vmem>>) target(%dma_start3A_411 : memref<16x128xf32, #tpu.memory_space<hbm>>) target_semaphore(%run_scoped3A : memref<!tpu.dma_semaphore, #tpu.memory_space<semaphore_mem>>)
      %dma_wait3A_412 = arith.constant 0 : i32
      %dma_wait3A_413 = tpu.memref_slice %arg7[%arg0, %multiple_of3A_372, %dma_wait3A_412] : memref<2x5120x128xf32, #tpu.memory_space<hbm>> -> memref<1x16x128xf32, #tpu.memory_space<hbm>>
      %dma_wait3A_414 = tpu.memref_squeeze %dma_wait3A_413 : memref<1x16x128xf32, #tpu.memory_space<hbm>> -> memref<16x128xf32, #tpu.memory_space<hbm>>
      %dma_wait3A_415 = arith.constant 0 : i32
      %dma_wait3A_416 = tpu.memref_slice %arg7[%arg0, %multiple_of3A_372, %dma_wait3A_415] : memref<2x5120x128xf32, #tpu.memory_space<hbm>> -> memref<1x16x128xf32, #tpu.memory_space<hbm>>
      %dma_wait3A_417 = tpu.memref_squeeze %dma_wait3A_416 : memref<1x16x128xf32, #tpu.memory_space<hbm>> -> memref<16x128xf32, #tpu.memory_space<hbm>>
      tpu.wait_dma2 semaphore(%run_scoped3A : memref<!tpu.dma_semaphore, #tpu.memory_space<semaphore_mem>>) src(%arg14 : memref<16x128xf32, #tpu.memory_space<vmem>>) dst(%dma_wait3A_417 : memref<16x128xf32, #tpu.memory_space<hbm>>)
      tpu.yield
    }) : () -> ()
    %add3A_379 = arith.constant 272 : i32
    %add3A_380 = arith.addi %multiple_of3A, %add3A_379 : i32
    %multiple_of3A_381 = tpu.assume_multiple %add3A_380, 8 : i32
    "tpu.region"() ({
      %run_scoped3A = tpu.sem_alloc : memref<!tpu.dma_semaphore, #tpu.memory_space<semaphore_mem>>
      %dma_start3A_406 = tpu.memref_slice %arg6[%multiple_of3A_381] : memref<10240xi32, #tpu.memory_space<hbm>> -> memref<16xi32, #tpu.memory_space<hbm>>
      %dma_start3A_407 = tpu.memref_slice %arg6[%multiple_of3A_381] : memref<10240xi32, #tpu.memory_space<hbm>> -> memref<16xi32, #tpu.memory_space<hbm>>
      tpu.enqueue_dma source(%dma_start3A_407 : memref<16xi32, #tpu.memory_space<hbm>>) target(%arg17 : memref<16xi32, #tpu.memory_space<vmem>>) target_semaphore(%run_scoped3A : memref<!tpu.dma_semaphore, #tpu.memory_space<semaphore_mem>>)
      %dma_wait3A_408 = tpu.memref_slice %arg6[%multiple_of3A_381] : memref<10240xi32, #tpu.memory_space<hbm>> -> memref<16xi32, #tpu.memory_space<hbm>>
      %dma_wait3A_409 = tpu.memref_slice %arg6[%multiple_of3A_381] : memref<10240xi32, #tpu.memory_space<hbm>> -> memref<16xi32, #tpu.memory_space<hbm>>
      tpu.wait_dma2 semaphore(%run_scoped3A : memref<!tpu.dma_semaphore, #tpu.memory_space<semaphore_mem>>) src(%dma_wait3A_409 : memref<16xi32, #tpu.memory_space<hbm>>) dst(%arg17 : memref<16xi32, #tpu.memory_space<vmem>>)
      tpu.yield
    }) : () -> ()
    %dma_start3A_382 = arith.constant 0 : i32
    %dma_start3A_383 = arith.constant 0 : i32
    %dma_start3A_384 = tpu.memref_slice %arg18[%dma_start3A_382, %dma_start3A_383] : memref<5120x128xf32, #tpu.memory_space<vmem_shared>> -> memref<5120x128xf32, #tpu.memory_space<vmem_shared>>
    tpu.enqueue_indirect_dma source(%dma_start3A_384 : memref<5120x128xf32, #tpu.memory_space<vmem_shared>>) target(%arg14 : memref<16x128xf32, #tpu.memory_space<vmem>>) offsets(%arg17 : memref<16xi32, #tpu.memory_space<vmem>>) semaphore(%arg22 : memref<!tpu.dma_semaphore, #tpu.memory_space<semaphore_mem>>)
    %dma_wait3A_385 = arith.constant 0 : i32
    %dma_wait3A_386 = arith.constant 0 : i32
    %dma_wait3A_387 = tpu.memref_slice %arg18[%dma_wait3A_385, %dma_wait3A_386] : memref<5120x128xf32, #tpu.memory_space<vmem_shared>> -> memref<5120x128xf32, #tpu.memory_space<vmem_shared>>
    tpu.wait_indirect_dma semaphore(%arg22 : memref<!tpu.dma_semaphore, #tpu.memory_space<semaphore_mem>>) src(%dma_wait3A_387 : memref<5120x128xf32, #tpu.memory_space<vmem_shared>>) dst(%arg14 : memref<16x128xf32, #tpu.memory_space<vmem>>)
    "tpu.region"() ({
      %run_scoped3A = tpu.sem_alloc : memref<!tpu.dma_semaphore, #tpu.memory_space<semaphore_mem>>
      %dma_start3A_406 = arith.constant 0 : i32
      %dma_start3A_407 = tpu.memref_slice %arg7[%arg0, %multiple_of3A_381, %dma_start3A_406] : memref<2x5120x128xf32, #tpu.memory_space<hbm>> -> memref<1x16x128xf32, #tpu.memory_space<hbm>>
      %dma_start3A_408 = tpu.memref_squeeze %dma_start3A_407 : memref<1x16x128xf32, #tpu.memory_space<hbm>> -> memref<16x128xf32, #tpu.memory_space<hbm>>
      %dma_start3A_409 = arith.constant 0 : i32
      %dma_start3A_410 = tpu.memref_slice %arg7[%arg0, %multiple_of3A_381, %dma_start3A_409] : memref<2x5120x128xf32, #tpu.memory_space<hbm>> -> memref<1x16x128xf32, #tpu.memory_space<hbm>>
      %dma_start3A_411 = tpu.memref_squeeze %dma_start3A_410 : memref<1x16x128xf32, #tpu.memory_space<hbm>> -> memref<16x128xf32, #tpu.memory_space<hbm>>
      tpu.enqueue_dma source(%arg14 : memref<16x128xf32, #tpu.memory_space<vmem>>) target(%dma_start3A_411 : memref<16x128xf32, #tpu.memory_space<hbm>>) target_semaphore(%run_scoped3A : memref<!tpu.dma_semaphore, #tpu.memory_space<semaphore_mem>>)
      %dma_wait3A_412 = arith.constant 0 : i32
      %dma_wait3A_413 = tpu.memref_slice %arg7[%arg0, %multiple_of3A_381, %dma_wait3A_412] : memref<2x5120x128xf32, #tpu.memory_space<hbm>> -> memref<1x16x128xf32, #tpu.memory_space<hbm>>
      %dma_wait3A_414 = tpu.memref_squeeze %dma_wait3A_413 : memref<1x16x128xf32, #tpu.memory_space<hbm>> -> memref<16x128xf32, #tpu.memory_space<hbm>>
      %dma_wait3A_415 = arith.constant 0 : i32
      %dma_wait3A_416 = tpu.memref_slice %arg7[%arg0, %multiple_of3A_381, %dma_wait3A_415] : memref<2x5120x128xf32, #tpu.memory_space<hbm>> -> memref<1x16x128xf32, #tpu.memory_space<hbm>>
      %dma_wait3A_417 = tpu.memref_squeeze %dma_wait3A_416 : memref<1x16x128xf32, #tpu.memory_space<hbm>> -> memref<16x128xf32, #tpu.memory_space<hbm>>
      tpu.wait_dma2 semaphore(%run_scoped3A : memref<!tpu.dma_semaphore, #tpu.memory_space<semaphore_mem>>) src(%arg14 : memref<16x128xf32, #tpu.memory_space<vmem>>) dst(%dma_wait3A_417 : memref<16x128xf32, #tpu.memory_space<hbm>>)
      tpu.yield
    }) : () -> ()
    %add3A_388 = arith.constant 288 : i32
    %add3A_389 = arith.addi %multiple_of3A, %add3A_388 : i32
    %multiple_of3A_390 = tpu.assume_multiple %add3A_389, 8 : i32
    "tpu.region"() ({
      %run_scoped3A = tpu.sem_alloc : memref<!tpu.dma_semaphore, #tpu.memory_space<semaphore_mem>>
      %dma_start3A_406 = tpu.memref_slice %arg6[%multiple_of3A_390] : memref<10240xi32, #tpu.memory_space<hbm>> -> memref<16xi32, #tpu.memory_space<hbm>>
      %dma_start3A_407 = tpu.memref_slice %arg6[%multiple_of3A_390] : memref<10240xi32, #tpu.memory_space<hbm>> -> memref<16xi32, #tpu.memory_space<hbm>>
      tpu.enqueue_dma source(%dma_start3A_407 : memref<16xi32, #tpu.memory_space<hbm>>) target(%arg17 : memref<16xi32, #tpu.memory_space<vmem>>) target_semaphore(%run_scoped3A : memref<!tpu.dma_semaphore, #tpu.memory_space<semaphore_mem>>)
      %dma_wait3A_408 = tpu.memref_slice %arg6[%multiple_of3A_390] : memref<10240xi32, #tpu.memory_space<hbm>> -> memref<16xi32, #tpu.memory_space<hbm>>
      %dma_wait3A_409 = tpu.memref_slice %arg6[%multiple_of3A_390] : memref<10240xi32, #tpu.memory_space<hbm>> -> memref<16xi32, #tpu.memory_space<hbm>>
      tpu.wait_dma2 semaphore(%run_scoped3A : memref<!tpu.dma_semaphore, #tpu.memory_space<semaphore_mem>>) src(%dma_wait3A_409 : memref<16xi32, #tpu.memory_space<hbm>>) dst(%arg17 : memref<16xi32, #tpu.memory_space<vmem>>)
      tpu.yield
    }) : () -> ()
    %dma_start3A_391 = arith.constant 0 : i32
    %dma_start3A_392 = arith.constant 0 : i32
    %dma_start3A_393 = tpu.memref_slice %arg18[%dma_start3A_391, %dma_start3A_392] : memref<5120x128xf32, #tpu.memory_space<vmem_shared>> -> memref<5120x128xf32, #tpu.memory_space<vmem_shared>>
    tpu.enqueue_indirect_dma source(%dma_start3A_393 : memref<5120x128xf32, #tpu.memory_space<vmem_shared>>) target(%arg14 : memref<16x128xf32, #tpu.memory_space<vmem>>) offsets(%arg17 : memref<16xi32, #tpu.memory_space<vmem>>) semaphore(%arg22 : memref<!tpu.dma_semaphore, #tpu.memory_space<semaphore_mem>>)
    %dma_wait3A_394 = arith.constant 0 : i32
    %dma_wait3A_395 = arith.constant 0 : i32
    %dma_wait3A_396 = tpu.memref_slice %arg18[%dma_wait3A_394, %dma_wait3A_395] : memref<5120x128xf32, #tpu.memory_space<vmem_shared>> -> memref<5120x128xf32, #tpu.memory_space<vmem_shared>>
    tpu.wait_indirect_dma semaphore(%arg22 : memref<!tpu.dma_semaphore, #tpu.memory_space<semaphore_mem>>) src(%dma_wait3A_396 : memref<5120x128xf32, #tpu.memory_space<vmem_shared>>) dst(%arg14 : memref<16x128xf32, #tpu.memory_space<vmem>>)
    "tpu.region"() ({
      %run_scoped3A = tpu.sem_alloc : memref<!tpu.dma_semaphore, #tpu.memory_space<semaphore_mem>>
      %dma_start3A_406 = arith.constant 0 : i32
      %dma_start3A_407 = tpu.memref_slice %arg7[%arg0, %multiple_of3A_390, %dma_start3A_406] : memref<2x5120x128xf32, #tpu.memory_space<hbm>> -> memref<1x16x128xf32, #tpu.memory_space<hbm>>
      %dma_start3A_408 = tpu.memref_squeeze %dma_start3A_407 : memref<1x16x128xf32, #tpu.memory_space<hbm>> -> memref<16x128xf32, #tpu.memory_space<hbm>>
      %dma_start3A_409 = arith.constant 0 : i32
      %dma_start3A_410 = tpu.memref_slice %arg7[%arg0, %multiple_of3A_390, %dma_start3A_409] : memref<2x5120x128xf32, #tpu.memory_space<hbm>> -> memref<1x16x128xf32, #tpu.memory_space<hbm>>
      %dma_start3A_411 = tpu.memref_squeeze %dma_start3A_410 : memref<1x16x128xf32, #tpu.memory_space<hbm>> -> memref<16x128xf32, #tpu.memory_space<hbm>>
      tpu.enqueue_dma source(%arg14 : memref<16x128xf32, #tpu.memory_space<vmem>>) target(%dma_start3A_411 : memref<16x128xf32, #tpu.memory_space<hbm>>) target_semaphore(%run_scoped3A : memref<!tpu.dma_semaphore, #tpu.memory_space<semaphore_mem>>)
      %dma_wait3A_412 = arith.constant 0 : i32
      %dma_wait3A_413 = tpu.memref_slice %arg7[%arg0, %multiple_of3A_390, %dma_wait3A_412] : memref<2x5120x128xf32, #tpu.memory_space<hbm>> -> memref<1x16x128xf32, #tpu.memory_space<hbm>>
      %dma_wait3A_414 = tpu.memref_squeeze %dma_wait3A_413 : memref<1x16x128xf32, #tpu.memory_space<hbm>> -> memref<16x128xf32, #tpu.memory_space<hbm>>
      %dma_wait3A_415 = arith.constant 0 : i32
      %dma_wait3A_416 = tpu.memref_slice %arg7[%arg0, %multiple_of3A_390, %dma_wait3A_415] : memref<2x5120x128xf32, #tpu.memory_space<hbm>> -> memref<1x16x128xf32, #tpu.memory_space<hbm>>
      %dma_wait3A_417 = tpu.memref_squeeze %dma_wait3A_416 : memref<1x16x128xf32, #tpu.memory_space<hbm>> -> memref<16x128xf32, #tpu.memory_space<hbm>>
      tpu.wait_dma2 semaphore(%run_scoped3A : memref<!tpu.dma_semaphore, #tpu.memory_space<semaphore_mem>>) src(%arg14 : memref<16x128xf32, #tpu.memory_space<vmem>>) dst(%dma_wait3A_417 : memref<16x128xf32, #tpu.memory_space<hbm>>)
      tpu.yield
    }) : () -> ()
    %add3A_397 = arith.constant 304 : i32
    %add3A_398 = arith.addi %multiple_of3A, %add3A_397 : i32
    %multiple_of3A_399 = tpu.assume_multiple %add3A_398, 8 : i32
    "tpu.region"() ({
      %run_scoped3A = tpu.sem_alloc : memref<!tpu.dma_semaphore, #tpu.memory_space<semaphore_mem>>
      %dma_start3A_406 = tpu.memref_slice %arg6[%multiple_of3A_399] : memref<10240xi32, #tpu.memory_space<hbm>> -> memref<16xi32, #tpu.memory_space<hbm>>
      %dma_start3A_407 = tpu.memref_slice %arg6[%multiple_of3A_399] : memref<10240xi32, #tpu.memory_space<hbm>> -> memref<16xi32, #tpu.memory_space<hbm>>
      tpu.enqueue_dma source(%dma_start3A_407 : memref<16xi32, #tpu.memory_space<hbm>>) target(%arg17 : memref<16xi32, #tpu.memory_space<vmem>>) target_semaphore(%run_scoped3A : memref<!tpu.dma_semaphore, #tpu.memory_space<semaphore_mem>>)
      %dma_wait3A_408 = tpu.memref_slice %arg6[%multiple_of3A_399] : memref<10240xi32, #tpu.memory_space<hbm>> -> memref<16xi32, #tpu.memory_space<hbm>>
      %dma_wait3A_409 = tpu.memref_slice %arg6[%multiple_of3A_399] : memref<10240xi32, #tpu.memory_space<hbm>> -> memref<16xi32, #tpu.memory_space<hbm>>
      tpu.wait_dma2 semaphore(%run_scoped3A : memref<!tpu.dma_semaphore, #tpu.memory_space<semaphore_mem>>) src(%dma_wait3A_409 : memref<16xi32, #tpu.memory_space<hbm>>) dst(%arg17 : memref<16xi32, #tpu.memory_space<vmem>>)
      tpu.yield
    }) : () -> ()
    %dma_start3A_400 = arith.constant 0 : i32
    %dma_start3A_401 = arith.constant 0 : i32
    %dma_start3A_402 = tpu.memref_slice %arg18[%dma_start3A_400, %dma_start3A_401] : memref<5120x128xf32, #tpu.memory_space<vmem_shared>> -> memref<5120x128xf32, #tpu.memory_space<vmem_shared>>
    tpu.enqueue_indirect_dma source(%dma_start3A_402 : memref<5120x128xf32, #tpu.memory_space<vmem_shared>>) target(%arg14 : memref<16x128xf32, #tpu.memory_space<vmem>>) offsets(%arg17 : memref<16xi32, #tpu.memory_space<vmem>>) semaphore(%arg22 : memref<!tpu.dma_semaphore, #tpu.memory_space<semaphore_mem>>)
    %dma_wait3A_403 = arith.constant 0 : i32
    %dma_wait3A_404 = arith.constant 0 : i32
    %dma_wait3A_405 = tpu.memref_slice %arg18[%dma_wait3A_403, %dma_wait3A_404] : memref<5120x128xf32, #tpu.memory_space<vmem_shared>> -> memref<5120x128xf32, #tpu.memory_space<vmem_shared>>
    tpu.wait_indirect_dma semaphore(%arg22 : memref<!tpu.dma_semaphore, #tpu.memory_space<semaphore_mem>>) src(%dma_wait3A_405 : memref<5120x128xf32, #tpu.memory_space<vmem_shared>>) dst(%arg14 : memref<16x128xf32, #tpu.memory_space<vmem>>)
    "tpu.region"() ({
      %run_scoped3A = tpu.sem_alloc : memref<!tpu.dma_semaphore, #tpu.memory_space<semaphore_mem>>
      %dma_start3A_406 = arith.constant 0 : i32
      %dma_start3A_407 = tpu.memref_slice %arg7[%arg0, %multiple_of3A_399, %dma_start3A_406] : memref<2x5120x128xf32, #tpu.memory_space<hbm>> -> memref<1x16x128xf32, #tpu.memory_space<hbm>>
      %dma_start3A_408 = tpu.memref_squeeze %dma_start3A_407 : memref<1x16x128xf32, #tpu.memory_space<hbm>> -> memref<16x128xf32, #tpu.memory_space<hbm>>
      %dma_start3A_409 = arith.constant 0 : i32
      %dma_start3A_410 = tpu.memref_slice %arg7[%arg0, %multiple_of3A_399, %dma_start3A_409] : memref<2x5120x128xf32, #tpu.memory_space<hbm>> -> memref<1x16x128xf32, #tpu.memory_space<hbm>>
      %dma_start3A_411 = tpu.memref_squeeze %dma_start3A_410 : memref<1x16x128xf32, #tpu.memory_space<hbm>> -> memref<16x128xf32, #tpu.memory_space<hbm>>
      tpu.enqueue_dma source(%arg14 : memref<16x128xf32, #tpu.memory_space<vmem>>) target(%dma_start3A_411 : memref<16x128xf32, #tpu.memory_space<hbm>>) target_semaphore(%run_scoped3A : memref<!tpu.dma_semaphore, #tpu.memory_space<semaphore_mem>>)
      %dma_wait3A_412 = arith.constant 0 : i32
      %dma_wait3A_413 = tpu.memref_slice %arg7[%arg0, %multiple_of3A_399, %dma_wait3A_412] : memref<2x5120x128xf32, #tpu.memory_space<hbm>> -> memref<1x16x128xf32, #tpu.memory_space<hbm>>
      %dma_wait3A_414 = tpu.memref_squeeze %dma_wait3A_413 : memref<1x16x128xf32, #tpu.memory_space<hbm>> -> memref<16x128xf32, #tpu.memory_space<hbm>>
      %dma_wait3A_415 = arith.constant 0 : i32
      %dma_wait3A_416 = tpu.memref_slice %arg7[%arg0, %multiple_of3A_399, %dma_wait3A_415] : memref<2x5120x128xf32, #tpu.memory_space<hbm>> -> memref<1x16x128xf32, #tpu.memory_space<hbm>>
      %dma_wait3A_417 = tpu.memref_squeeze %dma_wait3A_416 : memref<1x16x128xf32, #tpu.memory_space<hbm>> -> memref<16x128xf32, #tpu.memory_space<hbm>>
      tpu.wait_dma2 semaphore(%run_scoped3A : memref<!tpu.dma_semaphore, #tpu.memory_space<semaphore_mem>>) src(%arg14 : memref<16x128xf32, #tpu.memory_space<vmem>>) dst(%dma_wait3A_417 : memref<16x128xf32, #tpu.memory_space<hbm>>)
      tpu.yield
    }) : () -> ()
    return
  }
}

module attributes {stable_mosaic.version = 14 : i64} {
  func.func @_tc_first_body(%arg0: i32, %arg1: memref<1280x128xf32, #tpu.memory_space<vmem>>, %arg2: memref<128x128xf32, #tpu.memory_space<vmem>>, %arg3: memref<1x1280x128xf32, #tpu.memory_space<vmem>>, %arg4: memref<1280x128xf32, #tpu.memory_space<vmem>>) attributes {dimension_semantics = [#tpu.dimension_semantics<arbitrary>], iteration_bounds = array<i64: 8>, scalar_prefetch = 0 : i64, scratch_operands = 0 : i64, tpu.core_type = #tpu.core_type<tc>, window_params = [{transform_indices = @transform_0, window_bounds = array<i64: 1280, 128>}, {pipeline_mode = #tpu.pipeline_mode<synchronous>, transform_indices = @transform_1, window_bounds = array<i64: 128, 128>}, {transform_indices = @transform_2, window_bounds = array<i64: 1, 1280, 128>}, {transform_indices = @transform_3, window_bounds = array<i64: 1280, 128>}]} {
    %get3A = arith.constant 0 : index
    %get3A_0 = arith.constant 0 : index
    %get3A_1 = arith.constant 0 : index
    %get3A_2 = vector.load %arg3[%get3A, %get3A_0, %get3A_1] : memref<1x1280x128xf32, #tpu.memory_space<vmem>>, vector<1x1280x1xf32>
    %get3A_3 = vector.shape_cast %get3A_2 : vector<1x1280x1xf32> to vector<1280x1xf32>
    %add3A = arith.constant 1.000000e+00 : f32
    %add3A_4 = vector.broadcast %add3A : f32 to vector<1280x1xf32>
    %add3A_5 = arith.addf %get3A_3, %add3A_4 : vector<1280x1xf32>
    %rsqrt3A = math.rsqrt %add3A_5 : vector<1280x1xf32>
    %get3A_6 = arith.constant 0 : index
    %get3A_7 = arith.constant 0 : index
    %get3A_8 = vector.load %arg1[%get3A_6, %get3A_7] : memref<1280x128xf32, #tpu.memory_space<vmem>>, vector<1280x128xf32>
    %get3A_9 = arith.constant 0 : index
    %get3A_10 = arith.constant 0 : index
    %get3A_11 = vector.load %arg2[%get3A_9, %get3A_10] : memref<128x128xf32, #tpu.memory_space<vmem>>, vector<128x128xf32>
    %dot_general3A = arith.constant dense<0.000000e+00> : vector<1280x128xf32>
    %dot_general3A_12 = tpu.matmul %get3A_8, %get3A_11, %dot_general3A {dimension_numbers = #tpu.dot_dimension_numbers<[1], [0], [0], [1], [0, 0, 1, 1], [], []>, transpose_lhs_hint = false} : vector<1280x128xf32>, vector<128x128xf32>, vector<1280x128xf32> -> vector<1280x128xf32>
    %mul3A = vector.broadcast %rsqrt3A : vector<1280x1xf32> to vector<1280x128xf32>
    %mul3A_13 = arith.mulf %dot_general3A_12, %mul3A : vector<1280x128xf32>
    %swap3A = arith.constant 0 : index
    %swap3A_14 = arith.constant 0 : index
    %swap3A_15 = vector.load %arg4[%swap3A, %swap3A_14] : memref<1280x128xf32, #tpu.memory_space<vmem>>, vector<1280x128xf32>
    tpu.vector_store %arg4[%swap3A, %swap3A_14], %mul3A_13 {strides = array<i32>} : memref<1280x128xf32, #tpu.memory_space<vmem>>, vector<1280x128xf32>,
    return
  }
  func.func @transform_0(%arg0: i32) -> (i32, i32) {
    %c0_i32 = arith.constant 0 : i32
    %c0_i32_0 = arith.constant 0 : i32
    return %arg0, %c0_i32 : i32, i32
  }
  func.func @transform_1(%arg0: i32) -> (i32, i32) {
    %c0_i32 = arith.constant 0 : i32
    %c0_i32_0 = arith.constant 0 : i32
    %c0_i32_1 = arith.constant 0 : i32
    return %c0_i32, %c0_i32_0 : i32, i32
  }
  func.func @transform_2(%arg0: i32) -> (i32, i32, i32) {
    %jit3A = arith.constant 4 : i32
    %div3A = arith.divsi %arg0, %jit3A : i32
    %sign3A = arith.constant 0 : i32
    %sign3A_0 = arith.cmpi sgt, %arg0, %sign3A : i32
    %sign3A_1 = arith.extui %sign3A_0 : i1 to i32
    %sign3A_2 = arith.constant 0 : i32
    %sign3A_3 = arith.cmpi slt, %arg0, %sign3A_2 : i32
    %sign3A_4 = arith.extui %sign3A_3 : i1 to i32
    %sign3A_5 = arith.subi %sign3A_1, %sign3A_4 : i32
    %sign3A_6 = arith.constant 0 : i32
    %sign3A_7 = arith.cmpi sgt, %jit3A, %sign3A_6 : i32
    %sign3A_8 = arith.extui %sign3A_7 : i1 to i32
    %sign3A_9 = arith.constant 0 : i32
    %sign3A_10 = arith.cmpi slt, %jit3A, %sign3A_9 : i32
    %sign3A_11 = arith.extui %sign3A_10 : i1 to i32
    %sign3A_12 = arith.subi %sign3A_8, %sign3A_11 : i32
    %ne3A = arith.cmpi ne, %sign3A_5, %sign3A_12 : i32
    %rem3A = arith.remsi %arg0, %jit3A : i32
    %ne3A_13 = arith.constant 0 : i32
    %ne3A_14 = arith.cmpi ne, %rem3A, %ne3A_13 : i32
    %and3A = arith.andi %ne3A, %ne3A_14 : i1
    %sub3A = arith.constant 1 : i32
    %sub3A_15 = arith.subi %div3A, %sub3A : i32
    %select_n3A = arith.select %and3A, %sub3A_15, %div3A : i32
    %jit3A_16 = arith.constant 4 : i32
    %eq3A = arith.constant 0 : i32
    %eq3A_17 = arith.cmpi eq, %jit3A_16, %eq3A : i32
    %jit3A_18 = arith.constant 1 : i32
    %select_n3A_19 = arith.select %eq3A_17, %jit3A_18, %jit3A_16 : i32
    %rem3A_20 = arith.remsi %arg0, %select_n3A_19 : i32
    %ne3A_21 = arith.constant 0 : i32
    %ne3A_22 = arith.cmpi ne, %rem3A_20, %ne3A_21 : i32
    %lt3A = arith.constant 0 : i32
    %lt3A_23 = arith.cmpi slt, %rem3A_20, %lt3A : i32
    %lt3A_24 = arith.constant 0 : i32
    %lt3A_25 = arith.cmpi slt, %select_n3A_19, %lt3A_24 : i32
    %ne3A_26 = arith.xori %lt3A_23, %lt3A_25 : i1
    %and3A_27 = arith.andi %ne3A_26, %ne3A_22 : i1
    %add3A = arith.addi %rem3A_20, %select_n3A_19 : i32
    %select_n3A_28 = arith.select %and3A_27, %add3A, %rem3A_20 : i32
    %c0_i32 = arith.constant 0 : i32
    %c0_i32_29 = arith.constant 0 : i32
    return %select_n3A, %select_n3A_28, %c0_i32 : i32, i32, i32
  }
  func.func @transform_3(%arg0: i32) -> (i32, i32) {
    %c0_i32 = arith.constant 0 : i32
    %c0_i32_0 = arith.constant 0 : i32
    return %arg0, %c0_i32 : i32, i32
  }
}

module attributes {stable_mosaic.version = 14 : i64} {
  func.func @_tc_mid_body(%arg0: i32, %arg1: memref<1x1280x128xf32, #tpu.memory_space<vmem>>, %arg2: memref<1280x128xf32, #tpu.memory_space<vmem>>, %arg3: memref<1x1280x128xf32, #tpu.memory_space<vmem>>, %arg4: memref<1x128xf32, #tpu.memory_space<vmem>>, %arg5: memref<128x128xf32, #tpu.memory_space<vmem>>, %arg6: memref<1280x128xf32, #tpu.memory_space<vmem>>, %arg7: memref<1280x128xf32, #tpu.memory_space<vmem>>) attributes {dimension_semantics = [#tpu.dimension_semantics<arbitrary>], iteration_bounds = array<i64: 8>, scalar_prefetch = 0 : i64, scratch_operands = 0 : i64, tpu.core_type = #tpu.core_type<tc>, window_params = [{transform_indices = @transform_0, window_bounds = array<i64: 1, 1280, 128>}, {transform_indices = @transform_1, window_bounds = array<i64: 1280, 128>}, {transform_indices = @transform_2, window_bounds = array<i64: 1, 1280, 128>}, {pipeline_mode = #tpu.pipeline_mode<synchronous>, transform_indices = @transform_3, window_bounds = array<i64: 1, 128>}, {pipeline_mode = #tpu.pipeline_mode<synchronous>, transform_indices = @transform_4, window_bounds = array<i64: 128, 128>}, {transform_indices = @transform_5, window_bounds = array<i64: 1280, 128>}, {transform_indices = @transform_6, window_bounds = array<i64: 1280, 128>}]} {
    %get3A = arith.constant 0 : index
    %get3A_0 = arith.constant 0 : index
    %get3A_1 = arith.constant 0 : index
    %get3A_2 = vector.load %arg3[%get3A, %get3A_0, %get3A_1] : memref<1x1280x128xf32, #tpu.memory_space<vmem>>, vector<1x1280x1xf32>
    %get3A_3 = vector.shape_cast %get3A_2 : vector<1x1280x1xf32> to vector<1280x1xf32>
    %add3A = arith.constant 1.000000e+00 : f32
    %add3A_4 = vector.broadcast %add3A : f32 to vector<1280x1xf32>
    %add3A_5 = arith.addf %get3A_3, %add3A_4 : vector<1280x1xf32>
    %rsqrt3A = math.rsqrt %add3A_5 : vector<1280x1xf32>
    %get3A_6 = arith.constant 0 : index
    %get3A_7 = arith.constant 0 : index
    %get3A_8 = arith.constant 0 : index
    %get3A_9 = vector.load %arg1[%get3A_6, %get3A_7, %get3A_8] : memref<1x1280x128xf32, #tpu.memory_space<vmem>>, vector<1x1280x128xf32>
    %get3A_10 = vector.shape_cast %get3A_9 : vector<1x1280x128xf32> to vector<1280x128xf32>
    %get3A_11 = arith.constant 0 : index
    %get3A_12 = arith.constant 0 : index
    %get3A_13 = vector.load %arg2[%get3A_11, %get3A_12] : memref<1280x128xf32, #tpu.memory_space<vmem>>, vector<1280x128xf32>
    %add3A_14 = arith.addf %get3A_10, %get3A_13 : vector<1280x128xf32>
    %mul3A = vector.broadcast %rsqrt3A : vector<1280x1xf32> to vector<1280x128xf32>
    %mul3A_15 = arith.mulf %add3A_14, %mul3A : vector<1280x128xf32>
    %get3A_16 = arith.constant 0 : index
    %get3A_17 = arith.constant 0 : index
    %get3A_18 = vector.load %arg4[%get3A_16, %get3A_17] : memref<1x128xf32, #tpu.memory_space<vmem>>, vector<1x128xf32>
    %add3A_19 = vector.broadcast %get3A_18 : vector<1x128xf32> to vector<1280x128xf32>
    %add3A_20 = arith.addf %mul3A_15, %add3A_19 : vector<1280x128xf32>
    %swap3A = arith.constant 0 : index
    %swap3A_21 = arith.constant 0 : index
    %swap3A_22 = vector.load %arg7[%swap3A, %swap3A_21] : memref<1280x128xf32, #tpu.memory_space<vmem>>, vector<1280x128xf32>
    tpu.vector_store %arg7[%swap3A, %swap3A_21], %add3A_20 {strides = array<i32>} : memref<1280x128xf32, #tpu.memory_space<vmem>>, vector<1280x128xf32>,
    %mul3A_23 = arith.constant 1280 : i32
    %mul3A_24 = arith.muli %arg0, %mul3A_23 : i32
    %iota3A = tpu.iota {dimensions = array<i32: 0>} : vector<1280x1xi32>
    %add3A_25 = vector.broadcast %mul3A_24 : i32 to vector<1280x1xi32>
    %add3A_26 = arith.addi %add3A_25, %iota3A : vector<1280x1xi32>
    %lt3A = arith.constant 10000 : i32
    %lt3A_27 = vector.broadcast %lt3A : i32 to vector<1280x1xi32>
    %lt3A_28 = arith.cmpi slt, %add3A_26, %lt3A_27 : vector<1280x1xi32>
    %max3A = arith.constant 0.000000e+00 : f32
    %max3A_29 = vector.broadcast %max3A : f32 to vector<1280x128xf32>
    %max3A_30 = arith.maximumf %add3A_20, %max3A_29 : vector<1280x128xf32>
    %jit3A = arith.constant 0.000000e+00 : f32
    %broadcast_in_dim3A = vector.shape_cast %lt3A_28 : vector<1280x1xi1> to vector<1280x1xi1>
    %broadcast_in_dim3A_31 = vector.broadcast %broadcast_in_dim3A : vector<1280x1xi1> to vector<1280x128xi1>
    %broadcast_in_dim3A_32 = vector.broadcast %jit3A : f32 to vector<1280x128xf32>
    %select_n3A = arith.select %broadcast_in_dim3A_31, %max3A_30, %broadcast_in_dim3A_32 : vector<1280x128xi1>, vector<1280x128xf32>
    %get3A_33 = arith.constant 0 : index
    %get3A_34 = arith.constant 0 : index
    %get3A_35 = vector.load %arg5[%get3A_33, %get3A_34] : memref<128x128xf32, #tpu.memory_space<vmem>>, vector<128x128xf32>
    %dot_general3A = arith.constant dense<0.000000e+00> : vector<1280x128xf32>
    %dot_general3A_36 = tpu.matmul %select_n3A, %get3A_35, %dot_general3A {dimension_numbers = #tpu.dot_dimension_numbers<[1], [0], [0], [1], [0, 0, 1, 1], [], []>, transpose_lhs_hint = false} : vector<1280x128xf32>, vector<128x128xf32>, vector<1280x128xf32> -> vector<1280x128xf32>
    %mul3A_37 = vector.broadcast %rsqrt3A : vector<1280x1xf32> to vector<1280x128xf32>
    %mul3A_38 = arith.mulf %dot_general3A_36, %mul3A_37 : vector<1280x128xf32>
    %swap3A_39 = arith.constant 0 : index
    %swap3A_40 = arith.constant 0 : index
    %swap3A_41 = vector.load %arg6[%swap3A_39, %swap3A_40] : memref<1280x128xf32, #tpu.memory_space<vmem>>, vector<1280x128xf32>
    tpu.vector_store %arg6[%swap3A_39, %swap3A_40], %mul3A_38 {strides = array<i32>} : memref<1280x128xf32, #tpu.memory_space<vmem>>, vector<1280x128xf32>,
    return
  }
  func.func @transform_0(%arg0: i32) -> (i32, i32, i32) {
    %jit3A = arith.constant 4 : i32
    %div3A = arith.divsi %arg0, %jit3A : i32
    %sign3A = arith.constant 0 : i32
    %sign3A_0 = arith.cmpi sgt, %arg0, %sign3A : i32
    %sign3A_1 = arith.extui %sign3A_0 : i1 to i32
    %sign3A_2 = arith.constant 0 : i32
    %sign3A_3 = arith.cmpi slt, %arg0, %sign3A_2 : i32
    %sign3A_4 = arith.extui %sign3A_3 : i1 to i32
    %sign3A_5 = arith.subi %sign3A_1, %sign3A_4 : i32
    %sign3A_6 = arith.constant 0 : i32
    %sign3A_7 = arith.cmpi sgt, %jit3A, %sign3A_6 : i32
    %sign3A_8 = arith.extui %sign3A_7 : i1 to i32
    %sign3A_9 = arith.constant 0 : i32
    %sign3A_10 = arith.cmpi slt, %jit3A, %sign3A_9 : i32
    %sign3A_11 = arith.extui %sign3A_10 : i1 to i32
    %sign3A_12 = arith.subi %sign3A_8, %sign3A_11 : i32
    %ne3A = arith.cmpi ne, %sign3A_5, %sign3A_12 : i32
    %rem3A = arith.remsi %arg0, %jit3A : i32
    %ne3A_13 = arith.constant 0 : i32
    %ne3A_14 = arith.cmpi ne, %rem3A, %ne3A_13 : i32
    %and3A = arith.andi %ne3A, %ne3A_14 : i1
    %sub3A = arith.constant 1 : i32
    %sub3A_15 = arith.subi %div3A, %sub3A : i32
    %select_n3A = arith.select %and3A, %sub3A_15, %div3A : i32
    %jit3A_16 = arith.constant 4 : i32
    %eq3A = arith.constant 0 : i32
    %eq3A_17 = arith.cmpi eq, %jit3A_16, %eq3A : i32
    %jit3A_18 = arith.constant 1 : i32
    %select_n3A_19 = arith.select %eq3A_17, %jit3A_18, %jit3A_16 : i32
    %rem3A_20 = arith.remsi %arg0, %select_n3A_19 : i32
    %ne3A_21 = arith.constant 0 : i32
    %ne3A_22 = arith.cmpi ne, %rem3A_20, %ne3A_21 : i32
    %lt3A = arith.constant 0 : i32
    %lt3A_23 = arith.cmpi slt, %rem3A_20, %lt3A : i32
    %lt3A_24 = arith.constant 0 : i32
    %lt3A_25 = arith.cmpi slt, %select_n3A_19, %lt3A_24 : i32
    %ne3A_26 = arith.xori %lt3A_23, %lt3A_25 : i1
    %and3A_27 = arith.andi %ne3A_26, %ne3A_22 : i1
    %add3A = arith.addi %rem3A_20, %select_n3A_19 : i32
    %select_n3A_28 = arith.select %and3A_27, %add3A, %rem3A_20 : i32
    %c0_i32 = arith.constant 0 : i32
    %c0_i32_29 = arith.constant 0 : i32
    return %select_n3A, %select_n3A_28, %c0_i32 : i32, i32, i32
  }
  func.func @transform_1(%arg0: i32) -> (i32, i32) {
    %c0_i32 = arith.constant 0 : i32
    %c0_i32_0 = arith.constant 0 : i32
    return %arg0, %c0_i32 : i32, i32
  }
  func.func @transform_2(%arg0: i32) -> (i32, i32, i32) {
    %jit3A = arith.constant 4 : i32
    %div3A = arith.divsi %arg0, %jit3A : i32
    %sign3A = arith.constant 0 : i32
    %sign3A_0 = arith.cmpi sgt, %arg0, %sign3A : i32
    %sign3A_1 = arith.extui %sign3A_0 : i1 to i32
    %sign3A_2 = arith.constant 0 : i32
    %sign3A_3 = arith.cmpi slt, %arg0, %sign3A_2 : i32
    %sign3A_4 = arith.extui %sign3A_3 : i1 to i32
    %sign3A_5 = arith.subi %sign3A_1, %sign3A_4 : i32
    %sign3A_6 = arith.constant 0 : i32
    %sign3A_7 = arith.cmpi sgt, %jit3A, %sign3A_6 : i32
    %sign3A_8 = arith.extui %sign3A_7 : i1 to i32
    %sign3A_9 = arith.constant 0 : i32
    %sign3A_10 = arith.cmpi slt, %jit3A, %sign3A_9 : i32
    %sign3A_11 = arith.extui %sign3A_10 : i1 to i32
    %sign3A_12 = arith.subi %sign3A_8, %sign3A_11 : i32
    %ne3A = arith.cmpi ne, %sign3A_5, %sign3A_12 : i32
    %rem3A = arith.remsi %arg0, %jit3A : i32
    %ne3A_13 = arith.constant 0 : i32
    %ne3A_14 = arith.cmpi ne, %rem3A, %ne3A_13 : i32
    %and3A = arith.andi %ne3A, %ne3A_14 : i1
    %sub3A = arith.constant 1 : i32
    %sub3A_15 = arith.subi %div3A, %sub3A : i32
    %select_n3A = arith.select %and3A, %sub3A_15, %div3A : i32
    %jit3A_16 = arith.constant 4 : i32
    %eq3A = arith.constant 0 : i32
    %eq3A_17 = arith.cmpi eq, %jit3A_16, %eq3A : i32
    %jit3A_18 = arith.constant 1 : i32
    %select_n3A_19 = arith.select %eq3A_17, %jit3A_18, %jit3A_16 : i32
    %rem3A_20 = arith.remsi %arg0, %select_n3A_19 : i32
    %ne3A_21 = arith.constant 0 : i32
    %ne3A_22 = arith.cmpi ne, %rem3A_20, %ne3A_21 : i32
    %lt3A = arith.constant 0 : i32
    %lt3A_23 = arith.cmpi slt, %rem3A_20, %lt3A : i32
    %lt3A_24 = arith.constant 0 : i32
    %lt3A_25 = arith.cmpi slt, %select_n3A_19, %lt3A_24 : i32
    %ne3A_26 = arith.xori %lt3A_23, %lt3A_25 : i1
    %and3A_27 = arith.andi %ne3A_26, %ne3A_22 : i1
    %add3A = arith.addi %rem3A_20, %select_n3A_19 : i32
    %select_n3A_28 = arith.select %and3A_27, %add3A, %rem3A_20 : i32
    %c0_i32 = arith.constant 0 : i32
    %c0_i32_29 = arith.constant 0 : i32
    return %select_n3A, %select_n3A_28, %c0_i32 : i32, i32, i32
  }
  func.func @transform_3(%arg0: i32) -> (i32, i32) {
    %c0_i32 = arith.constant 0 : i32
    %c0_i32_0 = arith.constant 0 : i32
    %c0_i32_1 = arith.constant 0 : i32
    return %c0_i32, %c0_i32_0 : i32, i32
  }
  func.func @transform_4(%arg0: i32) -> (i32, i32) {
    %c0_i32 = arith.constant 0 : i32
    %c0_i32_0 = arith.constant 0 : i32
    %c0_i32_1 = arith.constant 0 : i32
    return %c0_i32, %c0_i32_0 : i32, i32
  }
  func.func @transform_5(%arg0: i32) -> (i32, i32) {
    %c0_i32 = arith.constant 0 : i32
    %c0_i32_0 = arith.constant 0 : i32
    return %arg0, %c0_i32 : i32, i32
  }
  func.func @transform_6(%arg0: i32) -> (i32, i32) {
    %c0_i32 = arith.constant 0 : i32
    %c0_i32_0 = arith.constant 0 : i32
    return %arg0, %c0_i32 : i32, i32
  }
}

</mosaic_0001>

<sc_bundles>
// kernel: closed_call.21.cloned.1.call-start
scs
__scs_entry_jumppad:
0x0: {  	(pc) =	sbr.rel $0x88, $3  }
0x1: {  	(tag) =	ssettag $0x0;
	lr =	simm.s32 $0x1  }
0x2: {  	[smem:$0x3F97] =	sst lr;
	_ =	strace $0xD0000000  }
0x3: {  	_ = 	snop  }
0x4: {  	_ = 	snop  }
0x5: {  	_ = 	snop  }
0x6: {  	_ = 	snop  }
0x7: {  	_ = 	snop  }
__scs_overlays_trampoline_lowered:
0x8: {  	[smem:$0x3FA6] =	sst s0  }
0x9: {  	[smem:$0x3FA7] =	sst s1  }
0xa: {  	[smem:$0x3FA8] =	sst s2  }
0xb: {  	[smem:$0x3FA9] =	sst s3  }
0xc: {  	[smem:$0x3FAA] =	sst s4  }
0xd: {  	[smem:$0x3FAB] =	sst s5  }
0xe: {  	[smem:$0x3FAC] =	sst s6  }
0xf: {  	[smem:$0x3FAD] =	sst s7  }
0x10: {  	[smem:$0x3FAE] =	sst s8  }
0x11: {  	[smem:$0x3FAF] =	sst s9;
	s0 =	simm.s32 @!p0 $0x0  }
0x12: {  	s1 =	sld [smem:$0x3F95];
	s0 =	simm.s32 @p0 $0x1  }
0x13: {  	[smem:$0x3FB0] =	sst s0;
	s0 =	simm.s32 @!p1 $0x0  }
0x14: {  	s2 =	sld [smem:$0x3F94];
	s0 =	simm.s32 @p1 $0x1  }
0x15: {  	[smem:$0x3FB1] =	sst s0;
	s0 =	simm.s32 @!p2 $0x0  }
0x16: {  	s3 =	sld [smem:$0x3FDB];
	s0 =	simm.s32 @p2 $0x1  }
0x17: {  	s4 =	simm.s32 $0x1BF5;
	[smem:$0x3FB3] =	sst s0  }
0x18: {  	s0 =	sld [smem:$0x3F96];
	_ =	swait.ge [sflag:s4], $0x0  }
0x19: {  	s7 =	sld [smem:$0x3F97]  }
0x1a: {  	s8 =	sadd.s32 $0xFFFFE003, lr  }
0x1b: {  	s9 =	sadd.s32 $0xFFFFFEF7, lr;
	s5 =	simm.s32 $0xFFFFFFFF;
	p2 =	slt.u32 s8, $0xFFFFF086  }
0x1c: {  	p1 =	slt.u32 s9, $0xF7A;
	s5 =	simm.s32 @!p2 $0x0  }
0x1d: {  	s5 =	simm.s32 @p1 $0x1;
	p0 =	seq.s32 s7, s2  }
0x1e: {  	s7 =	smul.u32 @!p0 $0xF7A, s2;
	p2 =	seq.s32 @!p0 s5, $0x0  }
0x1f: {  	s9 =	smul.u32 $0xF7A, s1;
	s8 =	simm.s32 @!p0 $0x1BF5;
	p2 =	por !p2, p0  }
0x20: {  	[sflag:s8] =	ssyncset.s32 @!p0 $0xFFFFF086;
	s6 =	sadd.s32 @!p0 s3, s7;
	s7 =	simm.s32 @!p0 $0x108  }
0x21: {  	s3 =	sadd.s32 s3, s9;
	s6 =	sadd.s32 @!p0 $0x88, s6;
	s7 =	simm.s32 @p2 $0x1082  }
0x22: {  	[simem:s7], [sflag:s8] =	dma.local @!p0 [hbm:s6], $0xF7A  }
0x23: {  	s9 =	sor.u32 $0xD0000000, s2;
	s6 =	simm.s32 $0x108;
	_ =	swait.ge @!p0 [sflag:s8], $0x0  }
0x24: {  	s3 =	sadd.s32 $0x88, s3;
	s6 =	simm.s32 @!p1 $0x1082;
	[sflag:s4] =	ssyncset.s32 $0xFFFFF086  }
0x25: {  	[simem:s6], [sflag:s4] =	dma.local [hbm:s3], $0xF7A  }
0x26: {  	[smem:$0x3F97] =	sst s1;
	(tag) =	ssettag s2;
	_ =	strace s9  }
0x27: {  	s1 =	sld [smem:$0x3FA7]  }
0x28: {  	s2 =	sld [smem:$0x3FA8]  }
0x29: {  	s4 =	sld [smem:$0x3FAA]  }
0x2a: {  	p0 =	seq.s32 s5, $0x0;
	s5 =	sld [smem:$0x3FAB]  }
0x2b: {  	s6 =	sld [smem:$0x3FAC]  }
0x2c: {  	s7 =	sld [smem:$0x3FAD]  }
0x2d: {  	s3 =	simm.s32 $0x108;
	s8 =	sld [smem:$0x3FAE]  }
0x2e: {  	s3 =	simm.s32 @!p0 $0x1082;
	s9 =	sld [smem:$0x3FAF]  }
0x2f: {  	lr =	sadd.s32 s0, s3;
	s0 =	sld [smem:$0x3FA6]  }
0x30: {  	s3 =	sld [smem:$0x3FA9]  }
0x31: {  	[smem:$0x3FB2] =	sst s10  }
0x32: {  	s10 =	sld [smem:$0x3FB0];
	_ =	sdelay $0x3  }
0x33: {  	p0 =	seq.s32 s10, $0x1;
	s10 =	sld [smem:$0x3FB2];
	_ =	sdelay $0x3  }
0x34: {  	[smem:$0x3FB2] =	sst s10  }
0x35: {  	s10 =	sld [smem:$0x3FB1];
	_ =	sdelay $0x3  }
0x36: {  	p1 =	seq.s32 s10, $0x1;
	s10 =	sld [smem:$0x3FB2];
	_ =	sdelay $0x3  }
0x37: {  	[smem:$0x3FB2] =	sst s10  }
0x38: {  	s10 =	sld [smem:$0x3FB3]  }
0x39: {  	_ = 	snop;
	(pc) =	sbr.ind lr, $3  }
0x3a: {  	_ = 	snop  }
0x3b: {  	_ = 	snop  }
0x3c: {  	p2 =	seq.s32 s10, $0x1;
	s10 =	sld [smem:$0x3FB2]  }
0x3d: {  	_ =	shalt  }
0x3e: {  	_ =	shalt  }
0x3f: {  	_ =	shalt  }
0x40: {  	_ =	shalt  }
0x41: {  	_ =	shalt  }
0x42: {  	_ =	shalt  }
0x43: {  	_ =	shalt  }
0x44: {  	_ =	shalt  }
0x45: {  	_ =	shalt  }
0x46: {  	_ =	shalt  }
0x47: {  	_ =	shalt  }
0x48: {  	_ =	shalt  }
0x49: {  	_ =	shalt  }
0x4a: {  	_ =	shalt  }
0x4b: {  	_ =	shalt  }
0x4c: {  	_ =	shalt  }
0x4d: {  	_ =	shalt  }
0x4e: {  	_ =	shalt  }
0x4f: {  	_ =	shalt  }
0x50: {  	_ =	shalt  }
0x51: {  	_ =	shalt  }
0x52: {  	_ =	shalt  }
0x53: {  	_ =	shalt  }
0x54: {  	_ =	shalt  }
0x55: {  	_ =	shalt  }
0x56: {  	_ =	shalt  }
0x57: {  	_ =	shalt  }
0x58: {  	_ =	shalt  }
0x59: {  	_ =	shalt  }
0x5a: {  	_ =	shalt  }
0x5b: {  	_ =	shalt  }
0x5c: {  	_ =	shalt  }
0x5d: {  	_ =	shalt  }
0x5e: {  	_ =	shalt  }
0x5f: {  	_ =	shalt  }
0x60: {  	_ =	shalt  }
0x61: {  	_ =	shalt  }
0x62: {  	_ =	shalt  }
0x63: {  	_ =	shalt  }
0x64: {  	_ =	shalt  }
0x65: {  	_ =	shalt  }
0x66: {  	_ =	shalt  }
0x67: {  	_ =	shalt  }
0x68: {  	_ =	shalt  }
0x69: {  	_ =	shalt  }
0x6a: {  	_ =	shalt  }
0x6b: {  	_ =	shalt  }
0x6c: {  	_ =	shalt  }
0x6d: {  	_ =	shalt  }
0x6e: {  	_ =	shalt  }
0x6f: {  	_ =	shalt  }
0x70: {  	_ =	shalt  }
0x71: {  	_ =	shalt  }
0x72: {  	_ =	shalt  }
0x73: {  	_ =	shalt  }
0x74: {  	_ =	shalt  }
0x75: {  	_ =	shalt  }
0x76: {  	_ =	shalt  }
0x77: {  	_ =	shalt  }
0x78: {  	_ =	shalt  }
0x79: {  	_ =	shalt  }
0x7a: {  	_ =	shalt  }
0x7b: {  	_ =	shalt  }
0x7c: {  	_ =	shalt  }
0x7d: {  	_ =	shalt  }
0x7e: {  	_ =	shalt  }
0x7f: {  	_ =	shalt  }
0x80: {  	_ =	shalt  }
0x81: {  	_ =	shalt  }
0x82: {  	_ =	shalt  }
0x83: {  	_ =	shalt  }
0x84: {  	_ =	shalt  }
0x85: {  	_ =	shalt  }
0x86: {  	_ =	shalt  }
0x87: {  	_ =	shalt  }
.Lfunc_end0:
.L_simem_size_0:
called_computation.2_lowered:
.L_overlay_start_0:
0x88: {  	s2 =	sld [smem:$0x3FD9]  }
0x89: {  	s3 =	sld [smem:$0x3FFE];
	_ =	sdelay $0x1  }
0x8a: {  	s1 =	srdreg.scid  }
0x8b: {  	s0 =	sand.u32 $0x1, s1  }
0x8c: {  	s17 =	sshll.u32 s0, $0xA;
	s2 =	sadd.s32 s3, s2  }
0x8d: {  	s2 =	sadd.s32 s2, s17  }
0x8e: {  	[smem:$0x3FBE] =	sst s2  }
0x8f: {  	_ = 	snop  }
0x90: {  	s2 =	sld [smem:$0x3FD0];
	(tm) =	ssettm $0x1  }
0x91: {  	s18 =	sld [smem:$0x3FFB];
	_ =	sdelay $0x3  }
0x92: {  	_ =	strace s18  }
0x93: {  	s3 =	sld [smem:$0x3FFC];
	_ =	sdelay $0x3  }
0x94: {  	_ =	strace s3  }
0x95: {  	s3 =	sld [smem:$0x3FFD];
	_ =	sdelay $0x3  }
0x96: {  	_ =	strace s3  }
0x97: {  	_ =	strace $0x8FFFFFFF  }
0x98: {  	s19 =	sld [smem:$0x3FDB];
	_ =	sdelay $0x1  }
0x99: {  	s4 =	simm.s32 $_scs_section_size  }
0x9a: {  	s5 =	simm.s32 $_size__tile_overlayer_lowered;
	s6 =	simm.s32 $_tile_overlayer_lowered  }
0x9b: {  	s22 =	simm.s32 $0x1BFF;
	s21 =	sshll.u32 s6, $0x1;
	s3 =	sadd.s32 s4, s19  }
0x9c: {  	s7 =	simm.s32 $0x0;
	s20 =	sshll.u32 s5, $0x1;
	s5 =	sadd.s32 s21, s3  }
0x9d: {  	[timem:s7], [sflag:s22] =	dma.local [hbm:s5], s20  }
0x9e: {  	_ =	swait.ge [sflag:s22], s20  }
0x9f: {  	s4 =	ssub.s32 $0x0, s20;
	[sflag:s22] =	ssyncset.done $0x0  }
0xa0: {  	[sflag:s22] =	ssyncadd.s32 s4;
	_ =	sdelay $0x1  }
0xa1: {  	s23 =	simm.s32 $0x1B8B  }
0xa2: {  	_ =	swait.ge [sflag:s23], $0x1  }
0xa3: {  	[sflag:s23] =	ssyncset.done $0x0  }
0xa4: {  	s25 =	simm.s32 $0x1B8E;
	s24 =	sld [smem:$0x3FFE];
	[sflag:s23] =	ssyncadd.s32 $0xFFFFFFFF  }
0xa5: {  	s26 =	simm.s32 $execute0_lowered;
	[smem:$0x3FD2] =	sst s25  }
0xa6: {  	s5 =	sshll.u32 s26, $0x1;
	_ =	strace $0x8000004C;
	[dreg:$0x1] =	wrdreg $0xFFFFFFFF  }
0xa7: {  	s28 =	simm.s32 $_size_execute0_lowered;
	s3 =	sadd.s32 s3, s5;
	[dreg:$0x0] =	wrdreg $0x0  }
0xa8: {  	s5 =	sshll.u32 s28, $0x1;
	[dreg:$0x2] =	wrdreg s3  }
0xa9: {  	[dreg:$0x3] =	wrdreg s5  }
0xaa: {  	[dreg:$0x4] =	wrdreg $0xC0  }
0xab: {  	_ =	task [dreg:s7], $0x5FFFF  }
0xac: {  	[dreg:$0x1] =	wrdreg $0xFFFFFFFF  }
0xad: {  	[dreg:$0x0] =	wrdreg $0x60  }
0xae: {  	[dreg:$0x2] =	wrdreg s24  }
0xaf: {  	[dreg:$0x3] =	wrdreg s2  }
0xb0: {  	[dreg:$0x4] =	wrdreg $0x18700  }
0xb1: {  	[dreg:$0x5] =	wrdreg $0x9  }
0xb2: {  	_ =	task.clear_ibuf [dreg:s7], $0x6FFFF;
	_ =	strace $0x9000004C  }
0xb3: {  	s29 =	simm.s32 $0x9;
	_ =	strace $0x8000004E  }
0xb4: {  	_ =	swait.ge [sflag:s29], $0x1  }
0xb5: {  	[sflag:s29] =	ssyncadd.s32 $0xFFFFFFFF  }
0xb6: {  	_ =	strace $0x9000004E  }
0xb7: {  	_ =	sfence  }
0xb8: {  	s30 =	sld [smem:$0x0];
	_ =	sdelay $0x2  }
0xb9: {  	s31 =	sshll.u32 s1, $0xD;
	s1 =	sshrl.u32 s1, $0x2  }
0xba: {  	s3 =	sand.u32 $0x4000, s31;
	s1 =	sadd.s32 s1, s30  }
0xbb: {  	s0 =	sor.u32 s3, s0;
	s1 =	sshll.u32 s1, $0x11  }
0xbc: {  	s0 =	sor.u32 s1, s0  }
0xbd: {  	s0 =	sadd.s32 $0x8F2B, s0  }
0xbe: {  	[sflag:s0] =	ssyncadd.remote.s32 $0x1  }
0xbf: {  	_ =	sfence.sel $0xFFFF  }
0xc0: {  	[dreg:$0x0] =	wrdreg $0xFFFFFFFF;
	(pc) =	sbr.abs _section_cstart, $3  }
0xc1: {  	[dreg:$0x1] =	wrdreg $0xFFFFFFFF  }
0xc2: {  	_ =	task.clear_ibuf [dreg:s7], $0x2FFFF;
	_ =	strace $0x9FFFFFFF  }
0xc3: {  	(tm) =	ssettm $0x7FFFFFFF  }
tec
execute0_lowered:
.L_overlay_start_1:
0x0: {  	(tag) =	ssettag $0x1  }
0x1: {  	s26 =	stileid.u32  }
0x2: {  	s6 =	smul.u32 $0x140, s26  }
0x3: {  	s0 =	srdreg.scid;
	s2 =	smul.u32 $0x2940, s26  }
0x4: {  	s4 =	sand.u32 $0x1, s0;
	s0 =	rddreg [dreg:$0x0];
	s26 =	smul.u32 $0xA000, s26  }
0x5: {  	s1 =	ssub.s32 $0x2, s4;
	s7 =	smul.u32 $0x29400, s4;
	s3 =	sadd.s32 $0x6A000, s0  }
0x6: {  	s4 =	smul.u32 $0xA0000, s4;
	s5 =	sshrl.u32 s1, $0x1;
	s9 =	sshrl.u32 s6, $0x3  }
0x7: {  	s31 =	sadd.s32 $0x100, s6;
	s1 =	ssub.s32 s1, s5;
	s5 =	sor.u32 $0x10, s6  }
0x8: {  	s2 =	sadd.s32 s2, s7;
	s7 =	sadd.s32 s3, s9;
	s9 =	sor.u32 $0x30, s6  }
0x9: {  	s8 =	sshrl.u32 s5, $0x3;
	[dreg:$0x4] =	wrdreg s7;
	s7 =	sor.u32 $0x20, s6  }
0xa: {  	s12 =	sshrl.u32 s9, $0x3;
	s5 =	sshll.u32 s5, $0x7;
	s9 =	sshll.u32 s9, $0x7  }
0xb: {  	s10 =	sadd.s32 s3, s8;
	s11 =	sshrl.u32 s7, $0x3;
	s22 =	sadd.s32 s3, s12  }
0xc: {  	s8 =	sadd.s32 $0x50, s6;
	s12 =	sadd.s32 $0x60, s6;
	s5 =	sadd.s32 s4, s5  }
0xd: {  	s7 =	sshll.u32 s7, $0x7;
	s9 =	sadd.s32 s4, s9;
	[dreg:$0x5] =	wrdreg s10  }
0xe: {  	s10 =	sadd.s32 $0x40, s6;
	s30 =	sadd.s32 s3, s11;
	s14 =	sshrl.u32 s8, $0x3  }
0xf: {  	s15 =	sshrl.u32 s12, $0x3;
	s5 =	sshrl.u32 s5, $0x3;
	s7 =	sadd.s32 s4, s7  }
0x10: {  	s8 =	sshll.u32 s8, $0x7;
	s12 =	sshll.u32 s12, $0x7;
	s9 =	sshrl.u32 s9, $0x3  }
0x11: {  	s11 =	sshrl.u32 s10, $0x3;
	s10 =	sshll.u32 s10, $0x7;
	s8 =	sadd.s32 s4, s8  }
0x12: {  	s12 =	sadd.s32 s4, s12;
	s7 =	sshrl.u32 s7, $0x3;
	s13 =	sadd.s32 s3, s11  }
0x13: {  	s11 =	sadd.s32 s3, s14;
	s10 =	sadd.s32 s4, s10;
	[dreg:$0x7] =	wrdreg s13  }
0x14: {  	s12 =	sshrl.u32 s12, $0x3;
	s13 =	sadd.s32 $0x70, s6;
	[dreg:$0x8] =	wrdreg s11  }
0x15: {  	s11 =	sadd.s32 s3, s15;
	s15 =	sadd.s32 $0x90, s6;
	s10 =	sshrl.u32 s10, $0x3  }
0x16: {  	s14 =	sshrl.u32 s13, $0x3;
	[dreg:$0x9] =	wrdreg s11;
	s11 =	sadd.s32 $0x80, s6  }
0x17: {  	s18 =	sshrl.u32 s15, $0x3;
	s13 =	sshll.u32 s13, $0x7;
	s15 =	sshll.u32 s15, $0x7  }
0x18: {  	s16 =	sadd.s32 s3, s14;
	s17 =	sshrl.u32 s11, $0x3;
	s11 =	sshll.u32 s11, $0x7  }
0x19: {  	s13 =	sadd.s32 s4, s13;
	s15 =	sadd.s32 s4, s15;
	[dreg:$0xa] =	wrdreg s16  }
0x1a: {  	s16 =	sadd.s32 $0xA0, s6;
	s14 =	sadd.s32 s3, s17;
	s11 =	sadd.s32 s4, s11  }
0x1b: {  	s13 =	sshrl.u32 s13, $0x3;
	[dreg:$0xb] =	wrdreg s14;
	s17 =	sshrl.u32 s16, $0x3  }
0x1c: {  	s14 =	sadd.s32 s3, s18;
	s18 =	sadd.s32 $0xC0, s6;
	s16 =	sshll.u32 s16, $0x7  }
0x1d: {  	[dreg:$0xc] =	wrdreg s14;
	s19 =	sadd.s32 s3, s17;
	s14 =	sadd.s32 $0xB0, s6  }
0x1e: {  	s21 =	sshrl.u32 s18, $0x3;
	s16 =	sadd.s32 s4, s16;
	s18 =	sshll.u32 s18, $0x7  }
0x1f: {  	[dreg:$0xd] =	wrdreg s19;
	s20 =	sshrl.u32 s14, $0x3;
	s19 =	sadd.s32 $0xD0, s6  }
0x20: {  	s14 =	sshll.u32 s14, $0x7;
	s18 =	sadd.s32 s4, s18;
	s17 =	sadd.s32 s3, s20  }
0x21: {  	s20 =	sshrl.u32 s19, $0x3;
	s14 =	sadd.s32 s4, s14;
	s19 =	sshll.u32 s19, $0x7  }
0x22: {  	[dreg:$0xe] =	wrdreg s17;
	s17 =	sadd.s32 s3, s21;
	s23 =	sadd.s32 s3, s20  }
0x23: {  	s21 =	sadd.s32 $0xF0, s6;
	s19 =	sadd.s32 s4, s19;
	[dreg:$0xf] =	wrdreg s17  }
0x24: {  	[dreg:$0x10] =	wrdreg s23;
	s17 =	sadd.s32 $0xE0, s6;
	s25 =	sshrl.u32 s21, $0x3  }
0x25: {  	s23 =	sshrl.u32 s31, $0x3;
	s21 =	sshll.u32 s21, $0x7;
	s24 =	sshrl.u32 s17, $0x3  }
0x26: {  	s23 =	sadd.s32 s3, s23;
	s17 =	sshll.u32 s17, $0x7;
	s21 =	sadd.s32 s4, s21  }
0x27: {  	s20 =	sadd.s32 s3, s24;
	[dreg:$0x13] =	wrdreg s23;
	s23 =	sadd.s32 $0x120, s6  }
0x28: {  	s17 =	sadd.s32 s4, s17;
	[dreg:$0x11] =	wrdreg s20;
	s20 =	sadd.s32 s3, s25  }
0x29: {  	s25 =	sshrl.u32 s23, $0x3;
	s23 =	sshll.u32 s23, $0x7;
	s17 =	sshrl.u32 s17, $0x3  }
0x2a: {  	[dreg:$0x12] =	wrdreg s20;
	s20 =	sadd.s32 $0x110, s6;
	s6 =	sadd.s32 $0x130, s6  }
0x2b: {  	s25 =	sadd.s32 s3, s25;
	s24 =	sshrl.u32 s20, $0x3;
	s20 =	sshll.u32 s20, $0x7  }
0x2c: {  	s23 =	sadd.s32 s4, s23;
	s24 =	sadd.s32 s3, s24;
	s20 =	sadd.s32 s4, s20  }
0x2d: {  	[dreg:$0x14] =	wrdreg s24;
	s24 =	sshrl.u32 s6, $0x3;
	s6 =	sshll.u32 s6, $0x7  }
0x2e: {  	s3 =	sadd.s32 s3, s24;
	s24 =	sadd.s32 s26, s4;
	s26 =	sshll.u32 s31, $0x7  }
0x2f: {  	s31 =	simm.s32 $0x0;
	[dreg:$0x16] =	wrdreg s3;
	s3 =	sshrl.u32 s24, $0x3  }
0x30: {  	s26 =	sadd.s32 s4, s26;
	s24 =	sadd.s32 $0xA6600, s0;
	s4 =	sadd.s32 s4, s6  }
0x31: {  	[smem:$0x7FF] =	sst s31;
	s3 =	sadd.s32 s24, s3;
	s6 =	sadd.s32 s24, s5  }
0x32: {  	s5 =	sadd.s32 s24, s12;
	s12 =	sshrl.u32 s14, $0x3;
	s14 =	sshrl.u32 s19, $0x3  }
0x33: {  	s19 =	sshrl.u32 s26, $0x3;
	s4 =	sshrl.u32 s4, $0x3;
	[dreg:$0x17] =	wrdreg s3  }
0x34: {  	[dreg:$0x18] =	wrdreg s6;
	s3 =	sadd.s32 s24, s7;
	s7 =	sadd.s32 s24, s9  }
0x35: {  	s9 =	sadd.s32 s24, s10;
	s10 =	sshrl.u32 s8, $0x3;
	[dreg:$0x1d] =	wrdreg s5  }
0x36: {  	s6 =	sadd.s32 s24, s13;
	s8 =	sshrl.u32 s15, $0x3;
	[dreg:$0x19] =	wrdreg s3  }
0x37: {  	s13 =	sshrl.u32 s18, $0x3;
	s18 =	sshrl.u32 s21, $0x3;
	[dreg:$0x1a] =	wrdreg s7  }
0x38: {  	s26 =	sadd.s32 s24, s19;
	s5 =	sshrl.u32 s20, $0x3;
	[dreg:$0x1b] =	wrdreg s9  }
0x39: {  	s19 =	smax.u32 s1, $0x1;
	s1 =	simm.s32 $0x1860;
	[dreg:$0x1e] =	wrdreg s6  }
0x3a: {  	s3 =	sadd.s32 s24, s10;
	s7 =	sshrl.u32 s11, $0x3;
	[smem:$0x7F0] =	sst s26  }
0x3b: {  	s9 =	sshrl.u32 s16, $0x3;
	s10 =	sadd.s32 s24, s8;
	s26 =	rddreg [dreg:$0x2]  }
0x3c: {  	s15 =	sadd.s32 s24, s13;
	s16 =	sadd.s32 s24, s14;
	[dreg:$0x1c] =	wrdreg s3  }
0x3d: {  	s21 =	sadd.s32 s24, s18;
	s6 =	sshrl.u32 s23, $0x3;
	[smem:$0x7E9] =	sst s10  }
0x3e: {  	s23 =	smov.u32 s30;
	s8 =	sadd.s32 s24, s4;
	[smem:$0x7EC] =	sst s15  }
0x3f: {  	s13 =	sadd.s32 $0x50, s2;
	s14 =	sadd.s32 $0x40, s2;
	[smem:$0x7ED] =	sst s16  }
0x40: {  	s18 =	sor.u32 $0x20, s2;
	s30 =	sadd.s32 $0x74000, s0;
	[smem:$0x7EF] =	sst s21  }
0x41: {  	s3 =	sadd.s32 s24, s7;
	s11 =	sadd.s32 s24, s9;
	[smem:$0x7F3] =	sst s8  }
0x42: {  	s7 =	sadd.s32 s24, s6;
	s9 =	rddreg [dreg:$0x1];
	s10 =	sshrl.u32 s2, $0x3  }
0x43: {  	s6 =	sshrl.u32 s14, $0x3;
	s15 =	sor.u32 $0x30, s2;
	[dreg:$0x1f] =	wrdreg s3  }
0x44: {  	s2 =	sor.u32 $0x10, s2;
	s8 =	simm.s32 $0x40;
	[smem:$0x7EA] =	sst s11  }
0x45: {  	s14 =	simm.s32 $0x1060;
	s3 =	sadd.s32 s24, s12;
	[smem:$0x7F2] =	sst s7  }
0x46: {  	s11 =	sadd.s32 $0x9C000, s0;
	s12 =	sadd.s32 s9, s10;
	s7 =	sshrl.u32 s15, $0x3  }
0x47: {  	s16 =	sadd.s32 s6, s9;
	s2 =	sshrl.u32 s2, $0x3;
	s0 =	sadd.s32 $0x6A600, s0  }
0x48: {  	s6 =	simm.s32 $0x7;
	s15 =	simm.s32 $0x2;
	[smem:$0x7EB] =	sst s3  }
0x49: {  	s3 =	sadd.s32 s24, s17;
	s4 =	sadd.s32 s11, s10;
	[smem:$0x7F6] =	sst s16  }
0x4a: {  	s17 =	sadd.s32 s7, s11;
	s29 =	sadd.s32 s2, s11;
	s20 =	sadd.s32 $0x2, s12  }
0x4b: {  	s21 =	sadd.s32 $0x4, s12;
	s2 =	simm.s32 $0x10;
	[smem:$0x7EE] =	sst s3  }
0x4c: {  	s10 =	simm.s32 $0x1;
	s16 =	simm.s32 $0xB;
	[smem:$0x7F4] =	sst s4  }
0x4d: {  	s3 =	sadd.s32 s24, s5;
	s4 =	sshrl.u32 s13, $0x3;
	[smem:$0x7F7] =	sst s17  }
0x4e: {  	s24 =	sadd.s32 s7, s9;
	[smem:$0x7F1] =	sst s3;
	s4 =	sadd.s32 s4, s9  }
0x4f: {  	s5 =	simm.s32 $0x30;
	s7 =	simm.s32 $0x8;
	[smem:$0x7F5] =	sst s4  }
0x50: {  	s13 =	simm.s32 $0x50;
	_ =	strace $0x8000004D;
	[smem:$0x7F8] =	sst s0  }
0x51: {  	s17 =	simm.s32 $0x3;
	s3 =	sshrl.u32 s18, $0x3;
	[smem:$0x7F9] =	sst s19  }
0x52: {  	s9 =	simm.s32 $0x860;
	s18 =	simm.s32 $0xC;
	[smem:$0x7FA] =	sst s20  }
.Ltmp0:
0x53: {  	s28 =	sadd.s32 s3, s11;
	[smem:$0x7FB] =	sst s12;
	(pc) =	sbr.rel .LBB2_1-.Ltmp0, $4  }
0x54: {  	s3 =	simm.s32 $0x4;
	s4 =	simm.s32 $0x20;
	[smem:$0x7FC] =	sst s21  }
0x55: {  	s11 =	simm.s32 $0xA;
	s21 =	simm.s32 $0x60;
	[dreg:$0x6] =	wrdreg s22  }
0x56: {  	s0 =	simm.s32 $0xD;
	s20 =	simm.s32 $0x0;
	[dreg:$0x15] =	wrdreg s25  }
0x57: {  	s12 =	simm.s32 $0x9;
	s19 =	simm.s32 $0x6;
	[smem:$0x7FD] =	sst s20  }
.LBB2_4:
0x58: {  	_ =	swait.ge [sflag:s17], $0x800  }
0x59: {  	[sflag:s17] =	ssyncset.done $0x0  }
0x5a: {  	[sflag:s17] =	ssyncadd.s32 $0xFFFFF800  }
0x5b: {  	_ =	swait.ge [sflag:s18], $0x10  }
0x5c: {  	[sflag:s18] =	ssyncset.done $0x0  }
0x5d: {  	[sflag:s18] =	ssyncadd.s32 $0xFFFFFFF0  }
0x5e: {  	[spmem:s26] =	stream.indirect.scatter.add.f32 [tilespmem:s14], [sflag:$0x6], $0x80, s13, s2, $0xb8;
	[tilespmem:$0xB870] =	vst v63  }
0x5f: {  	_ =	swait.ge [sflag:s3], $0x800  }
0x60: {  	[sflag:s3] =	ssyncset.done $0x0  }
0x61: {  	s20 =	simm.s32 $0x5;
	[sflag:s3] =	ssyncadd.s32 $0xFFFFF800  }
0x62: {  	_ =	swait.ge [sflag:s20], $0x800  }
0x63: {  	[sflag:s20] =	ssyncset.done $0x0  }
0x64: {  	[sflag:s20] =	ssyncadd.s32 $0xFFFFF800  }
0x65: {  	_ =	swait.ge [sflag:s19], $0x800  }
0x66: {  	[sflag:s19] =	ssyncset.done $0x0  }
0x67: {  	[sflag:s19] =	ssyncadd.s32 $0xFFFFF800  }
0x68: {  	[bflag:$0x0] =	sbarrier.arrive $0xFFFF  }
0x69: {  	s22 =	rddreg [dreg:$0x4]  }
0x6a: {  	[tilespmem:s1], [sflag:$0xD] =	stream.linear.gather [hbm4b:s22+s31], $0x10, $0x38;
	[tilespmem:$0xB870] =	vst v63  }
0x6b: {  	_ =	swait.ge [sflag:s0], $0x10  }
0x6c: {  	[sflag:s0] =	ssyncset.done $0x0  }
0x6d: {  	[sflag:s0] =	ssyncadd.s32 $0xFFFFFFF0  }
0x6e: {  	[tilespmem:s21], [sflag:$0x4] =	stream.indirect.gather [spmem:s26], $0x80, s1, s2, $0xb8;
	[tilespmem:$0xB870] =	vst v63  }
0x6f: {  	_ =	swait.ge [sflag:s3], $0x800  }
0x70: {  	[sflag:s3] =	ssyncset.done $0x0  }
0x71: {  	s22 =	rddreg [dreg:$0x17];
	[sflag:s3] =	ssyncadd.s32 $0xFFFFF800  }
0x72: {  	[hbm4b:s22+s31] =	stream.linear.scatter [tilespmem:s21], [sflag:$0xD], $0x800, $0x38;
	[tilespmem:$0xB870] =	vst v63  }
0x73: {  	_ =	swait.ge [sflag:s0], $0x800  }
0x74: {  	[sflag:s0] =	ssyncset.done $0x0  }
0x75: {  	s22 =	rddreg [dreg:$0x5];
	[sflag:s0] =	ssyncadd.s32 $0xFFFFF800  }
0x76: {  	[tilespmem:s1], [sflag:$0xD] =	stream.linear.gather [hbm4b:s22+s31], $0x10, $0x38;
	[tilespmem:$0xB870] =	vst v63  }
0x77: {  	_ =	swait.ge [sflag:s0], $0x10  }
0x78: {  	[sflag:s0] =	ssyncset.done $0x0  }
0x79: {  	[sflag:s0] =	ssyncadd.s32 $0xFFFFFFF0  }
0x7a: {  	[tilespmem:s21], [sflag:$0x4] =	stream.indirect.gather [spmem:s26], $0x80, s1, s2, $0xb8;
	[tilespmem:$0xB870] =	vst v63  }
0x7b: {  	_ =	swait.ge [sflag:s3], $0x800  }
0x7c: {  	[sflag:s3] =	ssyncset.done $0x0  }
0x7d: {  	s20 =	rddreg [dreg:$0x18];
	[sflag:s3] =	ssyncadd.s32 $0xFFFFF800  }
0x7e: {  	[hbm4b:s20+s31] =	stream.linear.scatter [tilespmem:s21], [sflag:$0xD], $0x800, $0x38;
	[tilespmem:$0xB870] =	vst v63  }
0x7f: {  	_ =	swait.ge [sflag:s0], $0x800  }
0x80: {  	[sflag:s0] =	ssyncset.done $0x0  }
0x81: {  	[sflag:s0] =	ssyncadd.s32 $0xFFFFF800  }
0x82: {  	[tilespmem:s1], [sflag:$0xD] =	stream.linear.gather [hbm4b:s25+s31], $0x10, $0x38;
	[tilespmem:$0xB870] =	vst v63  }
0x83: {  	_ =	swait.ge [sflag:s0], $0x10  }
0x84: {  	[sflag:s0] =	ssyncset.done $0x0  }
0x85: {  	[sflag:s0] =	ssyncadd.s32 $0xFFFFFFF0  }
0x86: {  	[tilespmem:s21], [sflag:$0x4] =	stream.indirect.gather [spmem:s26], $0x80, s1, s2, $0xb8;
	[tilespmem:$0xB870] =	vst v63  }
0x87: {  	_ =	swait.ge [sflag:s3], $0x800  }
0x88: {  	[sflag:s3] =	ssyncset.done $0x0  }
0x89: {  	s20 =	rddreg [dreg:$0x19];
	[sflag:s3] =	ssyncadd.s32 $0xFFFFF800  }
0x8a: {  	[hbm4b:s20+s31] =	stream.linear.scatter [tilespmem:s21], [sflag:$0xD], $0x800, $0x38;
	[tilespmem:$0xB870] =	vst v63  }
0x8b: {  	_ =	swait.ge [sflag:s0], $0x800  }
0x8c: {  	[sflag:s0] =	ssyncset.done $0x0  }
0x8d: {  	s23 =	smov.u32 s25;
	s25 =	rddreg [dreg:$0x6];
	[sflag:s0] =	ssyncadd.s32 $0xFFFFF800  }
0x8e: {  	[tilespmem:s1], [sflag:$0xD] =	stream.linear.gather [hbm4b:s25+s31], $0x10, $0x38;
	[tilespmem:$0xB870] =	vst v63  }
0x8f: {  	_ =	swait.ge [sflag:s0], $0x10  }
0x90: {  	[sflag:s0] =	ssyncset.done $0x0  }
0x91: {  	[sflag:s0] =	ssyncadd.s32 $0xFFFFFFF0  }
0x92: {  	[tilespmem:s21], [sflag:$0x4] =	stream.indirect.gather [spmem:s26], $0x80, s1, s2, $0xb8;
	[tilespmem:$0xB870] =	vst v63  }
0x93: {  	_ =	swait.ge [sflag:s3], $0x800  }
0x94: {  	[sflag:s3] =	ssyncset.done $0x0  }
0x95: {  	s20 =	rddreg [dreg:$0x1a];
	[sflag:s3] =	ssyncadd.s32 $0xFFFFF800  }
0x96: {  	[hbm4b:s20+s31] =	stream.linear.scatter [tilespmem:s21], [sflag:$0xD], $0x800, $0x38;
	[tilespmem:$0xB870] =	vst v63  }
0x97: {  	_ =	swait.ge [sflag:s0], $0x800  }
0x98: {  	[sflag:s0] =	ssyncset.done $0x0  }
0x99: {  	s25 =	rddreg [dreg:$0x7];
	[sflag:s0] =	ssyncadd.s32 $0xFFFFF800  }
0x9a: {  	[tilespmem:s1], [sflag:$0xD] =	stream.linear.gather [hbm4b:s25+s31], $0x10, $0x38;
	[tilespmem:$0xB870] =	vst v63  }
0x9b: {  	_ =	swait.ge [sflag:s0], $0x10  }
0x9c: {  	[sflag:s0] =	ssyncset.done $0x0  }
0x9d: {  	[sflag:s0] =	ssyncadd.s32 $0xFFFFFFF0  }
0x9e: {  	[tilespmem:s21], [sflag:$0x4] =	stream.indirect.gather [spmem:s26], $0x80, s1, s2, $0xb8;
	[tilespmem:$0xB870] =	vst v63  }
0x9f: {  	_ =	swait.ge [sflag:s3], $0x800  }
0xa0: {  	[sflag:s3] =	ssyncset.done $0x0  }
0xa1: {  	s20 =	rddreg [dreg:$0x1b];
	[sflag:s3] =	ssyncadd.s32 $0xFFFFF800  }
0xa2: {  	[hbm4b:s20+s31] =	stream.linear.scatter [tilespmem:s21], [sflag:$0xD], $0x800, $0x38;
	[tilespmem:$0xB870] =	vst v63  }
0xa3: {  	_ =	swait.ge [sflag:s0], $0x800  }
0xa4: {  	[sflag:s0] =	ssyncset.done $0x0  }
0xa5: {  	s25 =	rddreg [dreg:$0x8];
	[sflag:s0] =	ssyncadd.s32 $0xFFFFF800  }
0xa6: {  	[tilespmem:s1], [sflag:$0xD] =	stream.linear.gather [hbm4b:s25+s31], $0x10, $0x38;
	[tilespmem:$0xB870] =	vst v63  }
0xa7: {  	_ =	swait.ge [sflag:s0], $0x10  }
0xa8: {  	[sflag:s0] =	ssyncset.done $0x0  }
0xa9: {  	[sflag:s0] =	ssyncadd.s32 $0xFFFFFFF0  }
0xaa: {  	[tilespmem:s21], [sflag:$0x4] =	stream.indirect.gather [spmem:s26], $0x80, s1, s2, $0xb8;
	[tilespmem:$0xB870] =	vst v63  }
0xab: {  	_ =	swait.ge [sflag:s3], $0x800  }
0xac: {  	[sflag:s3] =	ssyncset.done $0x0  }
0xad: {  	s20 =	rddreg [dreg:$0x1c];
	[sflag:s3] =	ssyncadd.s32 $0xFFFFF800  }
0xae: {  	[hbm4b:s20+s31] =	stream.linear.scatter [tilespmem:s21], [sflag:$0xD], $0x800, $0x38;
	[tilespmem:$0xB870] =	vst v63  }
0xaf: {  	_ =	swait.ge [sflag:s0], $0x800  }
0xb0: {  	[sflag:s0] =	ssyncset.done $0x0  }
0xb1: {  	s25 =	rddreg [dreg:$0x9];
	[sflag:s0] =	ssyncadd.s32 $0xFFFFF800  }
0xb2: {  	[tilespmem:s1], [sflag:$0xD] =	stream.linear.gather [hbm4b:s25+s31], $0x10, $0x38;
	[tilespmem:$0xB870] =	vst v63  }
0xb3: {  	_ =	swait.ge [sflag:s0], $0x10  }
0xb4: {  	[sflag:s0] =	ssyncset.done $0x0  }
0xb5: {  	[sflag:s0] =	ssyncadd.s32 $0xFFFFFFF0  }
0xb6: {  	[tilespmem:s21], [sflag:$0x4] =	stream.indirect.gather [spmem:s26], $0x80, s1, s2, $0xb8;
	[tilespmem:$0xB870] =	vst v63  }
0xb7: {  	_ =	swait.ge [sflag:s3], $0x800  }
0xb8: {  	[sflag:s3] =	ssyncset.done $0x0  }
0xb9: {  	s20 =	rddreg [dreg:$0x1d];
	[sflag:s3] =	ssyncadd.s32 $0xFFFFF800  }
0xba: {  	[hbm4b:s20+s31] =	stream.linear.scatter [tilespmem:s21], [sflag:$0xD], $0x800, $0x38;
	[tilespmem:$0xB870] =	vst v63  }
0xbb: {  	_ =	swait.ge [sflag:s0], $0x800  }
0xbc: {  	[sflag:s0] =	ssyncset.done $0x0  }
0xbd: {  	s25 =	rddreg [dreg:$0xa];
	[sflag:s0] =	ssyncadd.s32 $0xFFFFF800  }
0xbe: {  	[tilespmem:s1], [sflag:$0xD] =	stream.linear.gather [hbm4b:s25+s31], $0x10, $0x38;
	[tilespmem:$0xB870] =	vst v63  }
0xbf: {  	_ =	swait.ge [sflag:s0], $0x10  }
0xc0: {  	[sflag:s0] =	ssyncset.done $0x0  }
0xc1: {  	[sflag:s0] =	ssyncadd.s32 $0xFFFFFFF0  }
0xc2: {  	[tilespmem:s21], [sflag:$0x4] =	stream.indirect.gather [spmem:s26], $0x80, s1, s2, $0xb8;
	[tilespmem:$0xB870] =	vst v63  }
0xc3: {  	_ =	swait.ge [sflag:s3], $0x800  }
0xc4: {  	[sflag:s3] =	ssyncset.done $0x0  }
0xc5: {  	s20 =	rddreg [dreg:$0x1e];
	[sflag:s3] =	ssyncadd.s32 $0xFFFFF800  }
0xc6: {  	[hbm4b:s20+s31] =	stream.linear.scatter [tilespmem:s21], [sflag:$0xD], $0x800, $0x38;
	[tilespmem:$0xB870] =	vst v63  }
0xc7: {  	_ =	swait.ge [sflag:s0], $0x800  }
0xc8: {  	[sflag:s0] =	ssyncset.done $0x0  }
0xc9: {  	s25 =	rddreg [dreg:$0xb];
	[sflag:s0] =	ssyncadd.s32 $0xFFFFF800  }
0xca: {  	[tilespmem:s1], [sflag:$0xD] =	stream.linear.gather [hbm4b:s25+s31], $0x10, $0x38;
	[tilespmem:$0xB870] =	vst v63  }
0xcb: {  	_ =	swait.ge [sflag:s0], $0x10  }
0xcc: {  	[sflag:s0] =	ssyncset.done $0x0  }
0xcd: {  	[sflag:s0] =	ssyncadd.s32 $0xFFFFFFF0  }
0xce: {  	[tilespmem:s21], [sflag:$0x4] =	stream.indirect.gather [spmem:s26], $0x80, s1, s2, $0xb8;
	[tilespmem:$0xB870] =	vst v63  }
0xcf: {  	_ =	swait.ge [sflag:s3], $0x800  }
0xd0: {  	[sflag:s3] =	ssyncset.done $0x0  }
0xd1: {  	s20 =	rddreg [dreg:$0x1f];
	[sflag:s3] =	ssyncadd.s32 $0xFFFFF800  }
0xd2: {  	[hbm4b:s20+s31] =	stream.linear.scatter [tilespmem:s21], [sflag:$0xD], $0x800, $0x38;
	[tilespmem:$0xB870] =	vst v63  }
0xd3: {  	_ =	swait.ge [sflag:s0], $0x800  }
0xd4: {  	[sflag:s0] =	ssyncset.done $0x0  }
0xd5: {  	s25 =	rddreg [dreg:$0xc];
	[sflag:s0] =	ssyncadd.s32 $0xFFFFF800  }
0xd6: {  	[tilespmem:s1], [sflag:$0xD] =	stream.linear.gather [hbm4b:s25+s31], $0x10, $0x38;
	[tilespmem:$0xB870] =	vst v63  }
0xd7: {  	_ =	swait.ge [sflag:s0], $0x10  }
0xd8: {  	[sflag:s0] =	ssyncset.done $0x0  }
0xd9: {  	[sflag:s0] =	ssyncadd.s32 $0xFFFFFFF0  }
0xda: {  	[tilespmem:s21], [sflag:$0x4] =	stream.indirect.gather [spmem:s26], $0x80, s1, s2, $0xb8;
	[tilespmem:$0xB870] =	vst v63  }
0xdb: {  	_ =	swait.ge [sflag:s3], $0x800  }
0xdc: {  	s20 =	sld [smem:$0x7E9]  }
0xdd: {  	[sflag:s3] =	ssyncset.done $0x0  }
0xde: {  	[sflag:s3] =	ssyncadd.s32 $0xFFFFF800  }
0xdf: {  	[hbm4b:s20+s31] =	stream.linear.scatter [tilespmem:s21], [sflag:$0xD], $0x800, $0x38;
	[tilespmem:$0xB870] =	vst v63  }
0xe0: {  	_ =	swait.ge [sflag:s0], $0x800  }
0xe1: {  	[sflag:s0] =	ssyncset.done $0x0  }
0xe2: {  	s25 =	rddreg [dreg:$0xd];
	[sflag:s0] =	ssyncadd.s32 $0xFFFFF800  }
0xe3: {  	[tilespmem:s1], [sflag:$0xD] =	stream.linear.gather [hbm4b:s25+s31], $0x10, $0x38;
	[tilespmem:$0xB870] =	vst v63  }
0xe4: {  	_ =	swait.ge [sflag:s0], $0x10  }
0xe5: {  	[sflag:s0] =	ssyncset.done $0x0  }
0xe6: {  	[sflag:s0] =	ssyncadd.s32 $0xFFFFFFF0  }
0xe7: {  	[tilespmem:s21], [sflag:$0x4] =	stream.indirect.gather [spmem:s26], $0x80, s1, s2, $0xb8;
	[tilespmem:$0xB870] =	vst v63  }
0xe8: {  	_ =	swait.ge [sflag:s3], $0x800  }
0xe9: {  	s20 =	sld [smem:$0x7EA]  }
0xea: {  	[sflag:s3] =	ssyncset.done $0x0  }
0xeb: {  	[sflag:s3] =	ssyncadd.s32 $0xFFFFF800  }
0xec: {  	[hbm4b:s20+s31] =	stream.linear.scatter [tilespmem:s21], [sflag:$0xD], $0x800, $0x38;
	[tilespmem:$0xB870] =	vst v63  }
0xed: {  	_ =	swait.ge [sflag:s0], $0x800  }
0xee: {  	[sflag:s0] =	ssyncset.done $0x0  }
0xef: {  	s25 =	rddreg [dreg:$0xe];
	[sflag:s0] =	ssyncadd.s32 $0xFFFFF800  }
0xf0: {  	[tilespmem:s1], [sflag:$0xD] =	stream.linear.gather [hbm4b:s25+s31], $0x10, $0x38;
	[tilespmem:$0xB870] =	vst v63  }
0xf1: {  	_ =	swait.ge [sflag:s0], $0x10  }
0xf2: {  	[sflag:s0] =	ssyncset.done $0x0  }
0xf3: {  	[sflag:s0] =	ssyncadd.s32 $0xFFFFFFF0  }
0xf4: {  	[tilespmem:s21], [sflag:$0x4] =	stream.indirect.gather [spmem:s26], $0x80, s1, s2, $0xb8;
	[tilespmem:$0xB870] =	vst v63  }
0xf5: {  	_ =	swait.ge [sflag:s3], $0x800  }
0xf6: {  	s20 =	sld [smem:$0x7EB]  }
0xf7: {  	[sflag:s3] =	ssyncset.done $0x0  }
0xf8: {  	[sflag:s3] =	ssyncadd.s32 $0xFFFFF800  }
0xf9: {  	[hbm4b:s20+s31] =	stream.linear.scatter [tilespmem:s21], [sflag:$0xD], $0x800, $0x38;
	[tilespmem:$0xB870] =	vst v63  }
0xfa: {  	_ =	swait.ge [sflag:s0], $0x800  }
0xfb: {  	[sflag:s0] =	ssyncset.done $0x0  }
0xfc: {  	s25 =	rddreg [dreg:$0xf];
	[sflag:s0] =	ssyncadd.s32 $0xFFFFF800  }
0xfd: {  	[tilespmem:s1], [sflag:$0xD] =	stream.linear.gather [hbm4b:s25+s31], $0x10, $0x38;
	[tilespmem:$0xB870] =	vst v63  }
0xfe: {  	_ =	swait.ge [sflag:s0], $0x10  }
0xff: {  	[sflag:s0] =	ssyncset.done $0x0  }
0x100: {  	[sflag:s0] =	ssyncadd.s32 $0xFFFFFFF0  }
0x101: {  	[tilespmem:s21], [sflag:$0x4] =	stream.indirect.gather [spmem:s26], $0x80, s1, s2, $0xb8;
	[tilespmem:$0xB870] =	vst v63  }
0x102: {  	_ =	swait.ge [sflag:s3], $0x800  }
0x103: {  	s20 =	sld [smem:$0x7EC]  }
0x104: {  	[sflag:s3] =	ssyncset.done $0x0  }
0x105: {  	[sflag:s3] =	ssyncadd.s32 $0xFFFFF800  }
0x106: {  	[hbm4b:s20+s31] =	stream.linear.scatter [tilespmem:s21], [sflag:$0xD], $0x800, $0x38;
	[tilespmem:$0xB870] =	vst v63  }
0x107: {  	_ =	swait.ge [sflag:s0], $0x800  }
0x108: {  	[sflag:s0] =	ssyncset.done $0x0  }
0x109: {  	s25 =	rddreg [dreg:$0x10];
	[sflag:s0] =	ssyncadd.s32 $0xFFFFF800  }
0x10a: {  	[tilespmem:s1], [sflag:$0xD] =	stream.linear.gather [hbm4b:s25+s31], $0x10, $0x38;
	[tilespmem:$0xB870] =	vst v63  }
0x10b: {  	_ =	swait.ge [sflag:s0], $0x10  }
0x10c: {  	[sflag:s0] =	ssyncset.done $0x0  }
0x10d: {  	[sflag:s0] =	ssyncadd.s32 $0xFFFFFFF0  }
0x10e: {  	[tilespmem:s21], [sflag:$0x4] =	stream.indirect.gather [spmem:s26], $0x80, s1, s2, $0xb8;
	[tilespmem:$0xB870] =	vst v63  }
0x10f: {  	_ =	swait.ge [sflag:s3], $0x800  }
0x110: {  	s20 =	sld [smem:$0x7ED]  }
0x111: {  	[sflag:s3] =	ssyncset.done $0x0  }
0x112: {  	[sflag:s3] =	ssyncadd.s32 $0xFFFFF800  }
0x113: {  	[hbm4b:s20+s31] =	stream.linear.scatter [tilespmem:s21], [sflag:$0xD], $0x800, $0x38;
	[tilespmem:$0xB870] =	vst v63  }
0x114: {  	_ =	swait.ge [sflag:s0], $0x800  }
0x115: {  	[sflag:s0] =	ssyncset.done $0x0  }
0x116: {  	s25 =	rddreg [dreg:$0x11];
	[sflag:s0] =	ssyncadd.s32 $0xFFFFF800  }
0x117: {  	[tilespmem:s1], [sflag:$0xD] =	stream.linear.gather [hbm4b:s25+s31], $0x10, $0x38;
	[tilespmem:$0xB870] =	vst v63  }
0x118: {  	_ =	swait.ge [sflag:s0], $0x10  }
0x119: {  	[sflag:s0] =	ssyncset.done $0x0  }
0x11a: {  	[sflag:s0] =	ssyncadd.s32 $0xFFFFFFF0  }
0x11b: {  	[tilespmem:s21], [sflag:$0x4] =	stream.indirect.gather [spmem:s26], $0x80, s1, s2, $0xb8;
	[tilespmem:$0xB870] =	vst v63  }
0x11c: {  	_ =	swait.ge [sflag:s3], $0x800  }
0x11d: {  	s20 =	sld [smem:$0x7EE]  }
0x11e: {  	[sflag:s3] =	ssyncset.done $0x0  }
0x11f: {  	[sflag:s3] =	ssyncadd.s32 $0xFFFFF800  }
0x120: {  	[hbm4b:s20+s31] =	stream.linear.scatter [tilespmem:s21], [sflag:$0xD], $0x800, $0x38;
	[tilespmem:$0xB870] =	vst v63  }
0x121: {  	_ =	swait.ge [sflag:s0], $0x800  }
0x122: {  	[sflag:s0] =	ssyncset.done $0x0  }
0x123: {  	s25 =	rddreg [dreg:$0x12];
	[sflag:s0] =	ssyncadd.s32 $0xFFFFF800  }
0x124: {  	[tilespmem:s1], [sflag:$0xD] =	stream.linear.gather [hbm4b:s25+s31], $0x10, $0x38;
	[tilespmem:$0xB870] =	vst v63  }
0x125: {  	_ =	swait.ge [sflag:s0], $0x10  }
0x126: {  	[sflag:s0] =	ssyncset.done $0x0  }
0x127: {  	[sflag:s0] =	ssyncadd.s32 $0xFFFFFFF0  }
0x128: {  	[tilespmem:s21], [sflag:$0x4] =	stream.indirect.gather [spmem:s26], $0x80, s1, s2, $0xb8;
	[tilespmem:$0xB870] =	vst v63  }
0x129: {  	_ =	swait.ge [sflag:s3], $0x800  }
0x12a: {  	s20 =	sld [smem:$0x7EF]  }
0x12b: {  	[sflag:s3] =	ssyncset.done $0x0  }
0x12c: {  	[sflag:s3] =	ssyncadd.s32 $0xFFFFF800  }
0x12d: {  	[hbm4b:s20+s31] =	stream.linear.scatter [tilespmem:s21], [sflag:$0xD], $0x800, $0x38;
	[tilespmem:$0xB870] =	vst v63  }
0x12e: {  	_ =	swait.ge [sflag:s0], $0x800  }
0x12f: {  	[sflag:s0] =	ssyncset.done $0x0  }
0x130: {  	s25 =	rddreg [dreg:$0x13];
	[sflag:s0] =	ssyncadd.s32 $0xFFFFF800  }
0x131: {  	[tilespmem:s1], [sflag:$0xD] =	stream.linear.gather [hbm4b:s25+s31], $0x10, $0x38;
	[tilespmem:$0xB870] =	vst v63  }
0x132: {  	_ =	swait.ge [sflag:s0], $0x10  }
0x133: {  	[sflag:s0] =	ssyncset.done $0x0  }
0x134: {  	[sflag:s0] =	ssyncadd.s32 $0xFFFFFFF0  }
0x135: {  	[tilespmem:s21], [sflag:$0x4] =	stream.indirect.gather [spmem:s26], $0x80, s1, s2, $0xb8;
	[tilespmem:$0xB870] =	vst v63  }
0x136: {  	_ =	swait.ge [sflag:s3], $0x800  }
0x137: {  	s20 =	sld [smem:$0x7F0]  }
0x138: {  	[sflag:s3] =	ssyncset.done $0x0  }
0x139: {  	[sflag:s3] =	ssyncadd.s32 $0xFFFFF800  }
0x13a: {  	[hbm4b:s20+s31] =	stream.linear.scatter [tilespmem:s21], [sflag:$0xD], $0x800, $0x38;
	[tilespmem:$0xB870] =	vst v63  }
0x13b: {  	_ =	swait.ge [sflag:s0], $0x800  }
0x13c: {  	[sflag:s0] =	ssyncset.done $0x0  }
0x13d: {  	s22 =	rddreg [dreg:$0x14];
	[sflag:s0] =	ssyncadd.s32 $0xFFFFF800  }
0x13e: {  	[tilespmem:s1], [sflag:$0xD] =	stream.linear.gather [hbm4b:s22+s31], $0x10, $0x38;
	[tilespmem:$0xB870] =	vst v63  }
0x13f: {  	_ =	swait.ge [sflag:s0], $0x10  }
0x140: {  	[sflag:s0] =	ssyncset.done $0x0  }
0x141: {  	[sflag:s0] =	ssyncadd.s32 $0xFFFFFFF0  }
0x142: {  	[tilespmem:s21], [sflag:$0x4] =	stream.indirect.gather [spmem:s26], $0x80, s1, s2, $0xb8;
	[tilespmem:$0xB870] =	vst v63  }
0x143: {  	_ =	swait.ge [sflag:s3], $0x800  }
0x144: {  	s25 =	sld [smem:$0x7F1]  }
0x145: {  	[sflag:s3] =	ssyncset.done $0x0  }
0x146: {  	[sflag:s3] =	ssyncadd.s32 $0xFFFFF800  }
0x147: {  	[hbm4b:s25+s31] =	stream.linear.scatter [tilespmem:s21], [sflag:$0xD], $0x800, $0x38;
	[tilespmem:$0xB870] =	vst v63  }
0x148: {  	_ =	swait.ge [sflag:s0], $0x800  }
0x149: {  	[sflag:s0] =	ssyncset.done $0x0  }
0x14a: {  	s25 =	rddreg [dreg:$0x15];
	[sflag:s0] =	ssyncadd.s32 $0xFFFFF800  }
0x14b: {  	[tilespmem:s1], [sflag:$0xD] =	stream.linear.gather [hbm4b:s25+s31], $0x10, $0x38;
	[tilespmem:$0xB870] =	vst v63  }
0x14c: {  	_ =	swait.ge [sflag:s0], $0x10  }
0x14d: {  	[sflag:s0] =	ssyncset.done $0x0  }
0x14e: {  	[sflag:s0] =	ssyncadd.s32 $0xFFFFFFF0  }
0x14f: {  	[tilespmem:s21], [sflag:$0x4] =	stream.indirect.gather [spmem:s26], $0x80, s1, s2, $0xb8;
	[tilespmem:$0xB870] =	vst v63  }
0x150: {  	_ =	swait.ge [sflag:s3], $0x800  }
0x151: {  	s20 =	sld [smem:$0x7F2]  }
0x152: {  	[sflag:s3] =	ssyncset.done $0x0  }
0x153: {  	[sflag:s3] =	ssyncadd.s32 $0xFFFFF800  }
0x154: {  	[hbm4b:s20+s31] =	stream.linear.scatter [tilespmem:s21], [sflag:$0xD], $0x800, $0x38;
	[tilespmem:$0xB870] =	vst v63  }
0x155: {  	_ =	swait.ge [sflag:s0], $0x800  }
0x156: {  	[sflag:s0] =	ssyncset.done $0x0  }
0x157: {  	s22 =	rddreg [dreg:$0x16];
	[sflag:s0] =	ssyncadd.s32 $0xFFFFF800  }
0x158: {  	[tilespmem:s1], [sflag:$0xD] =	stream.linear.gather [hbm4b:s22+s31], $0x10, $0x38;
	[tilespmem:$0xB870] =	vst v63  }
0x159: {  	_ =	swait.ge [sflag:s0], $0x10  }
0x15a: {  	[sflag:s0] =	ssyncset.done $0x0  }
0x15b: {  	[sflag:s0] =	ssyncadd.s32 $0xFFFFFFF0  }
0x15c: {  	[tilespmem:s21], [sflag:$0x4] =	stream.indirect.gather [spmem:s26], $0x80, s1, s2, $0xb8;
	[tilespmem:$0xB870] =	vst v63  }
0x15d: {  	_ =	swait.ge [sflag:s3], $0x800  }
0x15e: {  	s22 =	sld [smem:$0x7F3]  }
0x15f: {  	[sflag:s3] =	ssyncset.done $0x0  }
0x160: {  	[sflag:s3] =	ssyncadd.s32 $0xFFFFF800  }
0x161: {  	[hbm4b:s22+s31] =	stream.linear.scatter [tilespmem:s21], [sflag:$0xD], $0x800, $0x38;
	[tilespmem:$0xB870] =	vst v63  }
0x162: {  	_ =	swait.ge [sflag:s0], $0x800  }
0x163: {  	s20 =	sld [smem:$0x7FD];
	_ =	sdelay $0x2  }
0x164: {  	s22 =	sadd.s32 $0x1, s20;
	s20 =	sld [smem:$0x7F9];
	_ =	sdelay $0x2  }
0x165: {  	p0 =	sne.s32 s22, s20  }
.Ltmp1:
0x166: {  	_ = 	snop;
	(pc) =	sbr.rel @!p0 .LBB2_5-.Ltmp1, $3  }
0x167: {  	_ =	sdelay $0x1  }
0x168: {  	[sflag:s0] =	ssyncset.done $0x0;
	[smem:$0x7FD] =	sst s22  }
0x169: {  	[sflag:s0] =	ssyncadd.s32 $0xFFFFF800;
	s22 =	rddreg [dreg:$0x6]  }
.LBB2_1:
0x16a: {  	s20 =	sld [smem:$0x7F8];
	_ =	sdelay $0x2  }
0x16b: {  	[tilespmem:s21], [sflag:$0xD] =	stream.linear.gather [hbm4b:s20+s31], $0x800, $0x38;
	[tilespmem:$0xB870] =	vst v63  }
0x16c: {  	_ =	swait.ge [sflag:s0], $0x800  }
0x16d: {  	[sflag:s0] =	ssyncset.done $0x0  }
0x16e: {  	s20 =	rddreg [dreg:$0x4];
	[sflag:s0] =	ssyncadd.s32 $0xFFFFF800  }
0x16f: {  	[tilespmem:s1], [sflag:$0xD] =	stream.linear.gather [hbm4b:s20+s31], $0x10, $0x38;
	[tilespmem:$0xB870] =	vst v63  }
0x170: {  	_ =	swait.ge [sflag:s0], $0x10  }
0x171: {  	[sflag:s0] =	ssyncset.done $0x0  }
0x172: {  	[sflag:s0] =	ssyncadd.s32 $0xFFFFFFF0  }
0x173: {  	[spmem:s26] =	stream.indirect.scatter [tilespmem:s21], [sflag:$0x4], $0x80, s1, s2, $0xb8;
	[tilespmem:$0xB870] =	vst v63  }
0x174: {  	_ =	swait.ge [sflag:s3], $0x800  }
0x175: {  	[sflag:s3] =	ssyncset.done $0x0  }
0x176: {  	s20 =	rddreg [dreg:$0x5];
	[sflag:s3] =	ssyncadd.s32 $0xFFFFF800  }
0x177: {  	[tilespmem:s1], [sflag:$0xD] =	stream.linear.gather [hbm4b:s20+s31], $0x10, $0x38;
	[tilespmem:$0xB870] =	vst v63  }
0x178: {  	_ =	swait.ge [sflag:s0], $0x10  }
0x179: {  	[sflag:s0] =	ssyncset.done $0x0  }
0x17a: {  	[sflag:s0] =	ssyncadd.s32 $0xFFFFFFF0  }
0x17b: {  	[spmem:s26] =	stream.indirect.scatter [tilespmem:s21], [sflag:$0x4], $0x80, s1, s2, $0xb8;
	[tilespmem:$0xB870] =	vst v63  }
0x17c: {  	_ =	swait.ge [sflag:s3], $0x800  }
0x17d: {  	[sflag:s3] =	ssyncset.done $0x0  }
0x17e: {  	[sflag:s3] =	ssyncadd.s32 $0xFFFFF800  }
0x17f: {  	[tilespmem:s1], [sflag:$0xD] =	stream.linear.gather [hbm4b:s23+s31], $0x10, $0x38;
	[tilespmem:$0xB870] =	vst v63  }
0x180: {  	_ =	swait.ge [sflag:s0], $0x10  }
0x181: {  	[sflag:s0] =	ssyncset.done $0x0  }
0x182: {  	[sflag:s0] =	ssyncadd.s32 $0xFFFFFFF0  }
0x183: {  	[spmem:s26] =	stream.indirect.scatter [tilespmem:s21], [sflag:$0x4], $0x80, s1, s2, $0xb8;
	[tilespmem:$0xB870] =	vst v63  }
0x184: {  	_ =	swait.ge [sflag:s3], $0x800  }
0x185: {  	[sflag:s3] =	ssyncset.done $0x0  }
0x186: {  	[sflag:s3] =	ssyncadd.s32 $0xFFFFF800  }
0x187: {  	[tilespmem:s1], [sflag:$0xD] =	stream.linear.gather [hbm4b:s22+s31], $0x10, $0x38;
	[tilespmem:$0xB870] =	vst v63  }
0x188: {  	_ =	swait.ge [sflag:s0], $0x10  }
0x189: {  	[sflag:s0] =	ssyncset.done $0x0  }
0x18a: {  	[sflag:s0] =	ssyncadd.s32 $0xFFFFFFF0  }
0x18b: {  	[spmem:s26] =	stream.indirect.scatter [tilespmem:s21], [sflag:$0x4], $0x80, s1, s2, $0xb8;
	[tilespmem:$0xB870] =	vst v63  }
0x18c: {  	_ =	swait.ge [sflag:s3], $0x800  }
0x18d: {  	s20 =	smov.u32 s25;
	[sflag:s3] =	ssyncset.done $0x0  }
0x18e: {  	s25 =	smov.u32 s23;
	s23 =	rddreg [dreg:$0x7];
	[sflag:s3] =	ssyncadd.s32 $0xFFFFF800  }
0x18f: {  	[tilespmem:s1], [sflag:$0xD] =	stream.linear.gather [hbm4b:s23+s31], $0x10, $0x38;
	[tilespmem:$0xB870] =	vst v63  }
0x190: {  	_ =	swait.ge [sflag:s0], $0x10  }
0x191: {  	[sflag:s0] =	ssyncset.done $0x0  }
0x192: {  	[sflag:s0] =	ssyncadd.s32 $0xFFFFFFF0  }
0x193: {  	[spmem:s26] =	stream.indirect.scatter [tilespmem:s21], [sflag:$0x4], $0x80, s1, s2, $0xb8;
	[tilespmem:$0xB870] =	vst v63  }
0x194: {  	_ =	swait.ge [sflag:s3], $0x800  }
0x195: {  	[sflag:s3] =	ssyncset.done $0x0  }
0x196: {  	s23 =	rddreg [dreg:$0x8];
	[sflag:s3] =	ssyncadd.s32 $0xFFFFF800  }
0x197: {  	[tilespmem:s1], [sflag:$0xD] =	stream.linear.gather [hbm4b:s23+s31], $0x10, $0x38;
	[tilespmem:$0xB870] =	vst v63  }
0x198: {  	_ =	swait.ge [sflag:s0], $0x10  }
0x199: {  	[sflag:s0] =	ssyncset.done $0x0  }
0x19a: {  	[sflag:s0] =	ssyncadd.s32 $0xFFFFFFF0  }
0x19b: {  	[spmem:s26] =	stream.indirect.scatter [tilespmem:s21], [sflag:$0x4], $0x80, s1, s2, $0xb8;
	[tilespmem:$0xB870] =	vst v63  }
0x19c: {  	_ =	swait.ge [sflag:s3], $0x800  }
0x19d: {  	[sflag:s3] =	ssyncset.done $0x0  }
0x19e: {  	s23 =	rddreg [dreg:$0x9];
	[sflag:s3] =	ssyncadd.s32 $0xFFFFF800  }
0x19f: {  	[tilespmem:s1], [sflag:$0xD] =	stream.linear.gather [hbm4b:s23+s31], $0x10, $0x38;
	[tilespmem:$0xB870] =	vst v63  }
0x1a0: {  	_ =	swait.ge [sflag:s0], $0x10  }
0x1a1: {  	[sflag:s0] =	ssyncset.done $0x0  }
0x1a2: {  	[sflag:s0] =	ssyncadd.s32 $0xFFFFFFF0  }
0x1a3: {  	[spmem:s26] =	stream.indirect.scatter [tilespmem:s21], [sflag:$0x4], $0x80, s1, s2, $0xb8;
	[tilespmem:$0xB870] =	vst v63  }
0x1a4: {  	_ =	swait.ge [sflag:s3], $0x800  }
0x1a5: {  	[sflag:s3] =	ssyncset.done $0x0  }
0x1a6: {  	s23 =	rddreg [dreg:$0xa];
	[sflag:s3] =	ssyncadd.s32 $0xFFFFF800  }
0x1a7: {  	[tilespmem:s1], [sflag:$0xD] =	stream.linear.gather [hbm4b:s23+s31], $0x10, $0x38;
	[tilespmem:$0xB870] =	vst v63  }
0x1a8: {  	_ =	swait.ge [sflag:s0], $0x10  }
0x1a9: {  	[sflag:s0] =	ssyncset.done $0x0  }
0x1aa: {  	[sflag:s0] =	ssyncadd.s32 $0xFFFFFFF0  }
0x1ab: {  	[spmem:s26] =	stream.indirect.scatter [tilespmem:s21], [sflag:$0x4], $0x80, s1, s2, $0xb8;
	[tilespmem:$0xB870] =	vst v63  }
0x1ac: {  	_ =	swait.ge [sflag:s3], $0x800  }
0x1ad: {  	[sflag:s3] =	ssyncset.done $0x0  }
0x1ae: {  	s23 =	rddreg [dreg:$0xb];
	[sflag:s3] =	ssyncadd.s32 $0xFFFFF800  }
0x1af: {  	[tilespmem:s1], [sflag:$0xD] =	stream.linear.gather [hbm4b:s23+s31], $0x10, $0x38;
	[tilespmem:$0xB870] =	vst v63  }
0x1b0: {  	_ =	swait.ge [sflag:s0], $0x10  }
0x1b1: {  	[sflag:s0] =	ssyncset.done $0x0  }
0x1b2: {  	[sflag:s0] =	ssyncadd.s32 $0xFFFFFFF0  }
0x1b3: {  	[spmem:s26] =	stream.indirect.scatter [tilespmem:s21], [sflag:$0x4], $0x80, s1, s2, $0xb8;
	[tilespmem:$0xB870] =	vst v63  }
0x1b4: {  	_ =	swait.ge [sflag:s3], $0x800  }
0x1b5: {  	[sflag:s3] =	ssyncset.done $0x0  }
0x1b6: {  	s23 =	rddreg [dreg:$0xc];
	[sflag:s3] =	ssyncadd.s32 $0xFFFFF800  }
0x1b7: {  	[tilespmem:s1], [sflag:$0xD] =	stream.linear.gather [hbm4b:s23+s31], $0x10, $0x38;
	[tilespmem:$0xB870] =	vst v63  }
0x1b8: {  	_ =	swait.ge [sflag:s0], $0x10  }
0x1b9: {  	[sflag:s0] =	ssyncset.done $0x0  }
0x1ba: {  	[sflag:s0] =	ssyncadd.s32 $0xFFFFFFF0  }
0x1bb: {  	[spmem:s26] =	stream.indirect.scatter [tilespmem:s21], [sflag:$0x4], $0x80, s1, s2, $0xb8;
	[tilespmem:$0xB870] =	vst v63  }
0x1bc: {  	_ =	swait.ge [sflag:s3], $0x800  }
0x1bd: {  	[sflag:s3] =	ssyncset.done $0x0  }
0x1be: {  	s23 =	rddreg [dreg:$0xd];
	[sflag:s3] =	ssyncadd.s32 $0xFFFFF800  }
0x1bf: {  	[tilespmem:s1], [sflag:$0xD] =	stream.linear.gather [hbm4b:s23+s31], $0x10, $0x38;
	[tilespmem:$0xB870] =	vst v63  }
0x1c0: {  	_ =	swait.ge [sflag:s0], $0x10  }
0x1c1: {  	[sflag:s0] =	ssyncset.done $0x0  }
0x1c2: {  	[sflag:s0] =	ssyncadd.s32 $0xFFFFFFF0  }
0x1c3: {  	[spmem:s26] =	stream.indirect.scatter [tilespmem:s21], [sflag:$0x4], $0x80, s1, s2, $0xb8;
	[tilespmem:$0xB870] =	vst v63  }
0x1c4: {  	_ =	swait.ge [sflag:s3], $0x800  }
0x1c5: {  	[sflag:s3] =	ssyncset.done $0x0  }
0x1c6: {  	s23 =	rddreg [dreg:$0xe];
	[sflag:s3] =	ssyncadd.s32 $0xFFFFF800  }
0x1c7: {  	[tilespmem:s1], [sflag:$0xD] =	stream.linear.gather [hbm4b:s23+s31], $0x10, $0x38;
	[tilespmem:$0xB870] =	vst v63  }
0x1c8: {  	_ =	swait.ge [sflag:s0], $0x10  }
0x1c9: {  	[sflag:s0] =	ssyncset.done $0x0  }
0x1ca: {  	[sflag:s0] =	ssyncadd.s32 $0xFFFFFFF0  }
0x1cb: {  	[spmem:s26] =	stream.indirect.scatter [tilespmem:s21], [sflag:$0x4], $0x80, s1, s2, $0xb8;
	[tilespmem:$0xB870] =	vst v63  }
0x1cc: {  	_ =	swait.ge [sflag:s3], $0x800  }
0x1cd: {  	[sflag:s3] =	ssyncset.done $0x0  }
0x1ce: {  	s23 =	rddreg [dreg:$0xf];
	[sflag:s3] =	ssyncadd.s32 $0xFFFFF800  }
0x1cf: {  	[tilespmem:s1], [sflag:$0xD] =	stream.linear.gather [hbm4b:s23+s31], $0x10, $0x38;
	[tilespmem:$0xB870] =	vst v63  }
0x1d0: {  	_ =	swait.ge [sflag:s0], $0x10  }
0x1d1: {  	[sflag:s0] =	ssyncset.done $0x0  }
0x1d2: {  	[sflag:s0] =	ssyncadd.s32 $0xFFFFFFF0  }
0x1d3: {  	[spmem:s26] =	stream.indirect.scatter [tilespmem:s21], [sflag:$0x4], $0x80, s1, s2, $0xb8;
	[tilespmem:$0xB870] =	vst v63  }
0x1d4: {  	_ =	swait.ge [sflag:s3], $0x800  }
0x1d5: {  	[sflag:s3] =	ssyncset.done $0x0  }
0x1d6: {  	s23 =	rddreg [dreg:$0x10];
	[sflag:s3] =	ssyncadd.s32 $0xFFFFF800  }
0x1d7: {  	[tilespmem:s1], [sflag:$0xD] =	stream.linear.gather [hbm4b:s23+s31], $0x10, $0x38;
	[tilespmem:$0xB870] =	vst v63  }
0x1d8: {  	_ =	swait.ge [sflag:s0], $0x10  }
0x1d9: {  	[sflag:s0] =	ssyncset.done $0x0  }
0x1da: {  	[sflag:s0] =	ssyncadd.s32 $0xFFFFFFF0  }
0x1db: {  	[spmem:s26] =	stream.indirect.scatter [tilespmem:s21], [sflag:$0x4], $0x80, s1, s2, $0xb8;
	[tilespmem:$0xB870] =	vst v63  }
0x1dc: {  	_ =	swait.ge [sflag:s3], $0x800  }
0x1dd: {  	[sflag:s3] =	ssyncset.done $0x0  }
0x1de: {  	s23 =	rddreg [dreg:$0x11];
	[sflag:s3] =	ssyncadd.s32 $0xFFFFF800  }
0x1df: {  	[tilespmem:s1], [sflag:$0xD] =	stream.linear.gather [hbm4b:s23+s31], $0x10, $0x38;
	[tilespmem:$0xB870] =	vst v63  }
0x1e0: {  	_ =	swait.ge [sflag:s0], $0x10  }
0x1e1: {  	[sflag:s0] =	ssyncset.done $0x0  }
0x1e2: {  	[sflag:s0] =	ssyncadd.s32 $0xFFFFFFF0  }
0x1e3: {  	[spmem:s26] =	stream.indirect.scatter [tilespmem:s21], [sflag:$0x4], $0x80, s1, s2, $0xb8;
	[tilespmem:$0xB870] =	vst v63  }
0x1e4: {  	_ =	swait.ge [sflag:s3], $0x800  }
0x1e5: {  	[sflag:s3] =	ssyncset.done $0x0  }
0x1e6: {  	s23 =	rddreg [dreg:$0x12];
	[sflag:s3] =	ssyncadd.s32 $0xFFFFF800  }
0x1e7: {  	[tilespmem:s1], [sflag:$0xD] =	stream.linear.gather [hbm4b:s23+s31], $0x10, $0x38;
	[tilespmem:$0xB870] =	vst v63  }
0x1e8: {  	_ =	swait.ge [sflag:s0], $0x10  }
0x1e9: {  	[sflag:s0] =	ssyncset.done $0x0  }
0x1ea: {  	[sflag:s0] =	ssyncadd.s32 $0xFFFFFFF0  }
0x1eb: {  	[spmem:s26] =	stream.indirect.scatter [tilespmem:s21], [sflag:$0x4], $0x80, s1, s2, $0xb8;
	[tilespmem:$0xB870] =	vst v63  }
0x1ec: {  	_ =	swait.ge [sflag:s3], $0x800  }
0x1ed: {  	[sflag:s3] =	ssyncset.done $0x0  }
0x1ee: {  	s23 =	rddreg [dreg:$0x13];
	[sflag:s3] =	ssyncadd.s32 $0xFFFFF800  }
0x1ef: {  	[tilespmem:s1], [sflag:$0xD] =	stream.linear.gather [hbm4b:s23+s31], $0x10, $0x38;
	[tilespmem:$0xB870] =	vst v63  }
0x1f0: {  	_ =	swait.ge [sflag:s0], $0x10  }
0x1f1: {  	[sflag:s0] =	ssyncset.done $0x0  }
0x1f2: {  	[sflag:s0] =	ssyncadd.s32 $0xFFFFFFF0  }
0x1f3: {  	[spmem:s26] =	stream.indirect.scatter [tilespmem:s21], [sflag:$0x4], $0x80, s1, s2, $0xb8;
	[tilespmem:$0xB870] =	vst v63  }
0x1f4: {  	_ =	swait.ge [sflag:s3], $0x800  }
0x1f5: {  	[sflag:s3] =	ssyncset.done $0x0  }
0x1f6: {  	s23 =	rddreg [dreg:$0x14];
	[sflag:s3] =	ssyncadd.s32 $0xFFFFF800  }
0x1f7: {  	[tilespmem:s1], [sflag:$0xD] =	stream.linear.gather [hbm4b:s23+s31], $0x10, $0x38;
	[tilespmem:$0xB870] =	vst v63  }
0x1f8: {  	_ =	swait.ge [sflag:s0], $0x10  }
0x1f9: {  	[sflag:s0] =	ssyncset.done $0x0  }
0x1fa: {  	[sflag:s0] =	ssyncadd.s32 $0xFFFFFFF0  }
0x1fb: {  	[spmem:s26] =	stream.indirect.scatter [tilespmem:s21], [sflag:$0x4], $0x80, s1, s2, $0xb8;
	[tilespmem:$0xB870] =	vst v63  }
0x1fc: {  	_ =	swait.ge [sflag:s3], $0x800  }
0x1fd: {  	[sflag:s3] =	ssyncset.done $0x0  }
0x1fe: {  	[sflag:s3] =	ssyncadd.s32 $0xFFFFF800  }
0x1ff: {  	[tilespmem:s1], [sflag:$0xD] =	stream.linear.gather [hbm4b:s20+s31], $0x10, $0x38;
	[tilespmem:$0xB870] =	vst v63  }
0x200: {  	_ =	swait.ge [sflag:s0], $0x10  }
0x201: {  	[sflag:s0] =	ssyncset.done $0x0  }
0x202: {  	[sflag:s0] =	ssyncadd.s32 $0xFFFFFFF0  }
0x203: {  	[spmem:s26] =	stream.indirect.scatter [tilespmem:s21], [sflag:$0x4], $0x80, s1, s2, $0xb8;
	[tilespmem:$0xB870] =	vst v63  }
0x204: {  	_ =	swait.ge [sflag:s3], $0x800  }
0x205: {  	[sflag:s3] =	ssyncset.done $0x0  }
0x206: {  	s23 =	rddreg [dreg:$0x16];
	[sflag:s3] =	ssyncadd.s32 $0xFFFFF800  }
0x207: {  	[tilespmem:s1], [sflag:$0xD] =	stream.linear.gather [hbm4b:s23+s31], $0x10, $0x38;
	[tilespmem:$0xB870] =	vst v63  }
0x208: {  	_ =	swait.ge [sflag:s0], $0x10  }
0x209: {  	[sflag:s0] =	ssyncset.done $0x0  }
0x20a: {  	[sflag:s0] =	ssyncadd.s32 $0xFFFFFFF0  }
0x20b: {  	[spmem:s26] =	stream.indirect.scatter [tilespmem:s21], [sflag:$0x4], $0x80, s1, s2, $0xb8;
	[tilespmem:$0xB870] =	vst v63  }
0x20c: {  	_ =	swait.ge [sflag:s3], $0x800  }
0x20d: {  	[sflag:s3] =	ssyncset.done $0x0  }
0x20e: {  	[sflag:s3] =	ssyncadd.s32 $0xFFFFF800  }
0x20f: {  	[bflag:$0x0] =	sbarrier.arrive $0xFFFF  }
0x210: {  	s22 =	sld [smem:$0x7FB];
	_ =	sdelay $0x1  }
0x211: {  	s23 =	sld [smem:$0x7FA]  }
0x212: {  	[tilespmem:s31], [sflag:$0x7] =	stream.linear.gather [hbm4b:s22+s31], $0x10, $0x38;
	[tilespmem:$0xB870] =	vst v63  }
0x213: {  	s22 =	sld [smem:$0x7FC]  }
0x214: {  	[tilespmem:s2], [sflag:$0x8] =	stream.linear.gather [hbm4b:s23+s31], $0x10, $0x38;
	[tilespmem:$0xB870] =	vst v63  }
0x215: {  	s23 =	sld [smem:$0x7F4]  }
0x216: {  	[tilespmem:s4], [sflag:$0x9] =	stream.linear.gather [hbm4b:s22+s31], $0x10, $0x38;
	[tilespmem:$0xB870] =	vst v63  }
0x217: {  	_ = 	snop  }
0x218: {  	[tilespmem:s5], [sflag:$0xA] =	stream.linear.gather [hbm4b:s23+s31], $0x10, $0x38;
	[tilespmem:$0xB870] =	vst v63  }
0x219: {  	_ =	swait.ge [sflag:s6], $0x10  }
0x21a: {  	[sflag:s6] =	ssyncset.done $0x0  }
0x21b: {  	s20 =	simm.s32 $0x0;
	[sflag:s6] =	ssyncadd.s32 $0xFFFFFFF0  }
0x21c: {  	[tilespmem:s21], [sflag:$0x1] =	stream.indirect.gather [hbm4b:s30+s2], $0x80, s31, s2, $0xb8;
	[tilespmem:$0xB870] =	vst v63  }
.LBB2_2:
0x21d: {  	p0 =	seq.s32 s20, $0x0  }
0x21e: {  	s22 =	simm.s32 @!p0 $0x5  }
0x21f: {  	_ =	swait.ge @!p0 [sflag:s22], $0x800  }
0x220: {  	[sflag:s22] =	ssyncset.done @!p0 $0x0  }
0x221: {  	[sflag:s22] =	ssyncadd.s32 @!p0 $0xFFFFF800  }
0x222: {  	_ =	swait.ge [sflag:s7], $0x10  }
0x223: {  	[sflag:s7] =	ssyncset.done $0x0  }
0x224: {  	s23 =	sadd.s32 s20, s29;
	[sflag:s7] =	ssyncadd.s32 $0xFFFFFFF0  }
0x225: {  	[tilespmem:s8], [sflag:$0xB] =	stream.linear.gather [hbm4b:s23+s31], $0x10, $0x38;
	[tilespmem:$0xB870] =	vst v63  }
0x226: {  	_ = 	snop  }
0x227: {  	[tilespmem:s9], [sflag:$0x2] =	stream.indirect.gather [hbm4b:s30+s2], $0x80, s2, s2, $0xb8;
	[tilespmem:$0xB870] =	vst v63  }
0x228: {  	_ =	swait.ge [sflag:s10], $0x800  }
0x229: {  	[sflag:s10] =	ssyncset.done $0x0  }
0x22a: {  	[sflag:s10] =	ssyncadd.s32 $0xFFFFF800  }
0x22b: {  	_ =	swait.ge [sflag:s11], $0x10  }
0x22c: {  	p0 =	seq.s32 s20, $0x522;
	[sflag:s11] =	ssyncset.done $0x0  }
0x22d: {  	p1 =	seq.s32 @!p0 s20, $0x0;
	[sflag:s11] =	ssyncadd.s32 $0xFFFFFFF0  }
0x22e: {  	[spmem:s26] =	stream.indirect.scatter.add.f32 [tilespmem:s21], [sflag:$0x4], $0x80, s5, s2, $0xb8;
	[tilespmem:$0xB870] =	vst v63  }
0x22f: {  	s22 =	sadd.s32 @!p0 s20, s24;
	p1 =	por p0, !p1;
	s23 =	simm.s32 @!p0 $0x0  }
0x230: {  	[tilespmem:s23], [sflag:$0x7] =	stream.linear.gather @!p0 [hbm4b:s22+s23], $0x10, $0x38;
	[tilespmem:$0xB870] =	vst v63  }
0x231: {  	_ =	swait.ge @p1 [sflag:s19], $0x800  }
0x232: {  	[sflag:s19] =	ssyncset.done @p1 $0x0  }
0x233: {  	[sflag:s19] =	ssyncadd.s32 @p1 $0xFFFFF800  }
0x234: {  	_ =	swait.ge [sflag:s12], $0x10  }
0x235: {  	[sflag:s12] =	ssyncset.done $0x0  }
0x236: {  	s23 =	sadd.s32 s20, s28;
	[sflag:s12] =	ssyncadd.s32 $0xFFFFFFF0  }
0x237: {  	[tilespmem:s13], [sflag:$0xC] =	stream.linear.gather [hbm4b:s23+s31], $0x10, $0x38;
	[tilespmem:$0xB870] =	vst v63  }
0x238: {  	_ = 	snop  }
0x239: {  	[tilespmem:s14], [sflag:$0x3] =	stream.indirect.gather [hbm4b:s30+s2], $0x80, s4, s2, $0xb8;
	[tilespmem:$0xB870] =	vst v63  }
0x23a: {  	_ =	swait.ge [sflag:s15], $0x800  }
0x23b: {  	[sflag:s15] =	ssyncset.done $0x0  }
.Ltmp2:
0x23c: {  	[sflag:s15] =	ssyncadd.s32 $0xFFFFF800;
	(pc) =	sbr.rel @p0 .LBB2_4-.Ltmp2, $4  }
0x23d: {  	_ =	swait.ge [sflag:s16], $0x10  }
0x23e: {  	[sflag:s16] =	ssyncset.done $0x0  }
0x23f: {  	[sflag:s16] =	ssyncadd.s32 $0xFFFFFFF0  }
0x240: {  	[spmem:s26] =	stream.indirect.scatter.add.f32 [tilespmem:s9], [sflag:$0x5], $0x80, s8, s2, $0xb8;
	[tilespmem:$0xB870] =	vst v63  }
0x241: {  	s22 =	sld [smem:$0x7F6];
	_ =	sdelay $0x2  }
0x242: {  	s22 =	sadd.s32 s20, s22  }
0x243: {  	[tilespmem:s2], [sflag:$0x8] =	stream.linear.gather [hbm4b:s22+s31], $0x10, $0x38;
	[tilespmem:$0xB870] =	vst v63  }
0x244: {  	_ =	swait.ge [sflag:s3], $0x800  }
0x245: {  	[sflag:s3] =	ssyncset.done $0x0  }
0x246: {  	[sflag:s3] =	ssyncadd.s32 $0xFFFFF800  }
0x247: {  	_ =	swait.ge [sflag:s6], $0x10  }
0x248: {  	s23 =	sld [smem:$0x7F7];
	_ =	sdelay $0x1  }
0x249: {  	[sflag:s6] =	ssyncset.done $0x0  }
0x24a: {  	[sflag:s6] =	ssyncadd.s32 $0xFFFFFFF0;
	s22 =	sadd.s32 s20, s23  }
0x24b: {  	[tilespmem:s5], [sflag:$0xA] =	stream.linear.gather [hbm4b:s22+s31], $0x10, $0x38;
	[tilespmem:$0xB870] =	vst v63  }
0x24c: {  	_ = 	snop  }
0x24d: {  	[tilespmem:s21], [sflag:$0x1] =	stream.indirect.gather [hbm4b:s30+s2], $0x80, s31, s2, $0xb8;
	[tilespmem:$0xB870] =	vst v63  }
0x24e: {  	_ =	swait.ge [sflag:s17], $0x800  }
0x24f: {  	[sflag:s17] =	ssyncset.done $0x0  }
0x250: {  	[sflag:s17] =	ssyncadd.s32 $0xFFFFF800  }
0x251: {  	_ =	swait.ge [sflag:s18], $0x10  }
.Ltmp3:
0x252: {  	[sflag:s18] =	ssyncset.done $0x0;
	s23 =	sld [smem:$0x7F5];
	(pc) =	sbr.rel .LBB2_2-.Ltmp3, $4  }
0x253: {  	[sflag:s18] =	ssyncadd.s32 $0xFFFFFFF0  }
0x254: {  	[spmem:s26] =	stream.indirect.scatter.add.f32 [tilespmem:s14], [sflag:$0x6], $0x80, s13, s2, $0xb8;
	[tilespmem:$0xB870] =	vst v63  }
0x255: {  	s22 =	sadd.s32 s20, s23;
	s20 =	sadd.s32 $0x6, s20  }
0x256: {  	[tilespmem:s4], [sflag:$0x9] =	stream.linear.gather [hbm4b:s22+s31], $0x10, $0x38;
	[tilespmem:$0xB870] =	vst v63  }
.LBB2_5:
0x257: {  	_ =	sfence.sel $0x180000  }
0x258: {  	[bflag:$0x0] =	sbarrier.arrive $0xFFFF  }
0x259: {  	_ =	strace $0x9000004D  }
0x25a: {  	s0 =	stileid.u32;
	[bflag:$0x2] =	sbarrier.arrive $0xFFFF  }
0x25b: {  	p0 =	sne.s32 s0, $0x0;
	s0 =	rddreg [dreg:$0x3]  }
0x25c: {  	s0 =	sadd.s32 @!p0 $0x100000, s0  }
0x25d: {  	[sflag:s0] =	ssyncadd.tile.s32 @!p0 $0x1;
	_ =	shalt  }
.Lfunc_end2:
_tile_overlayer_lowered:
.L_overlay_start_2:
0x25e: {  	(tag) =	ssettag $0x2  }
0x25f: {  	s0 =	rddreg [dreg:$0x0];
	s2 =	stileid.u32  }
0x260: {  	s1 =	rddreg [dreg:$0x1];
	p0 =	sne.s32 s2, $0x0  }
0x261: {  	s3 =	rddreg [dreg:$0x2];
	[bflag:$0x3] =	sbarrier.arrive $0xFFFF;
	s2 =	simm.s32 @!p0 $0x1C0D  }
0x262: {  	[timem:s3], [sflag:s2] =	dma.local @!p0 [hbm:s0], s1  }
0x263: {  	s0 =	simm.s32 @!p0 $0xD  }
0x264: {  	_ =	swait.ge @!p0 [sflag:s0], s1  }
0x265: {  	s1 =	ssub.s32 @!p0 $0x0, s1;
	[sflag:s0] =	ssyncset.done @!p0 $0x0  }
0x266: {  	[sflag:s0] =	ssyncadd.s32 @!p0 s1  }
0x267: {  	[bflag:$0x3] =	sbarrier.arrive $0xFFFF  }
0x268: {  	_ =	shalt  }

// kernel: gather_offload_async_start.1
scs
__scs_entry_jumppad:
0x0: {  	(pc) =	sbr.rel $0x88, $3  }
0x1: {  	(tag) =	ssettag $0x0;
	lr =	simm.s32 $0x1  }
0x2: {  	[smem:$0x3F97] =	sst lr;
	_ =	strace $0xD0000000  }
0x3: {  	_ = 	snop  }
0x4: {  	_ = 	snop  }
0x5: {  	_ = 	snop  }
0x6: {  	_ = 	snop  }
0x7: {  	_ = 	snop  }
__scs_overlays_trampoline_lowered:
0x8: {  	[smem:$0x3FA6] =	sst s0  }
0x9: {  	[smem:$0x3FA7] =	sst s1  }
0xa: {  	[smem:$0x3FA8] =	sst s2  }
0xb: {  	[smem:$0x3FA9] =	sst s3  }
0xc: {  	[smem:$0x3FAA] =	sst s4  }
0xd: {  	[smem:$0x3FAB] =	sst s5  }
0xe: {  	[smem:$0x3FAC] =	sst s6  }
0xf: {  	[smem:$0x3FAD] =	sst s7  }
0x10: {  	[smem:$0x3FAE] =	sst s8  }
0x11: {  	[smem:$0x3FAF] =	sst s9;
	s0 =	simm.s32 @!p0 $0x0  }
0x12: {  	s1 =	sld [smem:$0x3F95];
	s0 =	simm.s32 @p0 $0x1  }
0x13: {  	[smem:$0x3FB0] =	sst s0;
	s0 =	simm.s32 @!p1 $0x0  }
0x14: {  	s2 =	sld [smem:$0x3F94];
	s0 =	simm.s32 @p1 $0x1  }
0x15: {  	[smem:$0x3FB1] =	sst s0;
	s0 =	simm.s32 @!p2 $0x0  }
0x16: {  	s3 =	sld [smem:$0x3FDB];
	s0 =	simm.s32 @p2 $0x1  }
0x17: {  	s4 =	simm.s32 $0x1BF5;
	[smem:$0x3FB3] =	sst s0  }
0x18: {  	s0 =	sld [smem:$0x3F96];
	_ =	swait.ge [sflag:s4], $0x0  }
0x19: {  	s7 =	sld [smem:$0x3F97]  }
0x1a: {  	s8 =	sadd.s32 $0xFFFFE003, lr  }
0x1b: {  	s9 =	sadd.s32 $0xFFFFFEF7, lr;
	s5 =	simm.s32 $0xFFFFFFFF;
	p2 =	slt.u32 s8, $0xFFFFF086  }
0x1c: {  	p1 =	slt.u32 s9, $0xF7A;
	s5 =	simm.s32 @!p2 $0x0  }
0x1d: {  	s5 =	simm.s32 @p1 $0x1;
	p0 =	seq.s32 s7, s2  }
0x1e: {  	s7 =	smul.u32 @!p0 $0xF7A, s2;
	p2 =	seq.s32 @!p0 s5, $0x0  }
0x1f: {  	s9 =	smul.u32 $0xF7A, s1;
	s8 =	simm.s32 @!p0 $0x1BF5;
	p2 =	por !p2, p0  }
0x20: {  	[sflag:s8] =	ssyncset.s32 @!p0 $0xFFFFF086;
	s6 =	sadd.s32 @!p0 s3, s7;
	s7 =	simm.s32 @!p0 $0x108  }
0x21: {  	s3 =	sadd.s32 s3, s9;
	s6 =	sadd.s32 @!p0 $0x88, s6;
	s7 =	simm.s32 @p2 $0x1082  }
0x22: {  	[simem:s7], [sflag:s8] =	dma.local @!p0 [hbm:s6], $0xF7A  }
0x23: {  	s9 =	sor.u32 $0xD0000000, s2;
	s6 =	simm.s32 $0x108;
	_ =	swait.ge @!p0 [sflag:s8], $0x0  }
0x24: {  	s3 =	sadd.s32 $0x88, s3;
	s6 =	simm.s32 @!p1 $0x1082;
	[sflag:s4] =	ssyncset.s32 $0xFFFFF086  }
0x25: {  	[simem:s6], [sflag:s4] =	dma.local [hbm:s3], $0xF7A  }
0x26: {  	[smem:$0x3F97] =	sst s1;
	(tag) =	ssettag s2;
	_ =	strace s9  }
0x27: {  	s1 =	sld [smem:$0x3FA7]  }
0x28: {  	s2 =	sld [smem:$0x3FA8]  }
0x29: {  	s4 =	sld [smem:$0x3FAA]  }
0x2a: {  	p0 =	seq.s32 s5, $0x0;
	s5 =	sld [smem:$0x3FAB]  }
0x2b: {  	s6 =	sld [smem:$0x3FAC]  }
0x2c: {  	s7 =	sld [smem:$0x3FAD]  }
0x2d: {  	s3 =	simm.s32 $0x108;
	s8 =	sld [smem:$0x3FAE]  }
0x2e: {  	s3 =	simm.s32 @!p0 $0x1082;
	s9 =	sld [smem:$0x3FAF]  }
0x2f: {  	lr =	sadd.s32 s0, s3;
	s0 =	sld [smem:$0x3FA6]  }
0x30: {  	s3 =	sld [smem:$0x3FA9]  }
0x31: {  	[smem:$0x3FB2] =	sst s10  }
0x32: {  	s10 =	sld [smem:$0x3FB0];
	_ =	sdelay $0x3  }
0x33: {  	p0 =	seq.s32 s10, $0x1;
	s10 =	sld [smem:$0x3FB2];
	_ =	sdelay $0x3  }
0x34: {  	[smem:$0x3FB2] =	sst s10  }
0x35: {  	s10 =	sld [smem:$0x3FB1];
	_ =	sdelay $0x3  }
0x36: {  	p1 =	seq.s32 s10, $0x1;
	s10 =	sld [smem:$0x3FB2];
	_ =	sdelay $0x3  }
0x37: {  	[smem:$0x3FB2] =	sst s10  }
0x38: {  	s10 =	sld [smem:$0x3FB3]  }
0x39: {  	_ = 	snop;
	(pc) =	sbr.ind lr, $3  }
0x3a: {  	_ = 	snop  }
0x3b: {  	_ = 	snop  }
0x3c: {  	p2 =	seq.s32 s10, $0x1;
	s10 =	sld [smem:$0x3FB2]  }
0x3d: {  	_ =	shalt  }
0x3e: {  	_ =	shalt  }
0x3f: {  	_ =	shalt  }
0x40: {  	_ =	shalt  }
0x41: {  	_ =	shalt  }
0x42: {  	_ =	shalt  }
0x43: {  	_ =	shalt  }
0x44: {  	_ =	shalt  }
0x45: {  	_ =	shalt  }
0x46: {  	_ =	shalt  }
0x47: {  	_ =	shalt  }
0x48: {  	_ =	shalt  }
0x49: {  	_ =	shalt  }
0x4a: {  	_ =	shalt  }
0x4b: {  	_ =	shalt  }
0x4c: {  	_ =	shalt  }
0x4d: {  	_ =	shalt  }
0x4e: {  	_ =	shalt  }
0x4f: {  	_ =	shalt  }
0x50: {  	_ =	shalt  }
0x51: {  	_ =	shalt  }
0x52: {  	_ =	shalt  }
0x53: {  	_ =	shalt  }
0x54: {  	_ =	shalt  }
0x55: {  	_ =	shalt  }
0x56: {  	_ =	shalt  }
0x57: {  	_ =	shalt  }
0x58: {  	_ =	shalt  }
0x59: {  	_ =	shalt  }
0x5a: {  	_ =	shalt  }
0x5b: {  	_ =	shalt  }
0x5c: {  	_ =	shalt  }
0x5d: {  	_ =	shalt  }
0x5e: {  	_ =	shalt  }
0x5f: {  	_ =	shalt  }
0x60: {  	_ =	shalt  }
0x61: {  	_ =	shalt  }
0x62: {  	_ =	shalt  }
0x63: {  	_ =	shalt  }
0x64: {  	_ =	shalt  }
0x65: {  	_ =	shalt  }
0x66: {  	_ =	shalt  }
0x67: {  	_ =	shalt  }
0x68: {  	_ =	shalt  }
0x69: {  	_ =	shalt  }
0x6a: {  	_ =	shalt  }
0x6b: {  	_ =	shalt  }
0x6c: {  	_ =	shalt  }
0x6d: {  	_ =	shalt  }
0x6e: {  	_ =	shalt  }
0x6f: {  	_ =	shalt  }
0x70: {  	_ =	shalt  }
0x71: {  	_ =	shalt  }
0x72: {  	_ =	shalt  }
0x73: {  	_ =	shalt  }
0x74: {  	_ =	shalt  }
0x75: {  	_ =	shalt  }
0x76: {  	_ =	shalt  }
0x77: {  	_ =	shalt  }
0x78: {  	_ =	shalt  }
0x79: {  	_ =	shalt  }
0x7a: {  	_ =	shalt  }
0x7b: {  	_ =	shalt  }
0x7c: {  	_ =	shalt  }
0x7d: {  	_ =	shalt  }
0x7e: {  	_ =	shalt  }
0x7f: {  	_ =	shalt  }
0x80: {  	_ =	shalt  }
0x81: {  	_ =	shalt  }
0x82: {  	_ =	shalt  }
0x83: {  	_ =	shalt  }
0x84: {  	_ =	shalt  }
0x85: {  	_ =	shalt  }
0x86: {  	_ =	shalt  }
0x87: {  	_ =	shalt  }
.Lfunc_end0:
.L_simem_size_0:
called_computation.1_lowered:
.L_overlay_start_0:
0x88: {  	s2 =	sld [smem:$0x3FD9]  }
0x89: {  	s3 =	sld [smem:$0x3FFE];
	_ =	sdelay $0x1  }
0x8a: {  	s1 =	srdreg.scid  }
0x8b: {  	s0 =	sand.u32 $0x1, s1  }
0x8c: {  	s16 =	sshll.u32 s0, $0xA;
	s2 =	sadd.s32 s3, s2  }
0x8d: {  	s2 =	sadd.s32 s2, s16  }
0x8e: {  	[smem:$0x3FBE] =	sst s2  }
0x8f: {  	_ = 	snop  }
0x90: {  	(tm) =	ssettm $0x1  }
0x91: {  	s17 =	sld [smem:$0x3FFB];
	_ =	sdelay $0x3  }
0x92: {  	_ =	strace s17  }
0x93: {  	s2 =	sld [smem:$0x3FFC];
	_ =	sdelay $0x3  }
0x94: {  	_ =	strace s2  }
0x95: {  	s2 =	sld [smem:$0x3FFD];
	_ =	sdelay $0x3  }
0x96: {  	_ =	strace s2  }
0x97: {  	_ =	strace $0x8FFFFFFF  }
0x98: {  	s18 =	sld [smem:$0x3FDB];
	_ =	sdelay $0x1  }
0x99: {  	s19 =	simm.s32 $_scs_section_size  }
0x9a: {  	s4 =	simm.s32 $_size__tile_overlayer_lowered;
	s5 =	simm.s32 $_tile_overlayer_lowered  }
0x9b: {  	s22 =	simm.s32 $0x1BFF;
	s21 =	sshll.u32 s5, $0x1;
	s2 =	sadd.s32 s19, s18  }
0x9c: {  	s6 =	simm.s32 $0x0;
	s20 =	sshll.u32 s4, $0x1;
	s4 =	sadd.s32 s21, s2  }
0x9d: {  	[timem:s6], [sflag:s22] =	dma.local [hbm:s4], s20  }
0x9e: {  	_ =	swait.ge [sflag:s22], s20  }
0x9f: {  	s3 =	ssub.s32 $0x0, s20;
	[sflag:s22] =	ssyncset.done $0x0  }
0xa0: {  	[sflag:s22] =	ssyncadd.s32 s3;
	_ =	sdelay $0x1  }
0xa1: {  	s23 =	simm.s32 $0x1B8B  }
0xa2: {  	_ =	swait.ge [sflag:s23], $0x1  }
0xa3: {  	[sflag:s23] =	ssyncset.done $0x0  }
0xa4: {  	s25 =	simm.s32 $0x1B8E;
	s24 =	sld [smem:$0x3FFE];
	[sflag:s23] =	ssyncadd.s32 $0xFFFFFFFF  }
0xa5: {  	s26 =	simm.s32 $execute0_lowered;
	[smem:$0x3FD2] =	sst s25  }
0xa6: {  	s4 =	sshll.u32 s26, $0x1;
	_ =	strace $0x80000046;
	[dreg:$0x1] =	wrdreg $0xFFFFFFFF  }
0xa7: {  	s28 =	simm.s32 $_size_execute0_lowered;
	s2 =	sadd.s32 s2, s4;
	[dreg:$0x0] =	wrdreg $0x0  }
0xa8: {  	s4 =	sshll.u32 s28, $0x1;
	[dreg:$0x2] =	wrdreg s2  }
0xa9: {  	[dreg:$0x3] =	wrdreg s4  }
0xaa: {  	[dreg:$0x4] =	wrdreg $0xC0  }
0xab: {  	_ =	task [dreg:s6], $0x5FFFF  }
0xac: {  	[dreg:$0x1] =	wrdreg $0xFFFFFFFF  }
0xad: {  	[dreg:$0x0] =	wrdreg $0x60  }
0xae: {  	[dreg:$0x2] =	wrdreg s24  }
0xaf: {  	[dreg:$0x3] =	wrdreg $0x9  }
0xb0: {  	_ =	task.clear_ibuf [dreg:s6], $0x4FFFF;
	_ =	strace $0x90000046  }
0xb1: {  	s29 =	simm.s32 $0x9;
	_ =	strace $0x80000048  }
0xb2: {  	_ =	swait.ge [sflag:s29], $0x1  }
0xb3: {  	[sflag:s29] =	ssyncadd.s32 $0xFFFFFFFF  }
0xb4: {  	_ =	strace $0x90000048  }
0xb5: {  	_ =	sfence  }
0xb6: {  	s30 =	sld [smem:$0x0];
	_ =	sdelay $0x2  }
0xb7: {  	s31 =	sshll.u32 s1, $0xD;
	s1 =	sshrl.u32 s1, $0x2  }
0xb8: {  	s3 =	sand.u32 $0x4000, s31;
	s1 =	sadd.s32 s1, s30  }
0xb9: {  	s0 =	sor.u32 s3, s0;
	s1 =	sshll.u32 s1, $0x11  }
0xba: {  	s0 =	sor.u32 s1, s0  }
0xbb: {  	s0 =	sadd.s32 $0x8F2B, s0  }
0xbc: {  	[sflag:s0] =	ssyncadd.remote.s32 $0x1  }
0xbd: {  	_ =	sfence.sel $0xFFFF  }
0xbe: {  	[dreg:$0x0] =	wrdreg $0xFFFFFFFF;
	(pc) =	sbr.abs _section_cstart, $3  }
0xbf: {  	[dreg:$0x1] =	wrdreg $0xFFFFFFFF  }
0xc0: {  	_ =	task.clear_ibuf [dreg:s6], $0x2FFFF;
	_ =	strace $0x9FFFFFFF  }
0xc1: {  	(tm) =	ssettm $0x7FFFFFFF  }
tec
execute0_lowered:
.L_overlay_start_1:
0x0: {  	(tag) =	ssettag $0x1  }
0x1: {  	s8 =	rddreg [dreg:$0x0]  }
0x2: {  	s0 =	rddreg [dreg:$0x1];
	_ =	strace $0x80000047;
	s1 =	stileid.u32  }
0x3: {  	s3 =	srdreg.scid;
	s4 =	simm.s32 $0x1;
	s7 =	simm.s32 $0x1  }
0x4: {  	s9 =	simm.s32 $0x1;
	s10 =	simm.s32 $0x3;
	s13 =	simm.s32 $0x0  }
0x5: {  	s12 =	simm.s32 $0x0;
	s5 =	sand.u32 $0x1, s3;
	s6 =	sshll.u32 s1, $0x1  }
0x6: {  	s2 =	sadd.s32 $0x3A00, s8;
	s3 =	sadd.s32 $0x35A00, s8;
	s5 =	sor.u32 s6, s5  }
.Ltmp0:
0x7: {  	[sflag:s4] =	ssyncpa.u1 $0x0;
	p0 =	slt.u32 s5, $0x9;
	(pc) =	sbr.rel .LBB2_1-.Ltmp0, $4  }
0x8: {  	s6 =	simm.s32 $0x2;
	s7 =	simm.s32 @!p0 $0x0;
	p0 =	sne.s32 s5, $0x8  }
0x9: {  	[sflag:s6] =	ssyncpa.u1 $0x0;
	s5 =	smul.u32 $0x1F40, s5;
	s9 =	simm.s32 @!p0 $0x0  }
0xa: {  	s8 =	sadd.s32 $0x6A000, s8;
	[sflag:s10] =	ssyncpa.u1 $0x0;
	s7 =	sadd.s32 s9, s7  }
0xb: {  	vm0 =	vmmov $0xffff;
	s10 =	simm.s32 $0x0;
	s11 =	smov.u32 s5;
	s9 =	sadd.s32 $0x1, s7  }
.LBB2_4:
0xc: {  	v2 =	vnsel vm1, $0x0, v2  }
0xd: {  	vm1 =	vgt.s32 v0, $0x0;
	v2 =	vmin.u32 v2, $0x4E1FF  }
0xe: {  	v0 =	vnsel vm1, $0x0, v0  }
0xf: {  	v0 =	vmin.u32 v0, $0x4E1FF  }
0x10: {  	[tilespmem:s18], [sflag:$0x1] =	stream.indirect_vreg.gather [hbm4b:s2+s10], $0x1, v1, vm0, $0x4038;
	[tilespmem:$0x7D00] =	vst v63  }
0x11: {  	(ifvalue) =	ssetifvalue $0x7FFFFFFF  }
0x12: {  	[tilespmem:s15], [sflag:$0x1] =	stream.indirect_vreg.gather [hbm4b:s2+s10], $0x1, v2, vm0, $0x4038;
	[tilespmem:$0x7D00] =	vst v63  }
0x13: {  	s29 =	sadd.s32 $0x10, s15;
	(ifvalue) =	ssetifvalue $0x7FFFFFFF  }
0x14: {  	[tilespmem:s29], [sflag:$0x1] =	stream.indirect_vreg.gather [hbm4b:s2+s10], $0x1, v0, vm0, $0x4038;
	[tilespmem:$0x7D00] =	vst v63  }
0x15: {  	_ =	swait.ge [sflag:s4], $0x1F40  }
0x16: {  	s30 =	sshrl.u32 s13, $0x3;
	[sflag:s4] =	ssyncset.done $0x0  }
0x17: {  	s31 =	sand.u32 $0x7, s13;
	s15 =	sadd.s32 s8, s30;
	[sflag:s4] =	ssyncadd.s32 $0xFFFFE0C0  }
0x18: {  	[hbm4b:s15+s31] =	stream.linear.scatter [tilespmem:s14], [sflag:$0x3], $0x1F40, $0x38;
	[tilespmem:$0x7D00] =	vst v63  }
.LBB2_5:
0x19: {  	s15 =	sadd.s32 $0x3E800, s11  }
0x1a: {  	p1 =	sgt.s32 s15, $0x4E1FF  }
0x1b: {  	s15 =	smov.u32 @p1 s5;
	p1 =	sne.s32 s12, s9  }
.Ltmp1:
0x1c: {  	p0 =	slt.u32 s12, $0x2;
	(pc) =	sbr.rel @!p1 .LBB2_6-.Ltmp1, $4  }
0x1d: {  	s14 =	simm.s32 @!p0 $0x3  }
0x1e: {  	_ =	swait.ge @!p0 [sflag:s14], $0x1F40  }
0x1f: {  	s16 =	sadd.s32 $0x1, s12;
	s13 =	smov.u32 s11;
	[sflag:s14] =	ssyncset.done @!p0 $0x0  }
0x20: {  	s12 =	smov.u32 s16;
	s11 =	smov.u32 s15;
	[sflag:s14] =	ssyncadd.s32 @!p0 $0xFFFFE0C0  }
.LBB2_1:
0x21: {  	p0 =	sge.u32 s12, s7  }
0x22: {  	s14 =	sxor.u32 @!p0 $0x1, s12  }
0x23: {  	s14 =	smul.u32 @!p0 $0x7D00, s14  }
0x24: {  	s31 =	sadd.s32 $0xFFFFFFFF, s12;
	s15 =	sshrl.u32 @!p0 s11, $0x3  }
0x25: {  	s16 =	sand.u32 @!p0 $0x7, s11;
	s15 =	sadd.s32 @!p0 s3, s15;
	s14 =	sshra.s32 @!p0 s14, $0x2  }
0x26: {  	[tilespmem:s14], [sflag:$0x2] =	stream.linear.gather @!p0 [hbm4b:s15+s16], $0x1F40, $0x38;
	[tilespmem:$0x7D00] =	vst v63  }
0x27: {  	p0 =	sge.u32 s31, s7  }
.Ltmp2:
0x28: {  	_ = 	snop;
	(pc) =	sbr.rel @p0 .LBB2_5-.Ltmp2, $1  }
0x29: {  	_ =	sdelay $0x3  }
0x2a: {  	s14 =	sand.u32 $0x1, s12  }
0x2b: {  	_ =	swait.ge [sflag:s6], $0x1F40;
	p0 =	seq.s32 s14, $0x1;
	s14 =	simm.s32 $0x1F40  }
0x2c: {  	[sflag:s6] =	ssyncset.done $0x0;
	s14 =	simm.s32 @!p0 $0x0  }
0x2d: {  	[sflag:s6] =	ssyncadd.s32 $0xFFFFE0C0;
	(ifvalue) =	ssetifvalue $0x7FFFFFFF;
	v0 =	vld.msk [tilespmem:s14+$0x0 ss:$0x1], $0xffff;
	_ =	sdelay $0x4  }
0x2e: {  	s15 =	sadd.s32 $0x10, s14;
	vm1 =	vgt.s32 v0, $0x0  }
0x2f: {  	v2 =	vld.msk [tilespmem:s15+$0x0 ss:$0x1], $0xffff;
	v1 =	vnsel vm1, $0x0, v0  }
0x30: {  	v1 =	vmin.u32 v1, $0x4E1FF;
	_ =	sdelay $0x2  }
0x31: {  	s17 =	simm.s32 $0x20;
	s14 =	sadd.s32 $0x3E80, s14;
	s16 =	sadd.s32 $0x10, s15  }
0x32: {  	s15 =	sadd.s32 $0x10, s14;
	s18 =	smov.u32 s14;
	v0 =	vld.msk [tilespmem:s16+$0x0 ss:$0x1], $0xffff;
	vm1 =	vgt.s32 v2, $0x0;
	(ifvalue) =	ssetifvalue $0x7FFFFFFF  }
.LBB2_3:
0x33: {  	[tilespmem:s18], [sflag:$0x1] =	stream.indirect_vreg.gather [hbm4b:s2+s10], $0x1, v1, vm0, $0x4038;
	[tilespmem:$0x7D00] =	vst v63  }
0x34: {  	s17 =	sadd.s32 $0x10, s17  }
0x35: {  	v2 =	vnsel vm1, $0x0, v2;
	p0 =	slt.u32 s17, $0x1F30  }
.Ltmp3:
0x36: {  	s18 =	smov.u32 s15;
	v1 =	vmin.u32 v2, $0x4E1FF;
	(pc) =	sbr.rel @p0 .LBB2_3-.Ltmp3, $3  }
0x37: {  	_ =	sdelay $0x1  }
0x38: {  	s16 =	sadd.s32 $0x10, s16  }
0x39: {  	vm1 =	vgt.s32 v0, $0x0;
	s15 =	sadd.s32 $0x10, s15;
	v2 =	vmov v0;
	(ifvalue) =	ssetifvalue $0x7FFFFFFF;
	v0 =	vld.msk [tilespmem:s16+$0x0 ss:$0x1], $0xffff  }
.Ltmp4:
0x3a: {  	_ = 	snop;
	(pc) =	sbr.rel .LBB2_4-.Ltmp4, $1  }
0x3b: {  	_ =	sdelay $0x3  }
.LBB2_6:
0x3c: {  	_ =	sfence.sel $0x180000  }
0x3d: {  	s2 =	simm.s32 $0x2;
	[bflag:$0x0] =	sbarrier.arrive $0xFFFF  }
0x3e: {  	s30 =	simm.s32 $0x3;
	[sflag:s2] =	ssyncpa.u1 $0x1  }
0x3f: {  	s31 =	simm.s32 $0x1;
	[sflag:s30] =	ssyncpa.u1 $0x1  }
0x40: {  	[sflag:s31] =	ssyncpa.u1 $0x1  }
0x41: {  	p0 =	sne.s32 s1, $0x0;
	_ =	strace $0x90000047  }
0x42: {  	s0 =	sadd.s32 @!p0 $0x100000, s0;
	[bflag:$0x2] =	sbarrier.arrive $0xFFFF  }
0x43: {  	[sflag:s0] =	ssyncadd.tile.s32 @!p0 $0x1;
	_ =	shalt  }
.Lfunc_end2:
_tile_overlayer_lowered:
.L_overlay_start_2:
0x44: {  	(tag) =	ssettag $0x2  }
0x45: {  	s0 =	rddreg [dreg:$0x0];
	s2 =	stileid.u32  }
0x46: {  	s1 =	rddreg [dreg:$0x1];
	p0 =	sne.s32 s2, $0x0  }
0x47: {  	s3 =	rddreg [dreg:$0x2];
	[bflag:$0x3] =	sbarrier.arrive $0xFFFF;
	s2 =	simm.s32 @!p0 $0x1C01  }
0x48: {  	[timem:s3], [sflag:s2] =	dma.local @!p0 [hbm:s0], s1  }
0x49: {  	s0 =	simm.s32 @!p0 $0x1  }
0x4a: {  	_ =	swait.ge @!p0 [sflag:s0], s1  }
0x4b: {  	s1 =	ssub.s32 @!p0 $0x0, s1;
	[sflag:s0] =	ssyncset.done @!p0 $0x0  }
0x4c: {  	[sflag:s0] =	ssyncadd.s32 @!p0 s1  }
0x4d: {  	[bflag:$0x3] =	sbarrier.arrive $0xFFFF  }
0x4e: {  	_ =	shalt  }

// kernel: gather_offload_async_start
scs
__scs_entry_jumppad:
0x0: {  	(pc) =	sbr.rel $0x88, $3  }
0x1: {  	(tag) =	ssettag $0x0;
	lr =	simm.s32 $0x1  }
0x2: {  	[smem:$0x3F97] =	sst lr;
	_ =	strace $0xD0000000  }
0x3: {  	_ = 	snop  }
0x4: {  	_ = 	snop  }
0x5: {  	_ = 	snop  }
0x6: {  	_ = 	snop  }
0x7: {  	_ = 	snop  }
__scs_overlays_trampoline_lowered:
0x8: {  	[smem:$0x3FA6] =	sst s0  }
0x9: {  	[smem:$0x3FA7] =	sst s1  }
0xa: {  	[smem:$0x3FA8] =	sst s2  }
0xb: {  	[smem:$0x3FA9] =	sst s3  }
0xc: {  	[smem:$0x3FAA] =	sst s4  }
0xd: {  	[smem:$0x3FAB] =	sst s5  }
0xe: {  	[smem:$0x3FAC] =	sst s6  }
0xf: {  	[smem:$0x3FAD] =	sst s7  }
0x10: {  	[smem:$0x3FAE] =	sst s8  }
0x11: {  	[smem:$0x3FAF] =	sst s9;
	s0 =	simm.s32 @!p0 $0x0  }
0x12: {  	s1 =	sld [smem:$0x3F95];
	s0 =	simm.s32 @p0 $0x1  }
0x13: {  	[smem:$0x3FB0] =	sst s0;
	s0 =	simm.s32 @!p1 $0x0  }
0x14: {  	s2 =	sld [smem:$0x3F94];
	s0 =	simm.s32 @p1 $0x1  }
0x15: {  	[smem:$0x3FB1] =	sst s0;
	s0 =	simm.s32 @!p2 $0x0  }
0x16: {  	s3 =	sld [smem:$0x3FDB];
	s0 =	simm.s32 @p2 $0x1  }
0x17: {  	s4 =	simm.s32 $0x1BF5;
	[smem:$0x3FB3] =	sst s0  }
0x18: {  	s0 =	sld [smem:$0x3F96];
	_ =	swait.ge [sflag:s4], $0x0  }
0x19: {  	s7 =	sld [smem:$0x3F97]  }
0x1a: {  	s8 =	sadd.s32 $0xFFFFE003, lr  }
0x1b: {  	s9 =	sadd.s32 $0xFFFFFEF7, lr;
	s5 =	simm.s32 $0xFFFFFFFF;
	p2 =	slt.u32 s8, $0xFFFFF086  }
0x1c: {  	p1 =	slt.u32 s9, $0xF7A;
	s5 =	simm.s32 @!p2 $0x0  }
0x1d: {  	s5 =	simm.s32 @p1 $0x1;
	p0 =	seq.s32 s7, s2  }
0x1e: {  	s7 =	smul.u32 @!p0 $0xF7A, s2;
	p2 =	seq.s32 @!p0 s5, $0x0  }
0x1f: {  	s9 =	smul.u32 $0xF7A, s1;
	s8 =	simm.s32 @!p0 $0x1BF5;
	p2 =	por !p2, p0  }
0x20: {  	[sflag:s8] =	ssyncset.s32 @!p0 $0xFFFFF086;
	s6 =	sadd.s32 @!p0 s3, s7;
	s7 =	simm.s32 @!p0 $0x108  }
0x21: {  	s3 =	sadd.s32 s3, s9;
	s6 =	sadd.s32 @!p0 $0x88, s6;
	s7 =	simm.s32 @p2 $0x1082  }
0x22: {  	[simem:s7], [sflag:s8] =	dma.local @!p0 [hbm:s6], $0xF7A  }
0x23: {  	s9 =	sor.u32 $0xD0000000, s2;
	s6 =	simm.s32 $0x108;
	_ =	swait.ge @!p0 [sflag:s8], $0x0  }
0x24: {  	s3 =	sadd.s32 $0x88, s3;
	s6 =	simm.s32 @!p1 $0x1082;
	[sflag:s4] =	ssyncset.s32 $0xFFFFF086  }
0x25: {  	[simem:s6], [sflag:s4] =	dma.local [hbm:s3], $0xF7A  }
0x26: {  	[smem:$0x3F97] =	sst s1;
	(tag) =	ssettag s2;
	_ =	strace s9  }
0x27: {  	s1 =	sld [smem:$0x3FA7]  }
0x28: {  	s2 =	sld [smem:$0x3FA8]  }
0x29: {  	s4 =	sld [smem:$0x3FAA]  }
0x2a: {  	p0 =	seq.s32 s5, $0x0;
	s5 =	sld [smem:$0x3FAB]  }
0x2b: {  	s6 =	sld [smem:$0x3FAC]  }
0x2c: {  	s7 =	sld [smem:$0x3FAD]  }
0x2d: {  	s3 =	simm.s32 $0x108;
	s8 =	sld [smem:$0x3FAE]  }
0x2e: {  	s3 =	simm.s32 @!p0 $0x1082;
	s9 =	sld [smem:$0x3FAF]  }
0x2f: {  	lr =	sadd.s32 s0, s3;
	s0 =	sld [smem:$0x3FA6]  }
0x30: {  	s3 =	sld [smem:$0x3FA9]  }
0x31: {  	[smem:$0x3FB2] =	sst s10  }
0x32: {  	s10 =	sld [smem:$0x3FB0];
	_ =	sdelay $0x3  }
0x33: {  	p0 =	seq.s32 s10, $0x1;
	s10 =	sld [smem:$0x3FB2];
	_ =	sdelay $0x3  }
0x34: {  	[smem:$0x3FB2] =	sst s10  }
0x35: {  	s10 =	sld [smem:$0x3FB1];
	_ =	sdelay $0x3  }
0x36: {  	p1 =	seq.s32 s10, $0x1;
	s10 =	sld [smem:$0x3FB2];
	_ =	sdelay $0x3  }
0x37: {  	[smem:$0x3FB2] =	sst s10  }
0x38: {  	s10 =	sld [smem:$0x3FB3]  }
0x39: {  	_ = 	snop;
	(pc) =	sbr.ind lr, $3  }
0x3a: {  	_ = 	snop  }
0x3b: {  	_ = 	snop  }
0x3c: {  	p2 =	seq.s32 s10, $0x1;
	s10 =	sld [smem:$0x3FB2]  }
0x3d: {  	_ =	shalt  }
0x3e: {  	_ =	shalt  }
0x3f: {  	_ =	shalt  }
0x40: {  	_ =	shalt  }
0x41: {  	_ =	shalt  }
0x42: {  	_ =	shalt  }
0x43: {  	_ =	shalt  }
0x44: {  	_ =	shalt  }
0x45: {  	_ =	shalt  }
0x46: {  	_ =	shalt  }
0x47: {  	_ =	shalt  }
0x48: {  	_ =	shalt  }
0x49: {  	_ =	shalt  }
0x4a: {  	_ =	shalt  }
0x4b: {  	_ =	shalt  }
0x4c: {  	_ =	shalt  }
0x4d: {  	_ =	shalt  }
0x4e: {  	_ =	shalt  }
0x4f: {  	_ =	shalt  }
0x50: {  	_ =	shalt  }
0x51: {  	_ =	shalt  }
0x52: {  	_ =	shalt  }
0x53: {  	_ =	shalt  }
0x54: {  	_ =	shalt  }
0x55: {  	_ =	shalt  }
0x56: {  	_ =	shalt  }
0x57: {  	_ =	shalt  }
0x58: {  	_ =	shalt  }
0x59: {  	_ =	shalt  }
0x5a: {  	_ =	shalt  }
0x5b: {  	_ =	shalt  }
0x5c: {  	_ =	shalt  }
0x5d: {  	_ =	shalt  }
0x5e: {  	_ =	shalt  }
0x5f: {  	_ =	shalt  }
0x60: {  	_ =	shalt  }
0x61: {  	_ =	shalt  }
0x62: {  	_ =	shalt  }
0x63: {  	_ =	shalt  }
0x64: {  	_ =	shalt  }
0x65: {  	_ =	shalt  }
0x66: {  	_ =	shalt  }
0x67: {  	_ =	shalt  }
0x68: {  	_ =	shalt  }
0x69: {  	_ =	shalt  }
0x6a: {  	_ =	shalt  }
0x6b: {  	_ =	shalt  }
0x6c: {  	_ =	shalt  }
0x6d: {  	_ =	shalt  }
0x6e: {  	_ =	shalt  }
0x6f: {  	_ =	shalt  }
0x70: {  	_ =	shalt  }
0x71: {  	_ =	shalt  }
0x72: {  	_ =	shalt  }
0x73: {  	_ =	shalt  }
0x74: {  	_ =	shalt  }
0x75: {  	_ =	shalt  }
0x76: {  	_ =	shalt  }
0x77: {  	_ =	shalt  }
0x78: {  	_ =	shalt  }
0x79: {  	_ =	shalt  }
0x7a: {  	_ =	shalt  }
0x7b: {  	_ =	shalt  }
0x7c: {  	_ =	shalt  }
0x7d: {  	_ =	shalt  }
0x7e: {  	_ =	shalt  }
0x7f: {  	_ =	shalt  }
0x80: {  	_ =	shalt  }
0x81: {  	_ =	shalt  }
0x82: {  	_ =	shalt  }
0x83: {  	_ =	shalt  }
0x84: {  	_ =	shalt  }
0x85: {  	_ =	shalt  }
0x86: {  	_ =	shalt  }
0x87: {  	_ =	shalt  }
.Lfunc_end0:
.L_simem_size_0:
called_computation_lowered:
.L_overlay_start_0:
0x88: {  	s2 =	sld [smem:$0x3FD9]  }
0x89: {  	s3 =	sld [smem:$0x3FFE];
	_ =	sdelay $0x1  }
0x8a: {  	s1 =	srdreg.scid  }
0x8b: {  	s0 =	sand.u32 $0x1, s1  }
0x8c: {  	s17 =	sshll.u32 s0, $0xA;
	s2 =	sadd.s32 s3, s2  }
0x8d: {  	s2 =	sadd.s32 s2, s17  }
0x8e: {  	[smem:$0x3FBE] =	sst s2  }
0x8f: {  	_ = 	snop  }
0x90: {  	s2 =	sld [smem:$0x3FD0];
	(tm) =	ssettm $0x1  }
0x91: {  	s18 =	sld [smem:$0x3FFB];
	_ =	sdelay $0x3  }
0x92: {  	_ =	strace s18  }
0x93: {  	s3 =	sld [smem:$0x3FFC];
	_ =	sdelay $0x3  }
0x94: {  	_ =	strace s3  }
0x95: {  	s3 =	sld [smem:$0x3FFD];
	_ =	sdelay $0x3  }
0x96: {  	_ =	strace s3  }
0x97: {  	_ =	strace $0x8FFFFFFF  }
0x98: {  	s19 =	sld [smem:$0x3FDB];
	_ =	sdelay $0x1  }
0x99: {  	s4 =	simm.s32 $_scs_section_size  }
0x9a: {  	s5 =	simm.s32 $_size__tile_overlayer_lowered;
	s6 =	simm.s32 $_tile_overlayer_lowered  }
0x9b: {  	s22 =	simm.s32 $0x1BFF;
	s21 =	sshll.u32 s6, $0x1;
	s3 =	sadd.s32 s4, s19  }
0x9c: {  	s7 =	simm.s32 $0x0;
	s20 =	sshll.u32 s5, $0x1;
	s5 =	sadd.s32 s21, s3  }
0x9d: {  	[timem:s7], [sflag:s22] =	dma.local [hbm:s5], s20  }
0x9e: {  	_ =	swait.ge [sflag:s22], s20  }
0x9f: {  	s4 =	ssub.s32 $0x0, s20;
	[sflag:s22] =	ssyncset.done $0x0  }
0xa0: {  	[sflag:s22] =	ssyncadd.s32 s4;
	_ =	sdelay $0x1  }
0xa1: {  	s23 =	simm.s32 $0x1B8B  }
0xa2: {  	_ =	swait.ge [sflag:s23], $0x1  }
0xa3: {  	[sflag:s23] =	ssyncset.done $0x0  }
0xa4: {  	s25 =	simm.s32 $0x1B8E;
	s24 =	sld [smem:$0x3FFE];
	[sflag:s23] =	ssyncadd.s32 $0xFFFFFFFF  }
0xa5: {  	s26 =	simm.s32 $execute0_lowered;
	[smem:$0x3FD2] =	sst s25  }
0xa6: {  	s5 =	sshll.u32 s26, $0x1;
	_ =	strace $0x80000049;
	[dreg:$0x1] =	wrdreg $0xFFFFFFFF  }
0xa7: {  	s28 =	simm.s32 $_size_execute0_lowered;
	s3 =	sadd.s32 s3, s5;
	[dreg:$0x0] =	wrdreg $0x0  }
0xa8: {  	s5 =	sshll.u32 s28, $0x1;
	[dreg:$0x2] =	wrdreg s3  }
0xa9: {  	[dreg:$0x3] =	wrdreg s5  }
0xaa: {  	[dreg:$0x4] =	wrdreg $0xC0  }
0xab: {  	_ =	task [dreg:s7], $0x5FFFF  }
0xac: {  	[dreg:$0x1] =	wrdreg $0xFFFFFFFF  }
0xad: {  	[dreg:$0x0] =	wrdreg $0x60  }
0xae: {  	[dreg:$0x2] =	wrdreg s2  }
0xaf: {  	[dreg:$0x3] =	wrdreg s24  }
0xb0: {  	[dreg:$0x4] =	wrdreg $0x9  }
0xb1: {  	_ =	task.clear_ibuf [dreg:s7], $0x5FFFF;
	_ =	strace $0x90000049  }
0xb2: {  	s29 =	simm.s32 $0x9;
	_ =	strace $0x8000004B  }
0xb3: {  	_ =	swait.ge [sflag:s29], $0x1  }
0xb4: {  	[sflag:s29] =	ssyncadd.s32 $0xFFFFFFFF  }
0xb5: {  	_ =	strace $0x9000004B  }
0xb6: {  	_ =	sfence  }
0xb7: {  	s30 =	sld [smem:$0x0];
	_ =	sdelay $0x2  }
0xb8: {  	s31 =	sshll.u32 s1, $0xD;
	s1 =	sshrl.u32 s1, $0x2  }
0xb9: {  	s3 =	sand.u32 $0x4000, s31;
	s1 =	sadd.s32 s1, s30  }
0xba: {  	s0 =	sor.u32 s3, s0;
	s1 =	sshll.u32 s1, $0x11  }
0xbb: {  	s0 =	sor.u32 s1, s0  }
0xbc: {  	s0 =	sadd.s32 $0x8F2B, s0  }
0xbd: {  	[sflag:s0] =	ssyncadd.remote.s32 $0x1  }
0xbe: {  	_ =	sfence.sel $0xFFFF  }
0xbf: {  	[dreg:$0x0] =	wrdreg $0xFFFFFFFF;
	(pc) =	sbr.abs _section_cstart, $3  }
0xc0: {  	[dreg:$0x1] =	wrdreg $0xFFFFFFFF  }
0xc1: {  	_ =	task.clear_ibuf [dreg:s7], $0x2FFFF;
	_ =	strace $0x9FFFFFFF  }
0xc2: {  	(tm) =	ssettm $0x7FFFFFFF  }
0xc3: {  	_ =	shalt  }
tec
execute0_lowered:
.L_overlay_start_1:
0x0: {  	(tag) =	ssettag $0x1  }
0x1: {  	s2 =	rddreg [dreg:$0x0]  }
0x2: {  	s8 =	rddreg [dreg:$0x1]  }
0x3: {  	s0 =	rddreg [dreg:$0x2];
	s1 =	stileid.u32  }
0x4: {  	s3 =	srdreg.scid;
	_ =	strace $0x8000004A;
	s4 =	simm.s32 $0x1  }
0x5: {  	s7 =	simm.s32 $0x1;
	s9 =	simm.s32 $0x1;
	s10 =	simm.s32 $0x3  }
0x6: {  	s13 =	simm.s32 $0x0;
	s5 =	sand.u32 $0x1, s3;
	s6 =	sshll.u32 s1, $0x1  }
0x7: {  	s12 =	simm.s32 $0x0;
	s3 =	sadd.s32 $0x35A00, s8;
	s5 =	sor.u32 s6, s5  }
.Ltmp0:
0x8: {  	[sflag:s4] =	ssyncpa.u1 $0x0;
	p0 =	slt.u32 s5, $0x9;
	(pc) =	sbr.rel .LBB2_1-.Ltmp0, $4  }
0x9: {  	s6 =	simm.s32 $0x2;
	s7 =	simm.s32 @!p0 $0x0;
	p0 =	sne.s32 s5, $0x8  }
0xa: {  	[sflag:s6] =	ssyncpa.u1 $0x0;
	s5 =	smul.u32 $0x1F40, s5;
	s9 =	simm.s32 @!p0 $0x0  }
0xb: {  	s8 =	sadd.s32 $0x6A000, s8;
	[sflag:s10] =	ssyncpa.u1 $0x0;
	s7 =	sadd.s32 s9, s7  }
0xc: {  	vm0 =	vmmov $0xffff;
	s10 =	simm.s32 $0x0;
	s11 =	smov.u32 s5;
	s9 =	sadd.s32 $0x1, s7  }
.LBB2_4:
0xd: {  	v2 =	vnsel vm1, $0x0, v2  }
0xe: {  	vm1 =	vgt.s32 v0, $0x0;
	v2 =	vmin.u32 v2, $0x4E1FF  }
0xf: {  	v0 =	vnsel vm1, $0x0, v0  }
0x10: {  	v0 =	vmin.u32 v0, $0x4E1FF  }
0x11: {  	[tilespmem:s18], [sflag:$0x1] =	stream.indirect_vreg.gather [hbm4b:s2+s10], $0x1, v1, vm0, $0x4038;
	[tilespmem:$0x7D00] =	vst v63  }
0x12: {  	(ifvalue) =	ssetifvalue $0x7FFFFFFF  }
0x13: {  	[tilespmem:s15], [sflag:$0x1] =	stream.indirect_vreg.gather [hbm4b:s2+s10], $0x1, v2, vm0, $0x4038;
	[tilespmem:$0x7D00] =	vst v63  }
0x14: {  	s29 =	sadd.s32 $0x10, s15;
	(ifvalue) =	ssetifvalue $0x7FFFFFFF  }
0x15: {  	[tilespmem:s29], [sflag:$0x1] =	stream.indirect_vreg.gather [hbm4b:s2+s10], $0x1, v0, vm0, $0x4038;
	[tilespmem:$0x7D00] =	vst v63  }
0x16: {  	_ =	swait.ge [sflag:s4], $0x1F40  }
0x17: {  	s30 =	sshrl.u32 s13, $0x3;
	[sflag:s4] =	ssyncset.done $0x0  }
0x18: {  	s31 =	sand.u32 $0x7, s13;
	s15 =	sadd.s32 s8, s30;
	[sflag:s4] =	ssyncadd.s32 $0xFFFFE0C0  }
0x19: {  	[hbm4b:s15+s31] =	stream.linear.scatter [tilespmem:s14], [sflag:$0x3], $0x1F40, $0x38;
	[tilespmem:$0x7D00] =	vst v63  }
.LBB2_5:
0x1a: {  	s15 =	sadd.s32 $0x3E800, s11  }
0x1b: {  	p1 =	sgt.s32 s15, $0x4E1FF  }
0x1c: {  	s15 =	smov.u32 @p1 s5;
	p1 =	sne.s32 s12, s9  }
.Ltmp1:
0x1d: {  	p0 =	slt.u32 s12, $0x2;
	(pc) =	sbr.rel @!p1 .LBB2_6-.Ltmp1, $4  }
0x1e: {  	s14 =	simm.s32 @!p0 $0x3  }
0x1f: {  	_ =	swait.ge @!p0 [sflag:s14], $0x1F40  }
0x20: {  	s16 =	sadd.s32 $0x1, s12;
	s13 =	smov.u32 s11;
	[sflag:s14] =	ssyncset.done @!p0 $0x0  }
0x21: {  	s12 =	smov.u32 s16;
	s11 =	smov.u32 s15;
	[sflag:s14] =	ssyncadd.s32 @!p0 $0xFFFFE0C0  }
.LBB2_1:
0x22: {  	p0 =	sge.u32 s12, s7  }
0x23: {  	s14 =	sxor.u32 @!p0 $0x1, s12  }
0x24: {  	s14 =	smul.u32 @!p0 $0x7D00, s14  }
0x25: {  	s31 =	sadd.s32 $0xFFFFFFFF, s12;
	s15 =	sshrl.u32 @!p0 s11, $0x3  }
0x26: {  	s16 =	sand.u32 @!p0 $0x7, s11;
	s15 =	sadd.s32 @!p0 s3, s15;
	s14 =	sshra.s32 @!p0 s14, $0x2  }
0x27: {  	[tilespmem:s14], [sflag:$0x2] =	stream.linear.gather @!p0 [hbm4b:s15+s16], $0x1F40, $0x38;
	[tilespmem:$0x7D00] =	vst v63  }
0x28: {  	p0 =	sge.u32 s31, s7  }
.Ltmp2:
0x29: {  	_ = 	snop;
	(pc) =	sbr.rel @p0 .LBB2_5-.Ltmp2, $1  }
0x2a: {  	_ =	sdelay $0x3  }
0x2b: {  	s14 =	sand.u32 $0x1, s12  }
0x2c: {  	_ =	swait.ge [sflag:s6], $0x1F40;
	p0 =	seq.s32 s14, $0x1;
	s14 =	simm.s32 $0x1F40  }
0x2d: {  	[sflag:s6] =	ssyncset.done $0x0;
	s14 =	simm.s32 @!p0 $0x0  }
0x2e: {  	[sflag:s6] =	ssyncadd.s32 $0xFFFFE0C0;
	(ifvalue) =	ssetifvalue $0x7FFFFFFF;
	v0 =	vld.msk [tilespmem:s14+$0x0 ss:$0x1], $0xffff;
	_ =	sdelay $0x4  }
0x2f: {  	s15 =	sadd.s32 $0x10, s14;
	vm1 =	vgt.s32 v0, $0x0  }
0x30: {  	v2 =	vld.msk [tilespmem:s15+$0x0 ss:$0x1], $0xffff;
	v1 =	vnsel vm1, $0x0, v0  }
0x31: {  	v1 =	vmin.u32 v1, $0x4E1FF;
	_ =	sdelay $0x2  }
0x32: {  	s17 =	simm.s32 $0x20;
	s14 =	sadd.s32 $0x3E80, s14;
	s16 =	sadd.s32 $0x10, s15  }
0x33: {  	s15 =	sadd.s32 $0x10, s14;
	s18 =	smov.u32 s14;
	v0 =	vld.msk [tilespmem:s16+$0x0 ss:$0x1], $0xffff;
	vm1 =	vgt.s32 v2, $0x0;
	(ifvalue) =	ssetifvalue $0x7FFFFFFF  }
.LBB2_3:
0x34: {  	[tilespmem:s18], [sflag:$0x1] =	stream.indirect_vreg.gather [hbm4b:s2+s10], $0x1, v1, vm0, $0x4038;
	[tilespmem:$0x7D00] =	vst v63  }
0x35: {  	s17 =	sadd.s32 $0x10, s17  }
0x36: {  	v2 =	vnsel vm1, $0x0, v2;
	p0 =	slt.u32 s17, $0x1F30  }
.Ltmp3:
0x37: {  	s18 =	smov.u32 s15;
	v1 =	vmin.u32 v2, $0x4E1FF;
	(pc) =	sbr.rel @p0 .LBB2_3-.Ltmp3, $3  }
0x38: {  	_ =	sdelay $0x1  }
0x39: {  	s16 =	sadd.s32 $0x10, s16  }
0x3a: {  	vm1 =	vgt.s32 v0, $0x0;
	s15 =	sadd.s32 $0x10, s15;
	v2 =	vmov v0;
	(ifvalue) =	ssetifvalue $0x7FFFFFFF;
	v0 =	vld.msk [tilespmem:s16+$0x0 ss:$0x1], $0xffff  }
.Ltmp4:
0x3b: {  	_ = 	snop;
	(pc) =	sbr.rel .LBB2_4-.Ltmp4, $1  }
0x3c: {  	_ =	sdelay $0x3  }
.LBB2_6:
0x3d: {  	_ =	sfence.sel $0x180000  }
0x3e: {  	s2 =	simm.s32 $0x2;
	[bflag:$0x0] =	sbarrier.arrive $0xFFFF  }
0x3f: {  	s30 =	simm.s32 $0x3;
	[sflag:s2] =	ssyncpa.u1 $0x1  }
0x40: {  	s31 =	simm.s32 $0x1;
	[sflag:s30] =	ssyncpa.u1 $0x1  }
0x41: {  	[sflag:s31] =	ssyncpa.u1 $0x1  }
0x42: {  	p0 =	sne.s32 s1, $0x0;
	_ =	strace $0x9000004A  }
0x43: {  	s0 =	sadd.s32 @!p0 $0x100000, s0;
	[bflag:$0x2] =	sbarrier.arrive $0xFFFF  }
0x44: {  	[sflag:s0] =	ssyncadd.tile.s32 @!p0 $0x1;
	_ =	shalt  }
.Lfunc_end2:
_tile_overlayer_lowered:
.L_overlay_start_2:
0x45: {  	(tag) =	ssettag $0x2  }
0x46: {  	s0 =	rddreg [dreg:$0x0];
	s2 =	stileid.u32  }
0x47: {  	s1 =	rddreg [dreg:$0x1];
	p0 =	sne.s32 s2, $0x0  }
0x48: {  	s3 =	rddreg [dreg:$0x2];
	[bflag:$0x3] =	sbarrier.arrive $0xFFFF;
	s2 =	simm.s32 @!p0 $0x1C01  }
0x49: {  	[timem:s3], [sflag:s2] =	dma.local @!p0 [hbm:s0], s1  }
0x4a: {  	s0 =	simm.s32 @!p0 $0x1  }
0x4b: {  	_ =	swait.ge @!p0 [sflag:s0], s1  }
0x4c: {  	s1 =	ssub.s32 @!p0 $0x0, s1;
	[sflag:s0] =	ssyncset.done @!p0 $0x0  }
0x4d: {  	[sflag:s0] =	ssyncadd.s32 @!p0 s1  }
0x4e: {  	[bflag:$0x3] =	sbarrier.arrive $0xFFFF  }
0x4f: {  	_ =	shalt  }

</sc_bundles>
